<compile_context>
chip_gen: v7x
topology: tpu7x:2x2x1
jax: 0.10.2.dev20260603
libtpu: 0.0.44.dev20260713+nightly
codegen_flags: <defaults>
</compile_context>

<pallas_src>
import functools

import jax
import jax.numpy as jnp
from jax import lax
from jax.experimental import pallas as pl
from jax.experimental.pallas import tpu as pltpu
from jax.experimental.pallas import tpu_sc as plsc

_N = 10000
_E = 320000
_D = 128
_G = 128
_O = 10
_EPS = 1e-5

_NC = 2
_NS = 16
_NW = _NC * _NS
_EPT = _E // _NW
_CH = 125
_NCH = _EPT // _CH
_NH = 2
_HCH = _NCH // _NH
_NP = 10112
_RPT = _NP // _NS
_DEGW = _D


def _mesh():
    return plsc.VectorSubcoreMesh(core_axis_name="c", subcore_axis_name="s")


def _sc_degree(dst, ones, zeros):

    @functools.partial(
        pl.kernel,
        mesh=_mesh(),
        out_type=jax.ShapeDtypeStruct((_NC * _NP, _DEGW), jnp.float32),
        scratch_types=[
            pltpu.VMEM((_NH, _HCH, _CH), jnp.int32),
            pltpu.VMEM((_CH, _DEGW), jnp.float32),
            pltpu.VMEM_SHARED((_NP, _DEGW), jnp.float32),
        ],
    )
    def k(dst_hbm, ones_hbm, zeros_hbm, out_hbm, dst_v, ones_v, acc):
        c = lax.axis_index("c")
        s = lax.axis_index("s")
        w = c * _NS + s
        pltpu.sync_copy(zeros_hbm.at[pl.ds(s * _RPT, _RPT)],
                        acc.at[pl.ds(s * _RPT, _RPT)])
        pltpu.sync_copy(dst_hbm.at[w], dst_v)
        pltpu.sync_copy(ones_hbm, ones_v)
        plsc.subcore_barrier()

        for h in range(_NH):
            def body(j, carry):
                pltpu.sync_copy(ones_v, acc.at[dst_v.at[h, j]], add=True)
                return carry

            lax.fori_loop(0, _HCH, body, 0)
        plsc.subcore_barrier()
        pltpu.sync_copy(acc.at[pl.ds(s * _RPT, _RPT)],
                        out_hbm.at[pl.ds(c * _NP + s * _RPT, _RPT)])

    return k(dst, ones, zeros)


def _sc_gather_scatter(y, src, dst, zeros):

    @functools.partial(
        pl.kernel,
        mesh=_mesh(),
        out_type=jax.ShapeDtypeStruct((_NC * _NP, _D), jnp.float32),
        scratch_types=[
            pltpu.VMEM((_HCH, _CH), jnp.int32),
            pltpu.VMEM((_HCH, _CH), jnp.int32),
            pltpu.VMEM((_CH, _D), jnp.float32),
            pltpu.VMEM((_CH, _D), jnp.float32),
            pltpu.VMEM_SHARED((_NP, _D), jnp.float32),
            pltpu.SemaphoreType.DMA,
            pltpu.SemaphoreType.DMA,
            pltpu.SemaphoreType.DMA,
            pltpu.SemaphoreType.DMA,
        ],
    )
    def k(y_hbm, src_hbm, dst_hbm, zeros_hbm, out_hbm,
          src_v, dst_v, rows0_v, rows1_v, acc, gsem0, gsem1, ssem0, ssem1):
        c = lax.axis_index("c")
        s = lax.axis_index("s")
        w = c * _NS + s
        rows = (rows0_v, rows1_v)
        gsems = (gsem0, gsem1)
        ssems = (ssem0, ssem1)

        def gather(j, b):
            pltpu.async_copy(y_hbm.at[src_v.at[j]], rows[b], gsems[b])

        def gather_wait(j, b):
            pltpu.make_async_copy(y_hbm.at[src_v.at[j]], rows[b],
                                  gsems[b]).wait()

        def scatter(j, b):
            pltpu.async_copy(rows[b], acc.at[dst_v.at[j]], ssems[b], add=True)

        def scatter_wait(j, b):
            pltpu.make_async_copy(rows[b], acc.at[dst_v.at[j]],
                                  ssems[b]).wait()

        for h in range(_NH):
            pltpu.sync_copy(src_hbm.at[w, h], src_v)
            pltpu.sync_copy(dst_hbm.at[w, h], dst_v)
            gather(0, 0)
            if h == 0:
                pltpu.sync_copy(zeros_hbm.at[pl.ds(s * _RPT, _RPT)],
                                acc.at[pl.ds(s * _RPT, _RPT)])
                plsc.subcore_barrier()

            def body(t, carry):
                for b in (0, 1):
                    cur = 2 * t + b
                    gather_wait(cur, b)
                    scatter(cur, b)
                    ob = 1 - b

                    @pl.when(cur >= 1)
                    def _():
                        scatter_wait(cur - 1, ob)

                    @pl.when(cur + 1 < _HCH)
                    def _():
                        gather(cur + 1, ob)
                return carry

            lax.fori_loop(0, _HCH // 2, body, 0)
            scatter_wait(_HCH - 1, (_HCH - 1) % 2)
        plsc.subcore_barrier()
        pltpu.sync_copy(acc.at[pl.ds(s * _RPT, _RPT)],
                        out_hbm.at[pl.ds(c * _NP + s * _RPT, _RPT)])

    return k(y, src, dst, zeros)


def _tc_prologue(degp, x, w0):

    def body(degp_ref, x_ref, w_ref, y_ref, dinv_ref):
        deg = degp_ref[0:_N, 0:1] + degp_ref[_NP:_NP + _N, 0:1] + 1.0
        dinv = lax.rsqrt(deg)
        xw = jnp.dot(x_ref[...], w_ref[...], preferred_element_type=jnp.float32)
        y_ref[...] = xw * dinv
        dinv_ref[...] = dinv

    return pl.pallas_call(
        body,
        out_shape=[
            jax.ShapeDtypeStruct((_N, _D), jnp.float32),
            jax.ShapeDtypeStruct((_N, 1), jnp.float32),
        ],
    )(degp, x, w0)


def _bn_relu(p_ref, y_ref, dinv_ref, b_ref, g_ref, be_ref):
    conv = ((p_ref[0:_N, :] + p_ref[_NP:_NP + _N, :] + y_ref[...])
            * dinv_ref[...] + b_ref[...])
    m = jnp.mean(conv, axis=0, keepdims=True)
    v = jnp.mean((conv - m) ** 2, axis=0, keepdims=True)
    h = (conv - m) * lax.rsqrt(v + _EPS) * g_ref[...] + be_ref[...]
    return jnp.maximum(h, 0.0)


def _tc_layer(p, y, dinv, b, g, be, wn):

    def body(p_ref, y_ref, dinv_ref, b_ref, g_ref, be_ref, w_ref, o_ref):
        h = _bn_relu(p_ref, y_ref, dinv_ref, b_ref, g_ref, be_ref)
        o_ref[...] = (jnp.dot(h, w_ref[...], preferred_element_type=jnp.float32)
                      * dinv_ref[...])

    return pl.pallas_call(
        body,
        out_shape=jax.ShapeDtypeStruct((_N, _D), jnp.float32),
    )(p, y, dinv, b.reshape(1, _D), g.reshape(1, _D), be.reshape(1, _D), wn)


def _tc_head(p, y, dinv, b, g, be, batch, lw1, lb1, lw2, lb2):

    def body(p_ref, y_ref, dinv_ref, b_ref, g_ref, be_ref, batch_ref,
             lw1_ref, lb1_ref, lw2_ref, lb2_ref, o_ref):
        h = _bn_relu(p_ref, y_ref, dinv_ref, b_ref, g_ref, be_ref)
        gid = lax.broadcasted_iota(jnp.int32, (_N, _G), 1)
        onehot = (batch_ref[...] == gid).astype(jnp.float32)
        xsum = lax.dot_general(onehot, h, (((0,), (0,)), ((), ())),
                               preferred_element_type=jnp.float32)
        ones_col = jnp.ones((_N, 1), jnp.float32)
        counts = lax.dot_general(onehot, ones_col, (((0,), (0,)), ((), ())),
                                 preferred_element_type=jnp.float32)
        xmean = xsum / jnp.maximum(counts, 1.0)
        z = jnp.concatenate([xmean, xsum], axis=1)
        z = jnp.maximum(
            lax.dot_general(z, lw1_ref[...], (((1,), (1,)), ((), ())),
                            preferred_element_type=jnp.float32) + lb1_ref[...],
            0.0)
        o_ref[...] = lax.dot_general(z, lw2_ref[...], (((1,), (1,)), ((), ())),
                                     preferred_element_type=jnp.float32) + lb2_ref[...]

    return pl.pallas_call(
        body,
        out_shape=jax.ShapeDtypeStruct((_G, _O), jnp.float32),
    )(p, y, dinv, b.reshape(1, _D), g.reshape(1, _D), be.reshape(1, _D),
      batch, lw1, lb1.reshape(1, _D), lw2, lb2.reshape(1, _O))


def kernel(x, edge_index, batch, W0, b0, g0, be0, W1, b1, g1, be1,
           W2, b2, g2, be2, lw1, lb1, lw2, lb2):
    src = edge_index[0].astype(jnp.int32).reshape(_NW, _NH, _HCH, _CH)
    dst = edge_index[1].astype(jnp.int32).reshape(_NW, _NH, _HCH, _CH)
    batch2 = batch.astype(jnp.int32).reshape(_N, 1)
    zeros_nd = jnp.zeros((_NP, _D), jnp.float32)
    ones_ch = jnp.ones((_CH, _DEGW), jnp.float32)

    degp = _sc_degree(dst, ones_ch, zeros_nd)
    y, dinv = _tc_prologue(degp, x, W0)
    p = _sc_gather_scatter(y, src, dst, zeros_nd)
    y = _tc_layer(p, y, dinv, b0, g0, be0, W1)
    p = _sc_gather_scatter(y, src, dst, zeros_nd)
    y = _tc_layer(p, y, dinv, b1, g1, be1, W2)
    p = _sc_gather_scatter(y, src, dst, zeros_nd)
    return _tc_head(p, y, dinv, b2, g2, be2, batch2, lw1, lb1, lw2, lb2)

# --- scband reference (transcript-rebuilt; emitter-appended) ---
"""Pipeline reference for scband-graph-classifier-61022895341869 (READ-ONLY COPY).

The authoritative reference and input builder live on the scoring server;
editing this copy changes nothing except your own understanding.
"""

import jax, jax.numpy as jnp
import numpy as np

N = 10000
E = 320000
D_IN = 128
D_H = 128
D_OUT = 10
G = 128
EPS = 1e-5


def _bn(x, gamma, beta):
    m = jnp.mean(x, axis=0)
    v = jnp.var(x, axis=0)
    return (x - m) / jnp.sqrt(v + EPS) * gamma + beta


def _gcn_conv(x, src, dst, norm, W, b, n):
    xw = x @ W
    msg = xw[src] * norm[:, None]
    out = jnp.zeros((n, W.shape[1]), x.dtype).at[dst].add(msg)
    return out + b


def setup_inputs(seed: int = 0) -> dict:
    key = jax.random.key(seed)
    ks = [jax.random.fold_in(key, i) for i in range(20)]
    inp = {}
    inp['x'] = jax.random.normal(ks[0], (N, D_IN), dtype=jnp.float32)
    inp['edge_index'] = jax.random.randint(ks[1], (2, E), 0, N, dtype=jnp.int64)
    inp['batch'] = jnp.sort(jax.random.randint(ks[2], (N,), 0, G, dtype=jnp.int64))
    dims = [(D_IN, D_H), (D_H, D_H), (D_H, D_H)]
    for i, (di, do) in enumerate(dims):
        inp[f'W{i}'] = jax.random.normal(ks[3 + i], (di, do), dtype=jnp.float32) * (1.0 / np.sqrt(di))
        inp[f'b{i}'] = jnp.zeros((do,), dtype=jnp.float32)
        inp[f'g{i}'] = jnp.ones((do,), dtype=jnp.float32)
        inp[f'be{i}'] = jnp.zeros((do,), dtype=jnp.float32)
    inp['lw1'] = jax.random.normal(ks[10], (D_H, 2 * D_H), dtype=jnp.float32) * (1.0 / np.sqrt(2 * D_H))
    inp['lb1'] = jnp.zeros((D_H,), dtype=jnp.float32)
    inp['lw2'] = jax.random.normal(ks[11], (D_OUT, D_H), dtype=jnp.float32) * (1.0 / np.sqrt(D_H))
    inp['lb2'] = jnp.zeros((D_OUT,), dtype=jnp.float32)
    return inp


def reference(x, edge_index, batch, W0, b0, g0, be0, W1, b1, g1, be1, W2, b2, g2, be2, lw1, lb1, lw2, lb2):
    n = x.shape[0]
    loop = jnp.arange(n, dtype=edge_index.dtype)
    src = jnp.concatenate([edge_index[0], loop])
    dst = jnp.concatenate([edge_index[1], loop])
    deg = jnp.zeros((n,), x.dtype).at[dst].add(1.0)
    dinv = jax.lax.rsqrt(deg)
    norm = dinv[src] * dinv[dst]
    h = x
    for W, b, g, be in ((W0, b0, g0, be0), (W1, b1, g1, be1), (W2, b2, g2, be2)):
        h = _gcn_conv(h, src, dst, norm, W, b, n)
        h = _bn(h, g, be)
        h = jax.nn.relu(h)
        # dropout is identity in eval mode
    counts = jax.ops.segment_sum(jnp.ones((n,), h.dtype), batch, num_segments=G)
    x_sum = jax.ops.segment_sum(h, batch, num_segments=G)
    x_mean = x_sum / jnp.maximum(counts, 1.0)[:, None]
    z = jnp.concatenate([x_mean, x_sum], axis=1)
    z = jax.nn.relu(z @ lw1.T + lb1)
    out = z @ lw2.T + lb2
    return out

if __name__ == "__main__":
    import jax
    _d = setup_inputs()
    print(jax.jit(kernel)(*tuple(_d.values())))

</pallas_src>

<mosaic_0001>
#map = affine_map<(d0, d1) -> (0, 0, 0, 0)>
#map1 = affine_map<(d0, d1) -> (0, 0)>
module attributes {stable_mosaic.version = 14 : i64} {
  func.func @k(%arg0: i32, %arg1: i32, %arg2: memref<32x2x40x125xi32, #tpu.memory_space<hbm>>, %arg3: memref<125x128xf32, #tpu.memory_space<hbm>>, %arg4: memref<10112x128xf32, #tpu.memory_space<hbm>>, %arg5: memref<20224x128xf32, #tpu.memory_space<hbm>>, %arg6: memref<2x40x125xi32, #tpu.memory_space<vmem>>, %arg7: memref<125x128xf32, #tpu.memory_space<vmem>>, %arg8: memref<10112x128xf32, #tpu.memory_space<vmem_shared>>) attributes {dimension_semantics = [#tpu.dimension_semantics<core_parallel>, #tpu.dimension_semantics<subcore_parallel>], iteration_bounds = array<i64: 2, 16>, scalar_prefetch = 0 : i64, scratch_operands = 3 : i64, tpu.core_type = #tpu.core_type<sc_vector_subcore>, window_params = [{transform_indices = #map}, {transform_indices = #map1}, {transform_indices = #map1}, {transform_indices = #map1}]} {
    %mul3A = arith.constant 16 : i32
    %mul3A_0 = arith.muli %arg0, %mul3A : i32
    %add3A = arith.addi %mul3A_0, %arg1 : i32
    %mul3A_1 = arith.constant 632 : i32
    %mul3A_2 = arith.muli %arg1, %mul3A_1 : i32
    %mul3A_3 = arith.constant 632 : i32
    %mul3A_4 = arith.muli %arg1, %mul3A_3 : i32
    "tpu.region"() ({
      %run_scoped3A = tpu.sem_alloc : memref<!tpu.dma_semaphore, #tpu.memory_space<semaphore_mem>>
      %dma_start3A = arith.constant 0 : i32
      %dma_start3A_24 = tpu.memref_slice %arg8[%mul3A_4, %dma_start3A] : memref<10112x128xf32, #tpu.memory_space<vmem_shared>> -> memref<632x128xf32, #tpu.memory_space<vmem_shared>>
      %dma_start3A_25 = arith.constant 0 : i32
      %dma_start3A_26 = tpu.memref_slice %arg4[%mul3A_2, %dma_start3A_25] : memref<10112x128xf32, #tpu.memory_space<hbm>> -> memref<632x128xf32, #tpu.memory_space<hbm>>
      tpu.enqueue_dma source(%dma_start3A_26 : memref<632x128xf32, #tpu.memory_space<hbm>>) target(%dma_start3A_24 : memref<632x128xf32, #tpu.memory_space<vmem_shared>>) target_semaphore(%run_scoped3A : memref<!tpu.dma_semaphore, #tpu.memory_space<semaphore_mem>>)
      %dma_wait3A = arith.constant 0 : i32
      %dma_wait3A_27 = tpu.memref_slice %arg8[%mul3A_4, %dma_wait3A] : memref<10112x128xf32, #tpu.memory_space<vmem_shared>> -> memref<632x128xf32, #tpu.memory_space<vmem_shared>>
      %dma_wait3A_28 = arith.constant 0 : i32
      %dma_wait3A_29 = tpu.memref_slice %arg4[%mul3A_2, %dma_wait3A_28] : memref<10112x128xf32, #tpu.memory_space<hbm>> -> memref<632x128xf32, #tpu.memory_space<hbm>>
      tpu.wait_dma2 semaphore(%run_scoped3A : memref<!tpu.dma_semaphore, #tpu.memory_space<semaphore_mem>>) src(%dma_wait3A_29 : memref<632x128xf32, #tpu.memory_space<hbm>>) dst(%dma_wait3A_27 : memref<632x128xf32, #tpu.memory_space<vmem_shared>>)
      tpu.yield
    }) : () -> ()
    "tpu.region"() ({
      %run_scoped3A = tpu.sem_alloc : memref<!tpu.dma_semaphore, #tpu.memory_space<semaphore_mem>>
      %dma_start3A = arith.constant 0 : i32
      %dma_start3A_24 = arith.constant 0 : i32
      %dma_start3A_25 = arith.constant 0 : i32
      %dma_start3A_26 = tpu.memref_slice %arg2[%add3A, %dma_start3A, %dma_start3A_24, %dma_start3A_25] : memref<32x2x40x125xi32, #tpu.memory_space<hbm>> -> memref<1x2x40x125xi32, #tpu.memory_space<hbm>>
      %dma_start3A_27 = tpu.memref_squeeze %dma_start3A_26 : memref<1x2x40x125xi32, #tpu.memory_space<hbm>> -> memref<2x40x125xi32, #tpu.memory_space<hbm>>
      %dma_start3A_28 = arith.constant 0 : i32
      %dma_start3A_29 = arith.constant 0 : i32
      %dma_start3A_30 = arith.constant 0 : i32
      %dma_start3A_31 = tpu.memref_slice %arg2[%add3A, %dma_start3A_28, %dma_start3A_29, %dma_start3A_30] : memref<32x2x40x125xi32, #tpu.memory_space<hbm>> -> memref<1x2x40x125xi32, #tpu.memory_space<hbm>>
      %dma_start3A_32 = tpu.memref_squeeze %dma_start3A_31 : memref<1x2x40x125xi32, #tpu.memory_space<hbm>> -> memref<2x40x125xi32, #tpu.memory_space<hbm>>
      tpu.enqueue_dma source(%dma_start3A_32 : memref<2x40x125xi32, #tpu.memory_space<hbm>>) target(%arg6 : memref<2x40x125xi32, #tpu.memory_space<vmem>>) target_semaphore(%run_scoped3A : memref<!tpu.dma_semaphore, #tpu.memory_space<semaphore_mem>>)
      %dma_wait3A = arith.constant 0 : i32
      %dma_wait3A_33 = arith.constant 0 : i32
      %dma_wait3A_34 = arith.constant 0 : i32
      %dma_wait3A_35 = tpu.memref_slice %arg2[%add3A, %dma_wait3A, %dma_wait3A_33, %dma_wait3A_34] : memref<32x2x40x125xi32, #tpu.memory_space<hbm>> -> memref<1x2x40x125xi32, #tpu.memory_space<hbm>>
      %dma_wait3A_36 = tpu.memref_squeeze %dma_wait3A_35 : memref<1x2x40x125xi32, #tpu.memory_space<hbm>> -> memref<2x40x125xi32, #tpu.memory_space<hbm>>
      %dma_wait3A_37 = arith.constant 0 : i32
      %dma_wait3A_38 = arith.constant 0 : i32
      %dma_wait3A_39 = arith.constant 0 : i32
      %dma_wait3A_40 = tpu.memref_slice %arg2[%add3A, %dma_wait3A_37, %dma_wait3A_38, %dma_wait3A_39] : memref<32x2x40x125xi32, #tpu.memory_space<hbm>> -> memref<1x2x40x125xi32, #tpu.memory_space<hbm>>
      %dma_wait3A_41 = tpu.memref_squeeze %dma_wait3A_40 : memref<1x2x40x125xi32, #tpu.memory_space<hbm>> -> memref<2x40x125xi32, #tpu.memory_space<hbm>>
      tpu.wait_dma2 semaphore(%run_scoped3A : memref<!tpu.dma_semaphore, #tpu.memory_space<semaphore_mem>>) src(%dma_wait3A_41 : memref<2x40x125xi32, #tpu.memory_space<hbm>>) dst(%arg6 : memref<2x40x125xi32, #tpu.memory_space<vmem>>)
      tpu.yield
    }) : () -> ()
    "tpu.region"() ({
      %run_scoped3A = tpu.sem_alloc : memref<!tpu.dma_semaphore, #tpu.memory_space<semaphore_mem>>
      tpu.enqueue_dma source(%arg3 : memref<125x128xf32, #tpu.memory_space<hbm>>) target(%arg7 : memref<125x128xf32, #tpu.memory_space<vmem>>) target_semaphore(%run_scoped3A : memref<!tpu.dma_semaphore, #tpu.memory_space<semaphore_mem>>)
      tpu.wait_dma2 semaphore(%run_scoped3A : memref<!tpu.dma_semaphore, #tpu.memory_space<semaphore_mem>>) src(%arg3 : memref<125x128xf32, #tpu.memory_space<hbm>>) dst(%arg7 : memref<125x128xf32, #tpu.memory_space<vmem>>)
      tpu.yield
    }) : () -> ()
    %barrier3A = arith.constant 0 : index
    tpu.barrier barrier_id(%barrier3A)
    %scan3A = arith.constant 0 : i32
    %scan3A_5 = arith.constant 0 : i32
    %scan3A_6 = arith.constant 40 : i32
    %scan3A_7 = arith.addi %scan3A_5, %scan3A_6 : i32
    %scan3A_8 = arith.constant 1 : i32
    scf.for %scan3A_24 = %scan3A_5 to %scan3A_7 step %scan3A_8  : i32 {
      %run_scoped3A = arith.constant 0 : i32
      "tpu.region"() ({
        %run_scoped3A_25 = tpu.sem_alloc : memref<!tpu.dma_semaphore, #tpu.memory_space<semaphore_mem>>
        %dma_start3A = arith.constant 0 : i32
        %dma_start3A_26 = tpu.memref_slice %arg6[%run_scoped3A, %scan3A_24, %dma_start3A] : memref<2x40x125xi32, #tpu.memory_space<vmem>> -> memref<1x1x125xi32, #tpu.memory_space<vmem>>
        %dma_start3A_27 = tpu.memref_squeeze %dma_start3A_26 : memref<1x1x125xi32, #tpu.memory_space<vmem>> -> memref<125xi32, #tpu.memory_space<vmem>>
        %dma_start3A_28 = arith.constant 0 : i32
        %dma_start3A_29 = arith.constant 0 : i32
        %dma_start3A_30 = tpu.memref_slice %arg8[%dma_start3A_28, %dma_start3A_29] : memref<10112x128xf32, #tpu.memory_space<vmem_shared>> -> memref<10112x128xf32, #tpu.memory_space<vmem_shared>>
        tpu.enqueue_indirect_dma source(%arg7 : memref<125x128xf32, #tpu.memory_space<vmem>>) target(%dma_start3A_30 : memref<10112x128xf32, #tpu.memory_space<vmem_shared>>) offsets(%dma_start3A_27 : memref<125xi32, #tpu.memory_space<vmem>>) semaphore(%run_scoped3A_25 : memref<!tpu.dma_semaphore, #tpu.memory_space<semaphore_mem>>) {add = true}
        %dma_wait3A = arith.constant 0 : i32
        %dma_wait3A_31 = tpu.memref_slice %arg6[%run_scoped3A, %scan3A_24, %dma_wait3A] : memref<2x40x125xi32, #tpu.memory_space<vmem>> -> memref<1x1x125xi32, #tpu.memory_space<vmem>>
        %dma_wait3A_32 = tpu.memref_squeeze %dma_wait3A_31 : memref<1x1x125xi32, #tpu.memory_space<vmem>> -> memref<125xi32, #tpu.memory_space<vmem>>
        %dma_wait3A_33 = arith.constant 0 : i32
        %dma_wait3A_34 = arith.constant 0 : i32
        %dma_wait3A_35 = tpu.memref_slice %arg8[%dma_wait3A_33, %dma_wait3A_34] : memref<10112x128xf32, #tpu.memory_space<vmem_shared>> -> memref<10112x128xf32, #tpu.memory_space<vmem_shared>>
        tpu.wait_indirect_dma semaphore(%run_scoped3A_25 : memref<!tpu.dma_semaphore, #tpu.memory_space<semaphore_mem>>) src(%arg7 : memref<125x128xf32, #tpu.memory_space<vmem>>) dst(%dma_wait3A_35 : memref<10112x128xf32, #tpu.memory_space<vmem_shared>>)
        tpu.yield
      }) : () -> ()
    }
    %scan3A_9 = arith.constant 40 : i32
    %scan3A_10 = arith.constant 0 : i32
    %scan3A_11 = arith.constant 0 : i32
    %scan3A_12 = arith.constant 40 : i32
    %scan3A_13 = arith.addi %scan3A_11, %scan3A_12 : i32
    %scan3A_14 = arith.constant 1 : i32
    scf.for %scan3A_24 = %scan3A_11 to %scan3A_13 step %scan3A_14  : i32 {
      %run_scoped3A = arith.constant 1 : i32
      "tpu.region"() ({
        %run_scoped3A_25 = tpu.sem_alloc : memref<!tpu.dma_semaphore, #tpu.memory_space<semaphore_mem>>
        %dma_start3A = arith.constant 0 : i32
        %dma_start3A_26 = tpu.memref_slice %arg6[%run_scoped3A, %scan3A_24, %dma_start3A] : memref<2x40x125xi32, #tpu.memory_space<vmem>> -> memref<1x1x125xi32, #tpu.memory_space<vmem>>
        %dma_start3A_27 = tpu.memref_squeeze %dma_start3A_26 : memref<1x1x125xi32, #tpu.memory_space<vmem>> -> memref<125xi32, #tpu.memory_space<vmem>>
        %dma_start3A_28 = arith.constant 0 : i32
        %dma_start3A_29 = arith.constant 0 : i32
        %dma_start3A_30 = tpu.memref_slice %arg8[%dma_start3A_28, %dma_start3A_29] : memref<10112x128xf32, #tpu.memory_space<vmem_shared>> -> memref<10112x128xf32, #tpu.memory_space<vmem_shared>>
        tpu.enqueue_indirect_dma source(%arg7 : memref<125x128xf32, #tpu.memory_space<vmem>>) target(%dma_start3A_30 : memref<10112x128xf32, #tpu.memory_space<vmem_shared>>) offsets(%dma_start3A_27 : memref<125xi32, #tpu.memory_space<vmem>>) semaphore(%run_scoped3A_25 : memref<!tpu.dma_semaphore, #tpu.memory_space<semaphore_mem>>) {add = true}
        %dma_wait3A = arith.constant 0 : i32
        %dma_wait3A_31 = tpu.memref_slice %arg6[%run_scoped3A, %scan3A_24, %dma_wait3A] : memref<2x40x125xi32, #tpu.memory_space<vmem>> -> memref<1x1x125xi32, #tpu.memory_space<vmem>>
        %dma_wait3A_32 = tpu.memref_squeeze %dma_wait3A_31 : memref<1x1x125xi32, #tpu.memory_space<vmem>> -> memref<125xi32, #tpu.memory_space<vmem>>
        %dma_wait3A_33 = arith.constant 0 : i32
        %dma_wait3A_34 = arith.constant 0 : i32
        %dma_wait3A_35 = tpu.memref_slice %arg8[%dma_wait3A_33, %dma_wait3A_34] : memref<10112x128xf32, #tpu.memory_space<vmem_shared>> -> memref<10112x128xf32, #tpu.memory_space<vmem_shared>>
        tpu.wait_indirect_dma semaphore(%run_scoped3A_25 : memref<!tpu.dma_semaphore, #tpu.memory_space<semaphore_mem>>) src(%arg7 : memref<125x128xf32, #tpu.memory_space<vmem>>) dst(%dma_wait3A_35 : memref<10112x128xf32, #tpu.memory_space<vmem_shared>>)
        tpu.yield
      }) : () -> ()
    }
    %scan3A_15 = arith.constant 40 : i32
    %barrier3A_16 = arith.constant 0 : index
    tpu.barrier barrier_id(%barrier3A_16)
    %mul3A_17 = arith.constant 632 : i32
    %mul3A_18 = arith.muli %arg1, %mul3A_17 : i32
    %mul3A_19 = arith.constant 10112 : i32
    %mul3A_20 = arith.muli %arg0, %mul3A_19 : i32
    %mul3A_21 = arith.constant 632 : i32
    %mul3A_22 = arith.muli %arg1, %mul3A_21 : i32
    %add3A_23 = arith.addi %mul3A_20, %mul3A_22 : i32
    "tpu.region"() ({
      %run_scoped3A = tpu.sem_alloc : memref<!tpu.dma_semaphore, #tpu.memory_space<semaphore_mem>>
      %dma_start3A = arith.constant 0 : i32
      %dma_start3A_24 = tpu.memref_slice %arg5[%add3A_23, %dma_start3A] : memref<20224x128xf32, #tpu.memory_space<hbm>> -> memref<632x128xf32, #tpu.memory_space<hbm>>
      %dma_start3A_25 = arith.constant 0 : i32
      %dma_start3A_26 = tpu.memref_slice %arg8[%mul3A_18, %dma_start3A_25] : memref<10112x128xf32, #tpu.memory_space<vmem_shared>> -> memref<632x128xf32, #tpu.memory_space<vmem_shared>>
      tpu.enqueue_dma source(%dma_start3A_26 : memref<632x128xf32, #tpu.memory_space<vmem_shared>>) target(%dma_start3A_24 : memref<632x128xf32, #tpu.memory_space<hbm>>) target_semaphore(%run_scoped3A : memref<!tpu.dma_semaphore, #tpu.memory_space<semaphore_mem>>)
      %dma_wait3A = arith.constant 0 : i32
      %dma_wait3A_27 = tpu.memref_slice %arg5[%add3A_23, %dma_wait3A] : memref<20224x128xf32, #tpu.memory_space<hbm>> -> memref<632x128xf32, #tpu.memory_space<hbm>>
      %dma_wait3A_28 = arith.constant 0 : i32
      %dma_wait3A_29 = tpu.memref_slice %arg8[%mul3A_18, %dma_wait3A_28] : memref<10112x128xf32, #tpu.memory_space<vmem_shared>> -> memref<632x128xf32, #tpu.memory_space<vmem_shared>>
      tpu.wait_dma2 semaphore(%run_scoped3A : memref<!tpu.dma_semaphore, #tpu.memory_space<semaphore_mem>>) src(%dma_wait3A_29 : memref<632x128xf32, #tpu.memory_space<vmem_shared>>) dst(%dma_wait3A_27 : memref<632x128xf32, #tpu.memory_space<hbm>>)
      tpu.yield
    }) : () -> ()
    return
  }
}

#map = affine_map<(d0, d1) -> (0, 0)>
#map1 = affine_map<(d0, d1) -> (0, 0, 0, 0)>
module attributes {stable_mosaic.version = 14 : i64} {
  func.func @k(%arg0: i32, %arg1: i32, %arg2: memref<10000x128xf32, #tpu.memory_space<hbm>>, %arg3: memref<32x2x40x125xi32, #tpu.memory_space<hbm>>, %arg4: memref<32x2x40x125xi32, #tpu.memory_space<hbm>>, %arg5: memref<10112x128xf32, #tpu.memory_space<hbm>>, %arg6: memref<20224x128xf32, #tpu.memory_space<hbm>>, %arg7: memref<40x125xi32, #tpu.memory_space<vmem>>, %arg8: memref<40x125xi32, #tpu.memory_space<vmem>>, %arg9: memref<125x128xf32, #tpu.memory_space<vmem>>, %arg10: memref<125x128xf32, #tpu.memory_space<vmem>>, %arg11: memref<10112x128xf32, #tpu.memory_space<vmem_shared>>, %arg12: memref<!tpu.dma_semaphore, #tpu.memory_space<semaphore_mem>>, %arg13: memref<!tpu.dma_semaphore, #tpu.memory_space<semaphore_mem>>, %arg14: memref<!tpu.dma_semaphore, #tpu.memory_space<semaphore_mem>>, %arg15: memref<!tpu.dma_semaphore, #tpu.memory_space<semaphore_mem>>) attributes {dimension_semantics = [#tpu.dimension_semantics<core_parallel>, #tpu.dimension_semantics<subcore_parallel>], iteration_bounds = array<i64: 2, 16>, scalar_prefetch = 0 : i64, scratch_operands = 9 : i64, tpu.core_type = #tpu.core_type<sc_vector_subcore>, window_params = [{transform_indices = #map}, {transform_indices = #map1}, {transform_indices = #map1}, {transform_indices = #map}, {transform_indices = #map}]} {
    %mul3A = arith.constant 16 : i32
    %mul3A_0 = arith.muli %arg0, %mul3A : i32
    %add3A = arith.addi %mul3A_0, %arg1 : i32
    %run_scoped3A = arith.constant 0 : i32
    "tpu.region"() ({
      %run_scoped3A_53 = tpu.sem_alloc : memref<!tpu.dma_semaphore, #tpu.memory_space<semaphore_mem>>
      %dma_start3A_54 = arith.constant 0 : i32
      %dma_start3A_55 = arith.constant 0 : i32
      %dma_start3A_56 = tpu.memref_slice %arg3[%add3A, %run_scoped3A, %dma_start3A_54, %dma_start3A_55] : memref<32x2x40x125xi32, #tpu.memory_space<hbm>> -> memref<1x1x40x125xi32, #tpu.memory_space<hbm>>
      %dma_start3A_57 = tpu.memref_squeeze %dma_start3A_56 : memref<1x1x40x125xi32, #tpu.memory_space<hbm>> -> memref<40x125xi32, #tpu.memory_space<hbm>>
      %dma_start3A_58 = arith.constant 0 : i32
      %dma_start3A_59 = arith.constant 0 : i32
      %dma_start3A_60 = tpu.memref_slice %arg3[%add3A, %run_scoped3A, %dma_start3A_58, %dma_start3A_59] : memref<32x2x40x125xi32, #tpu.memory_space<hbm>> -> memref<1x1x40x125xi32, #tpu.memory_space<hbm>>
      %dma_start3A_61 = tpu.memref_squeeze %dma_start3A_60 : memref<1x1x40x125xi32, #tpu.memory_space<hbm>> -> memref<40x125xi32, #tpu.memory_space<hbm>>
      tpu.enqueue_dma source(%dma_start3A_61 : memref<40x125xi32, #tpu.memory_space<hbm>>) target(%arg7 : memref<40x125xi32, #tpu.memory_space<vmem>>) target_semaphore(%run_scoped3A_53 : memref<!tpu.dma_semaphore, #tpu.memory_space<semaphore_mem>>)
      %dma_wait3A_62 = arith.constant 0 : i32
      %dma_wait3A_63 = arith.constant 0 : i32
      %dma_wait3A_64 = tpu.memref_slice %arg3[%add3A, %run_scoped3A, %dma_wait3A_62, %dma_wait3A_63] : memref<32x2x40x125xi32, #tpu.memory_space<hbm>> -> memref<1x1x40x125xi32, #tpu.memory_space<hbm>>
      %dma_wait3A_65 = tpu.memref_squeeze %dma_wait3A_64 : memref<1x1x40x125xi32, #tpu.memory_space<hbm>> -> memref<40x125xi32, #tpu.memory_space<hbm>>
      %dma_wait3A_66 = arith.constant 0 : i32
      %dma_wait3A_67 = arith.constant 0 : i32
      %dma_wait3A_68 = tpu.memref_slice %arg3[%add3A, %run_scoped3A, %dma_wait3A_66, %dma_wait3A_67] : memref<32x2x40x125xi32, #tpu.memory_space<hbm>> -> memref<1x1x40x125xi32, #tpu.memory_space<hbm>>
      %dma_wait3A_69 = tpu.memref_squeeze %dma_wait3A_68 : memref<1x1x40x125xi32, #tpu.memory_space<hbm>> -> memref<40x125xi32, #tpu.memory_space<hbm>>
      tpu.wait_dma2 semaphore(%run_scoped3A_53 : memref<!tpu.dma_semaphore, #tpu.memory_space<semaphore_mem>>) src(%dma_wait3A_69 : memref<40x125xi32, #tpu.memory_space<hbm>>) dst(%arg7 : memref<40x125xi32, #tpu.memory_space<vmem>>)
      tpu.yield
    }) : () -> ()
    %run_scoped3A_1 = arith.constant 0 : i32
    "tpu.region"() ({
      %run_scoped3A_53 = tpu.sem_alloc : memref<!tpu.dma_semaphore, #tpu.memory_space<semaphore_mem>>
      %dma_start3A_54 = arith.constant 0 : i32
      %dma_start3A_55 = arith.constant 0 : i32
      %dma_start3A_56 = tpu.memref_slice %arg4[%add3A, %run_scoped3A_1, %dma_start3A_54, %dma_start3A_55] : memref<32x2x40x125xi32, #tpu.memory_space<hbm>> -> memref<1x1x40x125xi32, #tpu.memory_space<hbm>>
      %dma_start3A_57 = tpu.memref_squeeze %dma_start3A_56 : memref<1x1x40x125xi32, #tpu.memory_space<hbm>> -> memref<40x125xi32, #tpu.memory_space<hbm>>
      %dma_start3A_58 = arith.constant 0 : i32
      %dma_start3A_59 = arith.constant 0 : i32
      %dma_start3A_60 = tpu.memref_slice %arg4[%add3A, %run_scoped3A_1, %dma_start3A_58, %dma_start3A_59] : memref<32x2x40x125xi32, #tpu.memory_space<hbm>> -> memref<1x1x40x125xi32, #tpu.memory_space<hbm>>
      %dma_start3A_61 = tpu.memref_squeeze %dma_start3A_60 : memref<1x1x40x125xi32, #tpu.memory_space<hbm>> -> memref<40x125xi32, #tpu.memory_space<hbm>>
      tpu.enqueue_dma source(%dma_start3A_61 : memref<40x125xi32, #tpu.memory_space<hbm>>) target(%arg8 : memref<40x125xi32, #tpu.memory_space<vmem>>) target_semaphore(%run_scoped3A_53 : memref<!tpu.dma_semaphore, #tpu.memory_space<semaphore_mem>>)
      %dma_wait3A_62 = arith.constant 0 : i32
      %dma_wait3A_63 = arith.constant 0 : i32
      %dma_wait3A_64 = tpu.memref_slice %arg4[%add3A, %run_scoped3A_1, %dma_wait3A_62, %dma_wait3A_63] : memref<32x2x40x125xi32, #tpu.memory_space<hbm>> -> memref<1x1x40x125xi32, #tpu.memory_space<hbm>>
      %dma_wait3A_65 = tpu.memref_squeeze %dma_wait3A_64 : memref<1x1x40x125xi32, #tpu.memory_space<hbm>> -> memref<40x125xi32, #tpu.memory_space<hbm>>
      %dma_wait3A_66 = arith.constant 0 : i32
      %dma_wait3A_67 = arith.constant 0 : i32
      %dma_wait3A_68 = tpu.memref_slice %arg4[%add3A, %run_scoped3A_1, %dma_wait3A_66, %dma_wait3A_67] : memref<32x2x40x125xi32, #tpu.memory_space<hbm>> -> memref<1x1x40x125xi32, #tpu.memory_space<hbm>>
      %dma_wait3A_69 = tpu.memref_squeeze %dma_wait3A_68 : memref<1x1x40x125xi32, #tpu.memory_space<hbm>> -> memref<40x125xi32, #tpu.memory_space<hbm>>
      tpu.wait_dma2 semaphore(%run_scoped3A_53 : memref<!tpu.dma_semaphore, #tpu.memory_space<semaphore_mem>>) src(%dma_wait3A_69 : memref<40x125xi32, #tpu.memory_space<hbm>>) dst(%arg8 : memref<40x125xi32, #tpu.memory_space<vmem>>)
      tpu.yield
    }) : () -> ()
    %dma_start3A = arith.constant 0 : i32
    %dma_start3A_2 = arith.constant 0 : i32
    %dma_start3A_3 = tpu.memref_slice %arg7[%dma_start3A, %dma_start3A_2] : memref<40x125xi32, #tpu.memory_space<vmem>> -> memref<1x125xi32, #tpu.memory_space<vmem>>
    %dma_start3A_4 = tpu.memref_squeeze %dma_start3A_3 : memref<1x125xi32, #tpu.memory_space<vmem>> -> memref<125xi32, #tpu.memory_space<vmem>>
    %dma_start3A_5 = arith.constant 0 : i32
    %dma_start3A_6 = arith.constant 0 : i32
    %dma_start3A_7 = tpu.memref_slice %arg2[%dma_start3A_5, %dma_start3A_6] : memref<10000x128xf32, #tpu.memory_space<hbm>> -> memref<10000x128xf32, #tpu.memory_space<hbm>>
    tpu.enqueue_indirect_dma source(%dma_start3A_7 : memref<10000x128xf32, #tpu.memory_space<hbm>>) target(%arg9 : memref<125x128xf32, #tpu.memory_space<vmem>>) offsets(%dma_start3A_4 : memref<125xi32, #tpu.memory_space<vmem>>) semaphore(%arg12 : memref<!tpu.dma_semaphore, #tpu.memory_space<semaphore_mem>>)
    %mul3A_8 = arith.constant 632 : i32
    %mul3A_9 = arith.muli %arg1, %mul3A_8 : i32
    %mul3A_10 = arith.constant 632 : i32
    %mul3A_11 = arith.muli %arg1, %mul3A_10 : i32
    "tpu.region"() ({
      %run_scoped3A_53 = tpu.sem_alloc : memref<!tpu.dma_semaphore, #tpu.memory_space<semaphore_mem>>
      %dma_start3A_54 = arith.constant 0 : i32
      %dma_start3A_55 = tpu.memref_slice %arg11[%mul3A_11, %dma_start3A_54] : memref<10112x128xf32, #tpu.memory_space<vmem_shared>> -> memref<632x128xf32, #tpu.memory_space<vmem_shared>>
      %dma_start3A_56 = arith.constant 0 : i32
      %dma_start3A_57 = tpu.memref_slice %arg5[%mul3A_9, %dma_start3A_56] : memref<10112x128xf32, #tpu.memory_space<hbm>> -> memref<632x128xf32, #tpu.memory_space<hbm>>
      tpu.enqueue_dma source(%dma_start3A_57 : memref<632x128xf32, #tpu.memory_space<hbm>>) target(%dma_start3A_55 : memref<632x128xf32, #tpu.memory_space<vmem_shared>>) target_semaphore(%run_scoped3A_53 : memref<!tpu.dma_semaphore, #tpu.memory_space<semaphore_mem>>)
      %dma_wait3A_58 = arith.constant 0 : i32
      %dma_wait3A_59 = tpu.memref_slice %arg11[%mul3A_11, %dma_wait3A_58] : memref<10112x128xf32, #tpu.memory_space<vmem_shared>> -> memref<632x128xf32, #tpu.memory_space<vmem_shared>>
      %dma_wait3A_60 = arith.constant 0 : i32
      %dma_wait3A_61 = tpu.memref_slice %arg5[%mul3A_9, %dma_wait3A_60] : memref<10112x128xf32, #tpu.memory_space<hbm>> -> memref<632x128xf32, #tpu.memory_space<hbm>>
      tpu.wait_dma2 semaphore(%run_scoped3A_53 : memref<!tpu.dma_semaphore, #tpu.memory_space<semaphore_mem>>) src(%dma_wait3A_61 : memref<632x128xf32, #tpu.memory_space<hbm>>) dst(%dma_wait3A_59 : memref<632x128xf32, #tpu.memory_space<vmem_shared>>)
      tpu.yield
    }) : () -> ()
    %barrier3A = arith.constant 0 : index
    tpu.barrier barrier_id(%barrier3A)
    %scan3A = arith.constant 0 : i32
    %scan3A_12 = arith.constant 0 : i32
    %scan3A_13 = arith.constant 20 : i32
    %scan3A_14 = arith.addi %scan3A_12, %scan3A_13 : i32
    %scan3A_15 = arith.constant 1 : i32
    scf.for %scan3A_53 = %scan3A_12 to %scan3A_14 step %scan3A_15  : i32 {
      %mul3A_54 = arith.constant 2 : i32
      %mul3A_55 = arith.muli %mul3A_54, %scan3A_53 : i32
      %add3A_56 = arith.constant 0 : i32
      %add3A_57 = arith.addi %mul3A_55, %add3A_56 : i32
      %dma_wait3A_58 = arith.constant 0 : i32
      %dma_wait3A_59 = tpu.memref_slice %arg7[%add3A_57, %dma_wait3A_58] : memref<40x125xi32, #tpu.memory_space<vmem>> -> memref<1x125xi32, #tpu.memory_space<vmem>>
      %dma_wait3A_60 = tpu.memref_squeeze %dma_wait3A_59 : memref<1x125xi32, #tpu.memory_space<vmem>> -> memref<125xi32, #tpu.memory_space<vmem>>
      %dma_wait3A_61 = arith.constant 0 : i32
      %dma_wait3A_62 = arith.constant 0 : i32
      %dma_wait3A_63 = tpu.memref_slice %arg2[%dma_wait3A_61, %dma_wait3A_62] : memref<10000x128xf32, #tpu.memory_space<hbm>> -> memref<10000x128xf32, #tpu.memory_space<hbm>>
      tpu.wait_indirect_dma semaphore(%arg12 : memref<!tpu.dma_semaphore, #tpu.memory_space<semaphore_mem>>) src(%dma_wait3A_63 : memref<10000x128xf32, #tpu.memory_space<hbm>>) dst(%arg9 : memref<125x128xf32, #tpu.memory_space<vmem>>)
      %dma_start3A_64 = arith.constant 0 : i32
      %dma_start3A_65 = tpu.memref_slice %arg8[%add3A_57, %dma_start3A_64] : memref<40x125xi32, #tpu.memory_space<vmem>> -> memref<1x125xi32, #tpu.memory_space<vmem>>
      %dma_start3A_66 = tpu.memref_squeeze %dma_start3A_65 : memref<1x125xi32, #tpu.memory_space<vmem>> -> memref<125xi32, #tpu.memory_space<vmem>>
      %dma_start3A_67 = arith.constant 0 : i32
      %dma_start3A_68 = arith.constant 0 : i32
      %dma_start3A_69 = tpu.memref_slice %arg11[%dma_start3A_67, %dma_start3A_68] : memref<10112x128xf32, #tpu.memory_space<vmem_shared>> -> memref<10112x128xf32, #tpu.memory_space<vmem_shared>>
      tpu.enqueue_indirect_dma source(%arg9 : memref<125x128xf32, #tpu.memory_space<vmem>>) target(%dma_start3A_69 : memref<10112x128xf32, #tpu.memory_space<vmem_shared>>) offsets(%dma_start3A_66 : memref<125xi32, #tpu.memory_space<vmem>>) semaphore(%arg14 : memref<!tpu.dma_semaphore, #tpu.memory_space<semaphore_mem>>) {add = true}
      %ge3A = arith.constant 1 : i32
      %ge3A_70 = arith.cmpi sge, %add3A_57, %ge3A : i32
      %convert_element_type3A = arith.extui %ge3A_70 : i1 to i32
      %cond3A = arith.constant 0 : i32
      %cond3A_71 = arith.cmpi ne, %convert_element_type3A, %cond3A : i32
      scf.if %cond3A_71 {
        %sub3A = arith.constant 1 : i32
        %sub3A_106 = arith.subi %add3A_57, %sub3A : i32
        %dma_wait3A_107 = arith.constant 0 : i32
        %dma_wait3A_108 = tpu.memref_slice %arg8[%sub3A_106, %dma_wait3A_107] : memref<40x125xi32, #tpu.memory_space<vmem>> -> memref<1x125xi32, #tpu.memory_space<vmem>>
        %dma_wait3A_109 = tpu.memref_squeeze %dma_wait3A_108 : memref<1x125xi32, #tpu.memory_space<vmem>> -> memref<125xi32, #tpu.memory_space<vmem>>
        %dma_wait3A_110 = arith.constant 0 : i32
        %dma_wait3A_111 = arith.constant 0 : i32
        %dma_wait3A_112 = tpu.memref_slice %arg11[%dma_wait3A_110, %dma_wait3A_111] : memref<10112x128xf32, #tpu.memory_space<vmem_shared>> -> memref<10112x128xf32, #tpu.memory_space<vmem_shared>>
        tpu.wait_indirect_dma semaphore(%arg15 : memref<!tpu.dma_semaphore, #tpu.memory_space<semaphore_mem>>) src(%arg10 : memref<125x128xf32, #tpu.memory_space<vmem>>) dst(%dma_wait3A_112 : memref<10112x128xf32, #tpu.memory_space<vmem_shared>>)
      } else {
      }
      %add3A_72 = arith.constant 1 : i32
      %add3A_73 = arith.addi %add3A_57, %add3A_72 : i32
      %lt3A = arith.constant 40 : i32
      %lt3A_74 = arith.cmpi slt, %add3A_73, %lt3A : i32
      %convert_element_type3A_75 = arith.extui %lt3A_74 : i1 to i32
      %cond3A_76 = arith.constant 0 : i32
      %cond3A_77 = arith.cmpi ne, %convert_element_type3A_75, %cond3A_76 : i32
      scf.if %cond3A_77 {
        %add3A_106 = arith.constant 1 : i32
        %add3A_107 = arith.addi %add3A_57, %add3A_106 : i32
        %dma_start3A_108 = arith.constant 0 : i32
        %dma_start3A_109 = tpu.memref_slice %arg7[%add3A_107, %dma_start3A_108] : memref<40x125xi32, #tpu.memory_space<vmem>> -> memref<1x125xi32, #tpu.memory_space<vmem>>
        %dma_start3A_110 = tpu.memref_squeeze %dma_start3A_109 : memref<1x125xi32, #tpu.memory_space<vmem>> -> memref<125xi32, #tpu.memory_space<vmem>>
        %dma_start3A_111 = arith.constant 0 : i32
        %dma_start3A_112 = arith.constant 0 : i32
        %dma_start3A_113 = tpu.memref_slice %arg2[%dma_start3A_111, %dma_start3A_112] : memref<10000x128xf32, #tpu.memory_space<hbm>> -> memref<10000x128xf32, #tpu.memory_space<hbm>>
        tpu.enqueue_indirect_dma source(%dma_start3A_113 : memref<10000x128xf32, #tpu.memory_space<hbm>>) target(%arg10 : memref<125x128xf32, #tpu.memory_space<vmem>>) offsets(%dma_start3A_110 : memref<125xi32, #tpu.memory_space<vmem>>) semaphore(%arg13 : memref<!tpu.dma_semaphore, #tpu.memory_space<semaphore_mem>>)
      } else {
      }
      %mul3A_78 = arith.constant 2 : i32
      %mul3A_79 = arith.muli %mul3A_78, %scan3A_53 : i32
      %add3A_80 = arith.constant 1 : i32
      %add3A_81 = arith.addi %mul3A_79, %add3A_80 : i32
      %dma_wait3A_82 = arith.constant 0 : i32
      %dma_wait3A_83 = tpu.memref_slice %arg7[%add3A_81, %dma_wait3A_82] : memref<40x125xi32, #tpu.memory_space<vmem>> -> memref<1x125xi32, #tpu.memory_space<vmem>>
      %dma_wait3A_84 = tpu.memref_squeeze %dma_wait3A_83 : memref<1x125xi32, #tpu.memory_space<vmem>> -> memref<125xi32, #tpu.memory_space<vmem>>
      %dma_wait3A_85 = arith.constant 0 : i32
      %dma_wait3A_86 = arith.constant 0 : i32
      %dma_wait3A_87 = tpu.memref_slice %arg2[%dma_wait3A_85, %dma_wait3A_86] : memref<10000x128xf32, #tpu.memory_space<hbm>> -> memref<10000x128xf32, #tpu.memory_space<hbm>>
      tpu.wait_indirect_dma semaphore(%arg13 : memref<!tpu.dma_semaphore, #tpu.memory_space<semaphore_mem>>) src(%dma_wait3A_87 : memref<10000x128xf32, #tpu.memory_space<hbm>>) dst(%arg10 : memref<125x128xf32, #tpu.memory_space<vmem>>)
      %dma_start3A_88 = arith.constant 0 : i32
      %dma_start3A_89 = tpu.memref_slice %arg8[%add3A_81, %dma_start3A_88] : memref<40x125xi32, #tpu.memory_space<vmem>> -> memref<1x125xi32, #tpu.memory_space<vmem>>
      %dma_start3A_90 = tpu.memref_squeeze %dma_start3A_89 : memref<1x125xi32, #tpu.memory_space<vmem>> -> memref<125xi32, #tpu.memory_space<vmem>>
      %dma_start3A_91 = arith.constant 0 : i32
      %dma_start3A_92 = arith.constant 0 : i32
      %dma_start3A_93 = tpu.memref_slice %arg11[%dma_start3A_91, %dma_start3A_92] : memref<10112x128xf32, #tpu.memory_space<vmem_shared>> -> memref<10112x128xf32, #tpu.memory_space<vmem_shared>>
      tpu.enqueue_indirect_dma source(%arg10 : memref<125x128xf32, #tpu.memory_space<vmem>>) target(%dma_start3A_93 : memref<10112x128xf32, #tpu.memory_space<vmem_shared>>) offsets(%dma_start3A_90 : memref<125xi32, #tpu.memory_space<vmem>>) semaphore(%arg15 : memref<!tpu.dma_semaphore, #tpu.memory_space<semaphore_mem>>) {add = true}
      %ge3A_94 = arith.constant 1 : i32
      %ge3A_95 = arith.cmpi sge, %add3A_81, %ge3A_94 : i32
      %convert_element_type3A_96 = arith.extui %ge3A_95 : i1 to i32
      %cond3A_97 = arith.constant 0 : i32
      %cond3A_98 = arith.cmpi ne, %convert_element_type3A_96, %cond3A_97 : i32
      scf.if %cond3A_98 {
        %sub3A = arith.constant 1 : i32
        %sub3A_106 = arith.subi %add3A_81, %sub3A : i32
        %dma_wait3A_107 = arith.constant 0 : i32
        %dma_wait3A_108 = tpu.memref_slice %arg8[%sub3A_106, %dma_wait3A_107] : memref<40x125xi32, #tpu.memory_space<vmem>> -> memref<1x125xi32, #tpu.memory_space<vmem>>
        %dma_wait3A_109 = tpu.memref_squeeze %dma_wait3A_108 : memref<1x125xi32, #tpu.memory_space<vmem>> -> memref<125xi32, #tpu.memory_space<vmem>>
        %dma_wait3A_110 = arith.constant 0 : i32
        %dma_wait3A_111 = arith.constant 0 : i32
        %dma_wait3A_112 = tpu.memref_slice %arg11[%dma_wait3A_110, %dma_wait3A_111] : memref<10112x128xf32, #tpu.memory_space<vmem_shared>> -> memref<10112x128xf32, #tpu.memory_space<vmem_shared>>
        tpu.wait_indirect_dma semaphore(%arg14 : memref<!tpu.dma_semaphore, #tpu.memory_space<semaphore_mem>>) src(%arg9 : memref<125x128xf32, #tpu.memory_space<vmem>>) dst(%dma_wait3A_112 : memref<10112x128xf32, #tpu.memory_space<vmem_shared>>)
      } else {
      }
      %add3A_99 = arith.constant 1 : i32
      %add3A_100 = arith.addi %add3A_81, %add3A_99 : i32
      %lt3A_101 = arith.constant 40 : i32
      %lt3A_102 = arith.cmpi slt, %add3A_100, %lt3A_101 : i32
      %convert_element_type3A_103 = arith.extui %lt3A_102 : i1 to i32
      %cond3A_104 = arith.constant 0 : i32
      %cond3A_105 = arith.cmpi ne, %convert_element_type3A_103, %cond3A_104 : i32
      scf.if %cond3A_105 {
        %add3A_106 = arith.constant 1 : i32
        %add3A_107 = arith.addi %add3A_81, %add3A_106 : i32
        %dma_start3A_108 = arith.constant 0 : i32
        %dma_start3A_109 = tpu.memref_slice %arg7[%add3A_107, %dma_start3A_108] : memref<40x125xi32, #tpu.memory_space<vmem>> -> memref<1x125xi32, #tpu.memory_space<vmem>>
        %dma_start3A_110 = tpu.memref_squeeze %dma_start3A_109 : memref<1x125xi32, #tpu.memory_space<vmem>> -> memref<125xi32, #tpu.memory_space<vmem>>
        %dma_start3A_111 = arith.constant 0 : i32
        %dma_start3A_112 = arith.constant 0 : i32
        %dma_start3A_113 = tpu.memref_slice %arg2[%dma_start3A_111, %dma_start3A_112] : memref<10000x128xf32, #tpu.memory_space<hbm>> -> memref<10000x128xf32, #tpu.memory_space<hbm>>
        tpu.enqueue_indirect_dma source(%dma_start3A_113 : memref<10000x128xf32, #tpu.memory_space<hbm>>) target(%arg9 : memref<125x128xf32, #tpu.memory_space<vmem>>) offsets(%dma_start3A_110 : memref<125xi32, #tpu.memory_space<vmem>>) semaphore(%arg12 : memref<!tpu.dma_semaphore, #tpu.memory_space<semaphore_mem>>)
      } else {
      }
    }
    %scan3A_16 = arith.constant 20 : i32
    %dma_wait3A = arith.constant 39 : i32
    %dma_wait3A_17 = arith.constant 0 : i32
    %dma_wait3A_18 = tpu.memref_slice %arg8[%dma_wait3A, %dma_wait3A_17] : memref<40x125xi32, #tpu.memory_space<vmem>> -> memref<1x125xi32, #tpu.memory_space<vmem>>
    %dma_wait3A_19 = tpu.memref_squeeze %dma_wait3A_18 : memref<1x125xi32, #tpu.memory_space<vmem>> -> memref<125xi32, #tpu.memory_space<vmem>>
    %dma_wait3A_20 = arith.constant 0 : i32
    %dma_wait3A_21 = arith.constant 0 : i32
    %dma_wait3A_22 = tpu.memref_slice %arg11[%dma_wait3A_20, %dma_wait3A_21] : memref<10112x128xf32, #tpu.memory_space<vmem_shared>> -> memref<10112x128xf32, #tpu.memory_space<vmem_shared>>
    tpu.wait_indirect_dma semaphore(%arg15 : memref<!tpu.dma_semaphore, #tpu.memory_space<semaphore_mem>>) src(%arg10 : memref<125x128xf32, #tpu.memory_space<vmem>>) dst(%dma_wait3A_22 : memref<10112x128xf32, #tpu.memory_space<vmem_shared>>)
    %run_scoped3A_23 = arith.constant 1 : i32
    "tpu.region"() ({
      %run_scoped3A_53 = tpu.sem_alloc : memref<!tpu.dma_semaphore, #tpu.memory_space<semaphore_mem>>
      %dma_start3A_54 = arith.constant 0 : i32
      %dma_start3A_55 = arith.constant 0 : i32
      %dma_start3A_56 = tpu.memref_slice %arg3[%add3A, %run_scoped3A_23, %dma_start3A_54, %dma_start3A_55] : memref<32x2x40x125xi32, #tpu.memory_space<hbm>> -> memref<1x1x40x125xi32, #tpu.memory_space<hbm>>
      %dma_start3A_57 = tpu.memref_squeeze %dma_start3A_56 : memref<1x1x40x125xi32, #tpu.memory_space<hbm>> -> memref<40x125xi32, #tpu.memory_space<hbm>>
      %dma_start3A_58 = arith.constant 0 : i32
      %dma_start3A_59 = arith.constant 0 : i32
      %dma_start3A_60 = tpu.memref_slice %arg3[%add3A, %run_scoped3A_23, %dma_start3A_58, %dma_start3A_59] : memref<32x2x40x125xi32, #tpu.memory_space<hbm>> -> memref<1x1x40x125xi32, #tpu.memory_space<hbm>>
      %dma_start3A_61 = tpu.memref_squeeze %dma_start3A_60 : memref<1x1x40x125xi32, #tpu.memory_space<hbm>> -> memref<40x125xi32, #tpu.memory_space<hbm>>
      tpu.enqueue_dma source(%dma_start3A_61 : memref<40x125xi32, #tpu.memory_space<hbm>>) target(%arg7 : memref<40x125xi32, #tpu.memory_space<vmem>>) target_semaphore(%run_scoped3A_53 : memref<!tpu.dma_semaphore, #tpu.memory_space<semaphore_mem>>)
      %dma_wait3A_62 = arith.constant 0 : i32
      %dma_wait3A_63 = arith.constant 0 : i32
      %dma_wait3A_64 = tpu.memref_slice %arg3[%add3A, %run_scoped3A_23, %dma_wait3A_62, %dma_wait3A_63] : memref<32x2x40x125xi32, #tpu.memory_space<hbm>> -> memref<1x1x40x125xi32, #tpu.memory_space<hbm>>
      %dma_wait3A_65 = tpu.memref_squeeze %dma_wait3A_64 : memref<1x1x40x125xi32, #tpu.memory_space<hbm>> -> memref<40x125xi32, #tpu.memory_space<hbm>>
      %dma_wait3A_66 = arith.constant 0 : i32
      %dma_wait3A_67 = arith.constant 0 : i32
      %dma_wait3A_68 = tpu.memref_slice %arg3[%add3A, %run_scoped3A_23, %dma_wait3A_66, %dma_wait3A_67] : memref<32x2x40x125xi32, #tpu.memory_space<hbm>> -> memref<1x1x40x125xi32, #tpu.memory_space<hbm>>
      %dma_wait3A_69 = tpu.memref_squeeze %dma_wait3A_68 : memref<1x1x40x125xi32, #tpu.memory_space<hbm>> -> memref<40x125xi32, #tpu.memory_space<hbm>>
      tpu.wait_dma2 semaphore(%run_scoped3A_53 : memref<!tpu.dma_semaphore, #tpu.memory_space<semaphore_mem>>) src(%dma_wait3A_69 : memref<40x125xi32, #tpu.memory_space<hbm>>) dst(%arg7 : memref<40x125xi32, #tpu.memory_space<vmem>>)
      tpu.yield
    }) : () -> ()
    %run_scoped3A_24 = arith.constant 1 : i32
    "tpu.region"() ({
      %run_scoped3A_53 = tpu.sem_alloc : memref<!tpu.dma_semaphore, #tpu.memory_space<semaphore_mem>>
      %dma_start3A_54 = arith.constant 0 : i32
      %dma_start3A_55 = arith.constant 0 : i32
      %dma_start3A_56 = tpu.memref_slice %arg4[%add3A, %run_scoped3A_24, %dma_start3A_54, %dma_start3A_55] : memref<32x2x40x125xi32, #tpu.memory_space<hbm>> -> memref<1x1x40x125xi32, #tpu.memory_space<hbm>>
      %dma_start3A_57 = tpu.memref_squeeze %dma_start3A_56 : memref<1x1x40x125xi32, #tpu.memory_space<hbm>> -> memref<40x125xi32, #tpu.memory_space<hbm>>
      %dma_start3A_58 = arith.constant 0 : i32
      %dma_start3A_59 = arith.constant 0 : i32
      %dma_start3A_60 = tpu.memref_slice %arg4[%add3A, %run_scoped3A_24, %dma_start3A_58, %dma_start3A_59] : memref<32x2x40x125xi32, #tpu.memory_space<hbm>> -> memref<1x1x40x125xi32, #tpu.memory_space<hbm>>
      %dma_start3A_61 = tpu.memref_squeeze %dma_start3A_60 : memref<1x1x40x125xi32, #tpu.memory_space<hbm>> -> memref<40x125xi32, #tpu.memory_space<hbm>>
      tpu.enqueue_dma source(%dma_start3A_61 : memref<40x125xi32, #tpu.memory_space<hbm>>) target(%arg8 : memref<40x125xi32, #tpu.memory_space<vmem>>) target_semaphore(%run_scoped3A_53 : memref<!tpu.dma_semaphore, #tpu.memory_space<semaphore_mem>>)
      %dma_wait3A_62 = arith.constant 0 : i32
      %dma_wait3A_63 = arith.constant 0 : i32
      %dma_wait3A_64 = tpu.memref_slice %arg4[%add3A, %run_scoped3A_24, %dma_wait3A_62, %dma_wait3A_63] : memref<32x2x40x125xi32, #tpu.memory_space<hbm>> -> memref<1x1x40x125xi32, #tpu.memory_space<hbm>>
      %dma_wait3A_65 = tpu.memref_squeeze %dma_wait3A_64 : memref<1x1x40x125xi32, #tpu.memory_space<hbm>> -> memref<40x125xi32, #tpu.memory_space<hbm>>
      %dma_wait3A_66 = arith.constant 0 : i32
      %dma_wait3A_67 = arith.constant 0 : i32
      %dma_wait3A_68 = tpu.memref_slice %arg4[%add3A, %run_scoped3A_24, %dma_wait3A_66, %dma_wait3A_67] : memref<32x2x40x125xi32, #tpu.memory_space<hbm>> -> memref<1x1x40x125xi32, #tpu.memory_space<hbm>>
      %dma_wait3A_69 = tpu.memref_squeeze %dma_wait3A_68 : memref<1x1x40x125xi32, #tpu.memory_space<hbm>> -> memref<40x125xi32, #tpu.memory_space<hbm>>
      tpu.wait_dma2 semaphore(%run_scoped3A_53 : memref<!tpu.dma_semaphore, #tpu.memory_space<semaphore_mem>>) src(%dma_wait3A_69 : memref<40x125xi32, #tpu.memory_space<hbm>>) dst(%arg8 : memref<40x125xi32, #tpu.memory_space<vmem>>)
      tpu.yield
    }) : () -> ()
    %dma_start3A_25 = arith.constant 0 : i32
    %dma_start3A_26 = arith.constant 0 : i32
    %dma_start3A_27 = tpu.memref_slice %arg7[%dma_start3A_25, %dma_start3A_26] : memref<40x125xi32, #tpu.memory_space<vmem>> -> memref<1x125xi32, #tpu.memory_space<vmem>>
    %dma_start3A_28 = tpu.memref_squeeze %dma_start3A_27 : memref<1x125xi32, #tpu.memory_space<vmem>> -> memref<125xi32, #tpu.memory_space<vmem>>
    %dma_start3A_29 = arith.constant 0 : i32
    %dma_start3A_30 = arith.constant 0 : i32
    %dma_start3A_31 = tpu.memref_slice %arg2[%dma_start3A_29, %dma_start3A_30] : memref<10000x128xf32, #tpu.memory_space<hbm>> -> memref<10000x128xf32, #tpu.memory_space<hbm>>
    tpu.enqueue_indirect_dma source(%dma_start3A_31 : memref<10000x128xf32, #tpu.memory_space<hbm>>) target(%arg9 : memref<125x128xf32, #tpu.memory_space<vmem>>) offsets(%dma_start3A_28 : memref<125xi32, #tpu.memory_space<vmem>>) semaphore(%arg12 : memref<!tpu.dma_semaphore, #tpu.memory_space<semaphore_mem>>)
    %scan3A_32 = arith.constant 0 : i32
    %scan3A_33 = arith.constant 0 : i32
    %scan3A_34 = arith.constant 20 : i32
    %scan3A_35 = arith.addi %scan3A_33, %scan3A_34 : i32
    %scan3A_36 = arith.constant 1 : i32
    scf.for %scan3A_53 = %scan3A_33 to %scan3A_35 step %scan3A_36  : i32 {
      %mul3A_54 = arith.constant 2 : i32
      %mul3A_55 = arith.muli %mul3A_54, %scan3A_53 : i32
      %add3A_56 = arith.constant 0 : i32
      %add3A_57 = arith.addi %mul3A_55, %add3A_56 : i32
      %dma_wait3A_58 = arith.constant 0 : i32
      %dma_wait3A_59 = tpu.memref_slice %arg7[%add3A_57, %dma_wait3A_58] : memref<40x125xi32, #tpu.memory_space<vmem>> -> memref<1x125xi32, #tpu.memory_space<vmem>>
      %dma_wait3A_60 = tpu.memref_squeeze %dma_wait3A_59 : memref<1x125xi32, #tpu.memory_space<vmem>> -> memref<125xi32, #tpu.memory_space<vmem>>
      %dma_wait3A_61 = arith.constant 0 : i32
      %dma_wait3A_62 = arith.constant 0 : i32
      %dma_wait3A_63 = tpu.memref_slice %arg2[%dma_wait3A_61, %dma_wait3A_62] : memref<10000x128xf32, #tpu.memory_space<hbm>> -> memref<10000x128xf32, #tpu.memory_space<hbm>>
      tpu.wait_indirect_dma semaphore(%arg12 : memref<!tpu.dma_semaphore, #tpu.memory_space<semaphore_mem>>) src(%dma_wait3A_63 : memref<10000x128xf32, #tpu.memory_space<hbm>>) dst(%arg9 : memref<125x128xf32, #tpu.memory_space<vmem>>)
      %dma_start3A_64 = arith.constant 0 : i32
      %dma_start3A_65 = tpu.memref_slice %arg8[%add3A_57, %dma_start3A_64] : memref<40x125xi32, #tpu.memory_space<vmem>> -> memref<1x125xi32, #tpu.memory_space<vmem>>
      %dma_start3A_66 = tpu.memref_squeeze %dma_start3A_65 : memref<1x125xi32, #tpu.memory_space<vmem>> -> memref<125xi32, #tpu.memory_space<vmem>>
      %dma_start3A_67 = arith.constant 0 : i32
      %dma_start3A_68 = arith.constant 0 : i32
      %dma_start3A_69 = tpu.memref_slice %arg11[%dma_start3A_67, %dma_start3A_68] : memref<10112x128xf32, #tpu.memory_space<vmem_shared>> -> memref<10112x128xf32, #tpu.memory_space<vmem_shared>>
      tpu.enqueue_indirect_dma source(%arg9 : memref<125x128xf32, #tpu.memory_space<vmem>>) target(%dma_start3A_69 : memref<10112x128xf32, #tpu.memory_space<vmem_shared>>) offsets(%dma_start3A_66 : memref<125xi32, #tpu.memory_space<vmem>>) semaphore(%arg14 : memref<!tpu.dma_semaphore, #tpu.memory_space<semaphore_mem>>) {add = true}
      %ge3A = arith.constant 1 : i32
      %ge3A_70 = arith.cmpi sge, %add3A_57, %ge3A : i32
      %convert_element_type3A = arith.extui %ge3A_70 : i1 to i32
      %cond3A = arith.constant 0 : i32
      %cond3A_71 = arith.cmpi ne, %convert_element_type3A, %cond3A : i32
      scf.if %cond3A_71 {
        %sub3A = arith.constant 1 : i32
        %sub3A_106 = arith.subi %add3A_57, %sub3A : i32
        %dma_wait3A_107 = arith.constant 0 : i32
        %dma_wait3A_108 = tpu.memref_slice %arg8[%sub3A_106, %dma_wait3A_107] : memref<40x125xi32, #tpu.memory_space<vmem>> -> memref<1x125xi32, #tpu.memory_space<vmem>>
        %dma_wait3A_109 = tpu.memref_squeeze %dma_wait3A_108 : memref<1x125xi32, #tpu.memory_space<vmem>> -> memref<125xi32, #tpu.memory_space<vmem>>
        %dma_wait3A_110 = arith.constant 0 : i32
        %dma_wait3A_111 = arith.constant 0 : i32
        %dma_wait3A_112 = tpu.memref_slice %arg11[%dma_wait3A_110, %dma_wait3A_111] : memref<10112x128xf32, #tpu.memory_space<vmem_shared>> -> memref<10112x128xf32, #tpu.memory_space<vmem_shared>>
        tpu.wait_indirect_dma semaphore(%arg15 : memref<!tpu.dma_semaphore, #tpu.memory_space<semaphore_mem>>) src(%arg10 : memref<125x128xf32, #tpu.memory_space<vmem>>) dst(%dma_wait3A_112 : memref<10112x128xf32, #tpu.memory_space<vmem_shared>>)
      } else {
      }
      %add3A_72 = arith.constant 1 : i32
      %add3A_73 = arith.addi %add3A_57, %add3A_72 : i32
      %lt3A = arith.constant 40 : i32
      %lt3A_74 = arith.cmpi slt, %add3A_73, %lt3A : i32
      %convert_element_type3A_75 = arith.extui %lt3A_74 : i1 to i32
      %cond3A_76 = arith.constant 0 : i32
      %cond3A_77 = arith.cmpi ne, %convert_element_type3A_75, %cond3A_76 : i32
      scf.if %cond3A_77 {
        %add3A_106 = arith.constant 1 : i32
        %add3A_107 = arith.addi %add3A_57, %add3A_106 : i32
        %dma_start3A_108 = arith.constant 0 : i32
        %dma_start3A_109 = tpu.memref_slice %arg7[%add3A_107, %dma_start3A_108] : memref<40x125xi32, #tpu.memory_space<vmem>> -> memref<1x125xi32, #tpu.memory_space<vmem>>
        %dma_start3A_110 = tpu.memref_squeeze %dma_start3A_109 : memref<1x125xi32, #tpu.memory_space<vmem>> -> memref<125xi32, #tpu.memory_space<vmem>>
        %dma_start3A_111 = arith.constant 0 : i32
        %dma_start3A_112 = arith.constant 0 : i32
        %dma_start3A_113 = tpu.memref_slice %arg2[%dma_start3A_111, %dma_start3A_112] : memref<10000x128xf32, #tpu.memory_space<hbm>> -> memref<10000x128xf32, #tpu.memory_space<hbm>>
        tpu.enqueue_indirect_dma source(%dma_start3A_113 : memref<10000x128xf32, #tpu.memory_space<hbm>>) target(%arg10 : memref<125x128xf32, #tpu.memory_space<vmem>>) offsets(%dma_start3A_110 : memref<125xi32, #tpu.memory_space<vmem>>) semaphore(%arg13 : memref<!tpu.dma_semaphore, #tpu.memory_space<semaphore_mem>>)
      } else {
      }
      %mul3A_78 = arith.constant 2 : i32
      %mul3A_79 = arith.muli %mul3A_78, %scan3A_53 : i32
      %add3A_80 = arith.constant 1 : i32
      %add3A_81 = arith.addi %mul3A_79, %add3A_80 : i32
      %dma_wait3A_82 = arith.constant 0 : i32
      %dma_wait3A_83 = tpu.memref_slice %arg7[%add3A_81, %dma_wait3A_82] : memref<40x125xi32, #tpu.memory_space<vmem>> -> memref<1x125xi32, #tpu.memory_space<vmem>>
      %dma_wait3A_84 = tpu.memref_squeeze %dma_wait3A_83 : memref<1x125xi32, #tpu.memory_space<vmem>> -> memref<125xi32, #tpu.memory_space<vmem>>
      %dma_wait3A_85 = arith.constant 0 : i32
      %dma_wait3A_86 = arith.constant 0 : i32
      %dma_wait3A_87 = tpu.memref_slice %arg2[%dma_wait3A_85, %dma_wait3A_86] : memref<10000x128xf32, #tpu.memory_space<hbm>> -> memref<10000x128xf32, #tpu.memory_space<hbm>>
      tpu.wait_indirect_dma semaphore(%arg13 : memref<!tpu.dma_semaphore, #tpu.memory_space<semaphore_mem>>) src(%dma_wait3A_87 : memref<10000x128xf32, #tpu.memory_space<hbm>>) dst(%arg10 : memref<125x128xf32, #tpu.memory_space<vmem>>)
      %dma_start3A_88 = arith.constant 0 : i32
      %dma_start3A_89 = tpu.memref_slice %arg8[%add3A_81, %dma_start3A_88] : memref<40x125xi32, #tpu.memory_space<vmem>> -> memref<1x125xi32, #tpu.memory_space<vmem>>
      %dma_start3A_90 = tpu.memref_squeeze %dma_start3A_89 : memref<1x125xi32, #tpu.memory_space<vmem>> -> memref<125xi32, #tpu.memory_space<vmem>>
      %dma_start3A_91 = arith.constant 0 : i32
      %dma_start3A_92 = arith.constant 0 : i32
      %dma_start3A_93 = tpu.memref_slice %arg11[%dma_start3A_91, %dma_start3A_92] : memref<10112x128xf32, #tpu.memory_space<vmem_shared>> -> memref<10112x128xf32, #tpu.memory_space<vmem_shared>>
      tpu.enqueue_indirect_dma source(%arg10 : memref<125x128xf32, #tpu.memory_space<vmem>>) target(%dma_start3A_93 : memref<10112x128xf32, #tpu.memory_space<vmem_shared>>) offsets(%dma_start3A_90 : memref<125xi32, #tpu.memory_space<vmem>>) semaphore(%arg15 : memref<!tpu.dma_semaphore, #tpu.memory_space<semaphore_mem>>) {add = true}
      %ge3A_94 = arith.constant 1 : i32
      %ge3A_95 = arith.cmpi sge, %add3A_81, %ge3A_94 : i32
      %convert_element_type3A_96 = arith.extui %ge3A_95 : i1 to i32
      %cond3A_97 = arith.constant 0 : i32
      %cond3A_98 = arith.cmpi ne, %convert_element_type3A_96, %cond3A_97 : i32
      scf.if %cond3A_98 {
        %sub3A = arith.constant 1 : i32
        %sub3A_106 = arith.subi %add3A_81, %sub3A : i32
        %dma_wait3A_107 = arith.constant 0 : i32
        %dma_wait3A_108 = tpu.memref_slice %arg8[%sub3A_106, %dma_wait3A_107] : memref<40x125xi32, #tpu.memory_space<vmem>> -> memref<1x125xi32, #tpu.memory_space<vmem>>
        %dma_wait3A_109 = tpu.memref_squeeze %dma_wait3A_108 : memref<1x125xi32, #tpu.memory_space<vmem>> -> memref<125xi32, #tpu.memory_space<vmem>>
        %dma_wait3A_110 = arith.constant 0 : i32
        %dma_wait3A_111 = arith.constant 0 : i32
        %dma_wait3A_112 = tpu.memref_slice %arg11[%dma_wait3A_110, %dma_wait3A_111] : memref<10112x128xf32, #tpu.memory_space<vmem_shared>> -> memref<10112x128xf32, #tpu.memory_space<vmem_shared>>
        tpu.wait_indirect_dma semaphore(%arg14 : memref<!tpu.dma_semaphore, #tpu.memory_space<semaphore_mem>>) src(%arg9 : memref<125x128xf32, #tpu.memory_space<vmem>>) dst(%dma_wait3A_112 : memref<10112x128xf32, #tpu.memory_space<vmem_shared>>)
      } else {
      }
      %add3A_99 = arith.constant 1 : i32
      %add3A_100 = arith.addi %add3A_81, %add3A_99 : i32
      %lt3A_101 = arith.constant 40 : i32
      %lt3A_102 = arith.cmpi slt, %add3A_100, %lt3A_101 : i32
      %convert_element_type3A_103 = arith.extui %lt3A_102 : i1 to i32
      %cond3A_104 = arith.constant 0 : i32
      %cond3A_105 = arith.cmpi ne, %convert_element_type3A_103, %cond3A_104 : i32
      scf.if %cond3A_105 {
        %add3A_106 = arith.constant 1 : i32
        %add3A_107 = arith.addi %add3A_81, %add3A_106 : i32
        %dma_start3A_108 = arith.constant 0 : i32
        %dma_start3A_109 = tpu.memref_slice %arg7[%add3A_107, %dma_start3A_108] : memref<40x125xi32, #tpu.memory_space<vmem>> -> memref<1x125xi32, #tpu.memory_space<vmem>>
        %dma_start3A_110 = tpu.memref_squeeze %dma_start3A_109 : memref<1x125xi32, #tpu.memory_space<vmem>> -> memref<125xi32, #tpu.memory_space<vmem>>
        %dma_start3A_111 = arith.constant 0 : i32
        %dma_start3A_112 = arith.constant 0 : i32
        %dma_start3A_113 = tpu.memref_slice %arg2[%dma_start3A_111, %dma_start3A_112] : memref<10000x128xf32, #tpu.memory_space<hbm>> -> memref<10000x128xf32, #tpu.memory_space<hbm>>
        tpu.enqueue_indirect_dma source(%dma_start3A_113 : memref<10000x128xf32, #tpu.memory_space<hbm>>) target(%arg9 : memref<125x128xf32, #tpu.memory_space<vmem>>) offsets(%dma_start3A_110 : memref<125xi32, #tpu.memory_space<vmem>>) semaphore(%arg12 : memref<!tpu.dma_semaphore, #tpu.memory_space<semaphore_mem>>)
      } else {
      }
    }
    %scan3A_37 = arith.constant 20 : i32
    %dma_wait3A_38 = arith.constant 39 : i32
    %dma_wait3A_39 = arith.constant 0 : i32
    %dma_wait3A_40 = tpu.memref_slice %arg8[%dma_wait3A_38, %dma_wait3A_39] : memref<40x125xi32, #tpu.memory_space<vmem>> -> memref<1x125xi32, #tpu.memory_space<vmem>>
    %dma_wait3A_41 = tpu.memref_squeeze %dma_wait3A_40 : memref<1x125xi32, #tpu.memory_space<vmem>> -> memref<125xi32, #tpu.memory_space<vmem>>
    %dma_wait3A_42 = arith.constant 0 : i32
    %dma_wait3A_43 = arith.constant 0 : i32
    %dma_wait3A_44 = tpu.memref_slice %arg11[%dma_wait3A_42, %dma_wait3A_43] : memref<10112x128xf32, #tpu.memory_space<vmem_shared>> -> memref<10112x128xf32, #tpu.memory_space<vmem_shared>>
    tpu.wait_indirect_dma semaphore(%arg15 : memref<!tpu.dma_semaphore, #tpu.memory_space<semaphore_mem>>) src(%arg10 : memref<125x128xf32, #tpu.memory_space<vmem>>) dst(%dma_wait3A_44 : memref<10112x128xf32, #tpu.memory_space<vmem_shared>>)
    %barrier3A_45 = arith.constant 0 : index
    tpu.barrier barrier_id(%barrier3A_45)
    %mul3A_46 = arith.constant 632 : i32
    %mul3A_47 = arith.muli %arg1, %mul3A_46 : i32
    %mul3A_48 = arith.constant 10112 : i32
    %mul3A_49 = arith.muli %arg0, %mul3A_48 : i32
    %mul3A_50 = arith.constant 632 : i32
    %mul3A_51 = arith.muli %arg1, %mul3A_50 : i32
    %add3A_52 = arith.addi %mul3A_49, %mul3A_51 : i32
    "tpu.region"() ({
      %run_scoped3A_53 = tpu.sem_alloc : memref<!tpu.dma_semaphore, #tpu.memory_space<semaphore_mem>>
      %dma_start3A_54 = arith.constant 0 : i32
      %dma_start3A_55 = tpu.memref_slice %arg6[%add3A_52, %dma_start3A_54] : memref<20224x128xf32, #tpu.memory_space<hbm>> -> memref<632x128xf32, #tpu.memory_space<hbm>>
      %dma_start3A_56 = arith.constant 0 : i32
      %dma_start3A_57 = tpu.memref_slice %arg11[%mul3A_47, %dma_start3A_56] : memref<10112x128xf32, #tpu.memory_space<vmem_shared>> -> memref<632x128xf32, #tpu.memory_space<vmem_shared>>
      tpu.enqueue_dma source(%dma_start3A_57 : memref<632x128xf32, #tpu.memory_space<vmem_shared>>) target(%dma_start3A_55 : memref<632x128xf32, #tpu.memory_space<hbm>>) target_semaphore(%run_scoped3A_53 : memref<!tpu.dma_semaphore, #tpu.memory_space<semaphore_mem>>)
      %dma_wait3A_58 = arith.constant 0 : i32
      %dma_wait3A_59 = tpu.memref_slice %arg6[%add3A_52, %dma_wait3A_58] : memref<20224x128xf32, #tpu.memory_space<hbm>> -> memref<632x128xf32, #tpu.memory_space<hbm>>
      %dma_wait3A_60 = arith.constant 0 : i32
      %dma_wait3A_61 = tpu.memref_slice %arg11[%mul3A_47, %dma_wait3A_60] : memref<10112x128xf32, #tpu.memory_space<vmem_shared>> -> memref<632x128xf32, #tpu.memory_space<vmem_shared>>
      tpu.wait_dma2 semaphore(%run_scoped3A_53 : memref<!tpu.dma_semaphore, #tpu.memory_space<semaphore_mem>>) src(%dma_wait3A_61 : memref<632x128xf32, #tpu.memory_space<vmem_shared>>) dst(%dma_wait3A_59 : memref<632x128xf32, #tpu.memory_space<hbm>>)
      tpu.yield
    }) : () -> ()
    return
  }
}

#map = affine_map<(d0, d1) -> (0, 0)>
#map1 = affine_map<(d0, d1) -> (0, 0, 0, 0)>
module attributes {stable_mosaic.version = 14 : i64} {
  func.func @k(%arg0: i32, %arg1: i32, %arg2: memref<10000x128xf32, #tpu.memory_space<hbm>>, %arg3: memref<32x2x40x125xi32, #tpu.memory_space<hbm>>, %arg4: memref<32x2x40x125xi32, #tpu.memory_space<hbm>>, %arg5: memref<10112x128xf32, #tpu.memory_space<hbm>>, %arg6: memref<20224x128xf32, #tpu.memory_space<hbm>>, %arg7: memref<40x125xi32, #tpu.memory_space<vmem>>, %arg8: memref<40x125xi32, #tpu.memory_space<vmem>>, %arg9: memref<125x128xf32, #tpu.memory_space<vmem>>, %arg10: memref<125x128xf32, #tpu.memory_space<vmem>>, %arg11: memref<10112x128xf32, #tpu.memory_space<vmem_shared>>, %arg12: memref<!tpu.dma_semaphore, #tpu.memory_space<semaphore_mem>>, %arg13: memref<!tpu.dma_semaphore, #tpu.memory_space<semaphore_mem>>, %arg14: memref<!tpu.dma_semaphore, #tpu.memory_space<semaphore_mem>>, %arg15: memref<!tpu.dma_semaphore, #tpu.memory_space<semaphore_mem>>) attributes {dimension_semantics = [#tpu.dimension_semantics<core_parallel>, #tpu.dimension_semantics<subcore_parallel>], iteration_bounds = array<i64: 2, 16>, scalar_prefetch = 0 : i64, scratch_operands = 9 : i64, tpu.core_type = #tpu.core_type<sc_vector_subcore>, window_params = [{transform_indices = #map}, {transform_indices = #map1}, {transform_indices = #map1}, {transform_indices = #map}, {transform_indices = #map}]} {
    %mul3A = arith.constant 16 : i32
    %mul3A_0 = arith.muli %arg0, %mul3A : i32
    %add3A = arith.addi %mul3A_0, %arg1 : i32
    %run_scoped3A = arith.constant 0 : i32
    "tpu.region"() ({
      %run_scoped3A_53 = tpu.sem_alloc : memref<!tpu.dma_semaphore, #tpu.memory_space<semaphore_mem>>
      %dma_start3A_54 = arith.constant 0 : i32
      %dma_start3A_55 = arith.constant 0 : i32
      %dma_start3A_56 = tpu.memref_slice %arg3[%add3A, %run_scoped3A, %dma_start3A_54, %dma_start3A_55] : memref<32x2x40x125xi32, #tpu.memory_space<hbm>> -> memref<1x1x40x125xi32, #tpu.memory_space<hbm>>
      %dma_start3A_57 = tpu.memref_squeeze %dma_start3A_56 : memref<1x1x40x125xi32, #tpu.memory_space<hbm>> -> memref<40x125xi32, #tpu.memory_space<hbm>>
      %dma_start3A_58 = arith.constant 0 : i32
      %dma_start3A_59 = arith.constant 0 : i32
      %dma_start3A_60 = tpu.memref_slice %arg3[%add3A, %run_scoped3A, %dma_start3A_58, %dma_start3A_59] : memref<32x2x40x125xi32, #tpu.memory_space<hbm>> -> memref<1x1x40x125xi32, #tpu.memory_space<hbm>>
      %dma_start3A_61 = tpu.memref_squeeze %dma_start3A_60 : memref<1x1x40x125xi32, #tpu.memory_space<hbm>> -> memref<40x125xi32, #tpu.memory_space<hbm>>
      tpu.enqueue_dma source(%dma_start3A_61 : memref<40x125xi32, #tpu.memory_space<hbm>>) target(%arg7 : memref<40x125xi32, #tpu.memory_space<vmem>>) target_semaphore(%run_scoped3A_53 : memref<!tpu.dma_semaphore, #tpu.memory_space<semaphore_mem>>)
      %dma_wait3A_62 = arith.constant 0 : i32
      %dma_wait3A_63 = arith.constant 0 : i32
      %dma_wait3A_64 = tpu.memref_slice %arg3[%add3A, %run_scoped3A, %dma_wait3A_62, %dma_wait3A_63] : memref<32x2x40x125xi32, #tpu.memory_space<hbm>> -> memref<1x1x40x125xi32, #tpu.memory_space<hbm>>
      %dma_wait3A_65 = tpu.memref_squeeze %dma_wait3A_64 : memref<1x1x40x125xi32, #tpu.memory_space<hbm>> -> memref<40x125xi32, #tpu.memory_space<hbm>>
      %dma_wait3A_66 = arith.constant 0 : i32
      %dma_wait3A_67 = arith.constant 0 : i32
      %dma_wait3A_68 = tpu.memref_slice %arg3[%add3A, %run_scoped3A, %dma_wait3A_66, %dma_wait3A_67] : memref<32x2x40x125xi32, #tpu.memory_space<hbm>> -> memref<1x1x40x125xi32, #tpu.memory_space<hbm>>
      %dma_wait3A_69 = tpu.memref_squeeze %dma_wait3A_68 : memref<1x1x40x125xi32, #tpu.memory_space<hbm>> -> memref<40x125xi32, #tpu.memory_space<hbm>>
      tpu.wait_dma2 semaphore(%run_scoped3A_53 : memref<!tpu.dma_semaphore, #tpu.memory_space<semaphore_mem>>) src(%dma_wait3A_69 : memref<40x125xi32, #tpu.memory_space<hbm>>) dst(%arg7 : memref<40x125xi32, #tpu.memory_space<vmem>>)
      tpu.yield
    }) : () -> ()
    %run_scoped3A_1 = arith.constant 0 : i32
    "tpu.region"() ({
      %run_scoped3A_53 = tpu.sem_alloc : memref<!tpu.dma_semaphore, #tpu.memory_space<semaphore_mem>>
      %dma_start3A_54 = arith.constant 0 : i32
      %dma_start3A_55 = arith.constant 0 : i32
      %dma_start3A_56 = tpu.memref_slice %arg4[%add3A, %run_scoped3A_1, %dma_start3A_54, %dma_start3A_55] : memref<32x2x40x125xi32, #tpu.memory_space<hbm>> -> memref<1x1x40x125xi32, #tpu.memory_space<hbm>>
      %dma_start3A_57 = tpu.memref_squeeze %dma_start3A_56 : memref<1x1x40x125xi32, #tpu.memory_space<hbm>> -> memref<40x125xi32, #tpu.memory_space<hbm>>
      %dma_start3A_58 = arith.constant 0 : i32
      %dma_start3A_59 = arith.constant 0 : i32
      %dma_start3A_60 = tpu.memref_slice %arg4[%add3A, %run_scoped3A_1, %dma_start3A_58, %dma_start3A_59] : memref<32x2x40x125xi32, #tpu.memory_space<hbm>> -> memref<1x1x40x125xi32, #tpu.memory_space<hbm>>
      %dma_start3A_61 = tpu.memref_squeeze %dma_start3A_60 : memref<1x1x40x125xi32, #tpu.memory_space<hbm>> -> memref<40x125xi32, #tpu.memory_space<hbm>>
      tpu.enqueue_dma source(%dma_start3A_61 : memref<40x125xi32, #tpu.memory_space<hbm>>) target(%arg8 : memref<40x125xi32, #tpu.memory_space<vmem>>) target_semaphore(%run_scoped3A_53 : memref<!tpu.dma_semaphore, #tpu.memory_space<semaphore_mem>>)
      %dma_wait3A_62 = arith.constant 0 : i32
      %dma_wait3A_63 = arith.constant 0 : i32
      %dma_wait3A_64 = tpu.memref_slice %arg4[%add3A, %run_scoped3A_1, %dma_wait3A_62, %dma_wait3A_63] : memref<32x2x40x125xi32, #tpu.memory_space<hbm>> -> memref<1x1x40x125xi32, #tpu.memory_space<hbm>>
      %dma_wait3A_65 = tpu.memref_squeeze %dma_wait3A_64 : memref<1x1x40x125xi32, #tpu.memory_space<hbm>> -> memref<40x125xi32, #tpu.memory_space<hbm>>
      %dma_wait3A_66 = arith.constant 0 : i32
      %dma_wait3A_67 = arith.constant 0 : i32
      %dma_wait3A_68 = tpu.memref_slice %arg4[%add3A, %run_scoped3A_1, %dma_wait3A_66, %dma_wait3A_67] : memref<32x2x40x125xi32, #tpu.memory_space<hbm>> -> memref<1x1x40x125xi32, #tpu.memory_space<hbm>>
      %dma_wait3A_69 = tpu.memref_squeeze %dma_wait3A_68 : memref<1x1x40x125xi32, #tpu.memory_space<hbm>> -> memref<40x125xi32, #tpu.memory_space<hbm>>
      tpu.wait_dma2 semaphore(%run_scoped3A_53 : memref<!tpu.dma_semaphore, #tpu.memory_space<semaphore_mem>>) src(%dma_wait3A_69 : memref<40x125xi32, #tpu.memory_space<hbm>>) dst(%arg8 : memref<40x125xi32, #tpu.memory_space<vmem>>)
      tpu.yield
    }) : () -> ()
    %dma_start3A = arith.constant 0 : i32
    %dma_start3A_2 = arith.constant 0 : i32
    %dma_start3A_3 = tpu.memref_slice %arg7[%dma_start3A, %dma_start3A_2] : memref<40x125xi32, #tpu.memory_space<vmem>> -> memref<1x125xi32, #tpu.memory_space<vmem>>
    %dma_start3A_4 = tpu.memref_squeeze %dma_start3A_3 : memref<1x125xi32, #tpu.memory_space<vmem>> -> memref<125xi32, #tpu.memory_space<vmem>>
    %dma_start3A_5 = arith.constant 0 : i32
    %dma_start3A_6 = arith.constant 0 : i32
    %dma_start3A_7 = tpu.memref_slice %arg2[%dma_start3A_5, %dma_start3A_6] : memref<10000x128xf32, #tpu.memory_space<hbm>> -> memref<10000x128xf32, #tpu.memory_space<hbm>>
    tpu.enqueue_indirect_dma source(%dma_start3A_7 : memref<10000x128xf32, #tpu.memory_space<hbm>>) target(%arg9 : memref<125x128xf32, #tpu.memory_space<vmem>>) offsets(%dma_start3A_4 : memref<125xi32, #tpu.memory_space<vmem>>) semaphore(%arg12 : memref<!tpu.dma_semaphore, #tpu.memory_space<semaphore_mem>>)
    %mul3A_8 = arith.constant 632 : i32
    %mul3A_9 = arith.muli %arg1, %mul3A_8 : i32
    %mul3A_10 = arith.constant 632 : i32
    %mul3A_11 = arith.muli %arg1, %mul3A_10 : i32
    "tpu.region"() ({
      %run_scoped3A_53 = tpu.sem_alloc : memref<!tpu.dma_semaphore, #tpu.memory_space<semaphore_mem>>
      %dma_start3A_54 = arith.constant 0 : i32
      %dma_start3A_55 = tpu.memref_slice %arg11[%mul3A_11, %dma_start3A_54] : memref<10112x128xf32, #tpu.memory_space<vmem_shared>> -> memref<632x128xf32, #tpu.memory_space<vmem_shared>>
      %dma_start3A_56 = arith.constant 0 : i32
      %dma_start3A_57 = tpu.memref_slice %arg5[%mul3A_9, %dma_start3A_56] : memref<10112x128xf32, #tpu.memory_space<hbm>> -> memref<632x128xf32, #tpu.memory_space<hbm>>
      tpu.enqueue_dma source(%dma_start3A_57 : memref<632x128xf32, #tpu.memory_space<hbm>>) target(%dma_start3A_55 : memref<632x128xf32, #tpu.memory_space<vmem_shared>>) target_semaphore(%run_scoped3A_53 : memref<!tpu.dma_semaphore, #tpu.memory_space<semaphore_mem>>)
      %dma_wait3A_58 = arith.constant 0 : i32
      %dma_wait3A_59 = tpu.memref_slice %arg11[%mul3A_11, %dma_wait3A_58] : memref<10112x128xf32, #tpu.memory_space<vmem_shared>> -> memref<632x128xf32, #tpu.memory_space<vmem_shared>>
      %dma_wait3A_60 = arith.constant 0 : i32
      %dma_wait3A_61 = tpu.memref_slice %arg5[%mul3A_9, %dma_wait3A_60] : memref<10112x128xf32, #tpu.memory_space<hbm>> -> memref<632x128xf32, #tpu.memory_space<hbm>>
      tpu.wait_dma2 semaphore(%run_scoped3A_53 : memref<!tpu.dma_semaphore, #tpu.memory_space<semaphore_mem>>) src(%dma_wait3A_61 : memref<632x128xf32, #tpu.memory_space<hbm>>) dst(%dma_wait3A_59 : memref<632x128xf32, #tpu.memory_space<vmem_shared>>)
      tpu.yield
    }) : () -> ()
    %barrier3A = arith.constant 0 : index
    tpu.barrier barrier_id(%barrier3A)
    %scan3A = arith.constant 0 : i32
    %scan3A_12 = arith.constant 0 : i32
    %scan3A_13 = arith.constant 20 : i32
    %scan3A_14 = arith.addi %scan3A_12, %scan3A_13 : i32
    %scan3A_15 = arith.constant 1 : i32
    scf.for %scan3A_53 = %scan3A_12 to %scan3A_14 step %scan3A_15  : i32 {
      %mul3A_54 = arith.constant 2 : i32
      %mul3A_55 = arith.muli %mul3A_54, %scan3A_53 : i32
      %add3A_56 = arith.constant 0 : i32
      %add3A_57 = arith.addi %mul3A_55, %add3A_56 : i32
      %dma_wait3A_58 = arith.constant 0 : i32
      %dma_wait3A_59 = tpu.memref_slice %arg7[%add3A_57, %dma_wait3A_58] : memref<40x125xi32, #tpu.memory_space<vmem>> -> memref<1x125xi32, #tpu.memory_space<vmem>>
      %dma_wait3A_60 = tpu.memref_squeeze %dma_wait3A_59 : memref<1x125xi32, #tpu.memory_space<vmem>> -> memref<125xi32, #tpu.memory_space<vmem>>
      %dma_wait3A_61 = arith.constant 0 : i32
      %dma_wait3A_62 = arith.constant 0 : i32
      %dma_wait3A_63 = tpu.memref_slice %arg2[%dma_wait3A_61, %dma_wait3A_62] : memref<10000x128xf32, #tpu.memory_space<hbm>> -> memref<10000x128xf32, #tpu.memory_space<hbm>>
      tpu.wait_indirect_dma semaphore(%arg12 : memref<!tpu.dma_semaphore, #tpu.memory_space<semaphore_mem>>) src(%dma_wait3A_63 : memref<10000x128xf32, #tpu.memory_space<hbm>>) dst(%arg9 : memref<125x128xf32, #tpu.memory_space<vmem>>)
      %dma_start3A_64 = arith.constant 0 : i32
      %dma_start3A_65 = tpu.memref_slice %arg8[%add3A_57, %dma_start3A_64] : memref<40x125xi32, #tpu.memory_space<vmem>> -> memref<1x125xi32, #tpu.memory_space<vmem>>
      %dma_start3A_66 = tpu.memref_squeeze %dma_start3A_65 : memref<1x125xi32, #tpu.memory_space<vmem>> -> memref<125xi32, #tpu.memory_space<vmem>>
      %dma_start3A_67 = arith.constant 0 : i32
      %dma_start3A_68 = arith.constant 0 : i32
      %dma_start3A_69 = tpu.memref_slice %arg11[%dma_start3A_67, %dma_start3A_68] : memref<10112x128xf32, #tpu.memory_space<vmem_shared>> -> memref<10112x128xf32, #tpu.memory_space<vmem_shared>>
      tpu.enqueue_indirect_dma source(%arg9 : memref<125x128xf32, #tpu.memory_space<vmem>>) target(%dma_start3A_69 : memref<10112x128xf32, #tpu.memory_space<vmem_shared>>) offsets(%dma_start3A_66 : memref<125xi32, #tpu.memory_space<vmem>>) semaphore(%arg14 : memref<!tpu.dma_semaphore, #tpu.memory_space<semaphore_mem>>) {add = true}
      %ge3A = arith.constant 1 : i32
      %ge3A_70 = arith.cmpi sge, %add3A_57, %ge3A : i32
      %convert_element_type3A = arith.extui %ge3A_70 : i1 to i32
      %cond3A = arith.constant 0 : i32
      %cond3A_71 = arith.cmpi ne, %convert_element_type3A, %cond3A : i32
      scf.if %cond3A_71 {
        %sub3A = arith.constant 1 : i32
        %sub3A_106 = arith.subi %add3A_57, %sub3A : i32
        %dma_wait3A_107 = arith.constant 0 : i32
        %dma_wait3A_108 = tpu.memref_slice %arg8[%sub3A_106, %dma_wait3A_107] : memref<40x125xi32, #tpu.memory_space<vmem>> -> memref<1x125xi32, #tpu.memory_space<vmem>>
        %dma_wait3A_109 = tpu.memref_squeeze %dma_wait3A_108 : memref<1x125xi32, #tpu.memory_space<vmem>> -> memref<125xi32, #tpu.memory_space<vmem>>
        %dma_wait3A_110 = arith.constant 0 : i32
        %dma_wait3A_111 = arith.constant 0 : i32
        %dma_wait3A_112 = tpu.memref_slice %arg11[%dma_wait3A_110, %dma_wait3A_111] : memref<10112x128xf32, #tpu.memory_space<vmem_shared>> -> memref<10112x128xf32, #tpu.memory_space<vmem_shared>>
        tpu.wait_indirect_dma semaphore(%arg15 : memref<!tpu.dma_semaphore, #tpu.memory_space<semaphore_mem>>) src(%arg10 : memref<125x128xf32, #tpu.memory_space<vmem>>) dst(%dma_wait3A_112 : memref<10112x128xf32, #tpu.memory_space<vmem_shared>>)
      } else {
      }
      %add3A_72 = arith.constant 1 : i32
      %add3A_73 = arith.addi %add3A_57, %add3A_72 : i32
      %lt3A = arith.constant 40 : i32
      %lt3A_74 = arith.cmpi slt, %add3A_73, %lt3A : i32
      %convert_element_type3A_75 = arith.extui %lt3A_74 : i1 to i32
      %cond3A_76 = arith.constant 0 : i32
      %cond3A_77 = arith.cmpi ne, %convert_element_type3A_75, %cond3A_76 : i32
      scf.if %cond3A_77 {
        %add3A_106 = arith.constant 1 : i32
        %add3A_107 = arith.addi %add3A_57, %add3A_106 : i32
        %dma_start3A_108 = arith.constant 0 : i32
        %dma_start3A_109 = tpu.memref_slice %arg7[%add3A_107, %dma_start3A_108] : memref<40x125xi32, #tpu.memory_space<vmem>> -> memref<1x125xi32, #tpu.memory_space<vmem>>
        %dma_start3A_110 = tpu.memref_squeeze %dma_start3A_109 : memref<1x125xi32, #tpu.memory_space<vmem>> -> memref<125xi32, #tpu.memory_space<vmem>>
        %dma_start3A_111 = arith.constant 0 : i32
        %dma_start3A_112 = arith.constant 0 : i32
        %dma_start3A_113 = tpu.memref_slice %arg2[%dma_start3A_111, %dma_start3A_112] : memref<10000x128xf32, #tpu.memory_space<hbm>> -> memref<10000x128xf32, #tpu.memory_space<hbm>>
        tpu.enqueue_indirect_dma source(%dma_start3A_113 : memref<10000x128xf32, #tpu.memory_space<hbm>>) target(%arg10 : memref<125x128xf32, #tpu.memory_space<vmem>>) offsets(%dma_start3A_110 : memref<125xi32, #tpu.memory_space<vmem>>) semaphore(%arg13 : memref<!tpu.dma_semaphore, #tpu.memory_space<semaphore_mem>>)
      } else {
      }
      %mul3A_78 = arith.constant 2 : i32
      %mul3A_79 = arith.muli %mul3A_78, %scan3A_53 : i32
      %add3A_80 = arith.constant 1 : i32
      %add3A_81 = arith.addi %mul3A_79, %add3A_80 : i32
      %dma_wait3A_82 = arith.constant 0 : i32
      %dma_wait3A_83 = tpu.memref_slice %arg7[%add3A_81, %dma_wait3A_82] : memref<40x125xi32, #tpu.memory_space<vmem>> -> memref<1x125xi32, #tpu.memory_space<vmem>>
      %dma_wait3A_84 = tpu.memref_squeeze %dma_wait3A_83 : memref<1x125xi32, #tpu.memory_space<vmem>> -> memref<125xi32, #tpu.memory_space<vmem>>
      %dma_wait3A_85 = arith.constant 0 : i32
      %dma_wait3A_86 = arith.constant 0 : i32
      %dma_wait3A_87 = tpu.memref_slice %arg2[%dma_wait3A_85, %dma_wait3A_86] : memref<10000x128xf32, #tpu.memory_space<hbm>> -> memref<10000x128xf32, #tpu.memory_space<hbm>>
      tpu.wait_indirect_dma semaphore(%arg13 : memref<!tpu.dma_semaphore, #tpu.memory_space<semaphore_mem>>) src(%dma_wait3A_87 : memref<10000x128xf32, #tpu.memory_space<hbm>>) dst(%arg10 : memref<125x128xf32, #tpu.memory_space<vmem>>)
      %dma_start3A_88 = arith.constant 0 : i32
      %dma_start3A_89 = tpu.memref_slice %arg8[%add3A_81, %dma_start3A_88] : memref<40x125xi32, #tpu.memory_space<vmem>> -> memref<1x125xi32, #tpu.memory_space<vmem>>
      %dma_start3A_90 = tpu.memref_squeeze %dma_start3A_89 : memref<1x125xi32, #tpu.memory_space<vmem>> -> memref<125xi32, #tpu.memory_space<vmem>>
      %dma_start3A_91 = arith.constant 0 : i32
      %dma_start3A_92 = arith.constant 0 : i32
      %dma_start3A_93 = tpu.memref_slice %arg11[%dma_start3A_91, %dma_start3A_92] : memref<10112x128xf32, #tpu.memory_space<vmem_shared>> -> memref<10112x128xf32, #tpu.memory_space<vmem_shared>>
      tpu.enqueue_indirect_dma source(%arg10 : memref<125x128xf32, #tpu.memory_space<vmem>>) target(%dma_start3A_93 : memref<10112x128xf32, #tpu.memory_space<vmem_shared>>) offsets(%dma_start3A_90 : memref<125xi32, #tpu.memory_space<vmem>>) semaphore(%arg15 : memref<!tpu.dma_semaphore, #tpu.memory_space<semaphore_mem>>) {add = true}
      %ge3A_94 = arith.constant 1 : i32
      %ge3A_95 = arith.cmpi sge, %add3A_81, %ge3A_94 : i32
      %convert_element_type3A_96 = arith.extui %ge3A_95 : i1 to i32
      %cond3A_97 = arith.constant 0 : i32
      %cond3A_98 = arith.cmpi ne, %convert_element_type3A_96, %cond3A_97 : i32
      scf.if %cond3A_98 {
        %sub3A = arith.constant 1 : i32
        %sub3A_106 = arith.subi %add3A_81, %sub3A : i32
        %dma_wait3A_107 = arith.constant 0 : i32
        %dma_wait3A_108 = tpu.memref_slice %arg8[%sub3A_106, %dma_wait3A_107] : memref<40x125xi32, #tpu.memory_space<vmem>> -> memref<1x125xi32, #tpu.memory_space<vmem>>
        %dma_wait3A_109 = tpu.memref_squeeze %dma_wait3A_108 : memref<1x125xi32, #tpu.memory_space<vmem>> -> memref<125xi32, #tpu.memory_space<vmem>>
        %dma_wait3A_110 = arith.constant 0 : i32
        %dma_wait3A_111 = arith.constant 0 : i32
        %dma_wait3A_112 = tpu.memref_slice %arg11[%dma_wait3A_110, %dma_wait3A_111] : memref<10112x128xf32, #tpu.memory_space<vmem_shared>> -> memref<10112x128xf32, #tpu.memory_space<vmem_shared>>
        tpu.wait_indirect_dma semaphore(%arg14 : memref<!tpu.dma_semaphore, #tpu.memory_space<semaphore_mem>>) src(%arg9 : memref<125x128xf32, #tpu.memory_space<vmem>>) dst(%dma_wait3A_112 : memref<10112x128xf32, #tpu.memory_space<vmem_shared>>)
      } else {
      }
      %add3A_99 = arith.constant 1 : i32
      %add3A_100 = arith.addi %add3A_81, %add3A_99 : i32
      %lt3A_101 = arith.constant 40 : i32
      %lt3A_102 = arith.cmpi slt, %add3A_100, %lt3A_101 : i32
      %convert_element_type3A_103 = arith.extui %lt3A_102 : i1 to i32
      %cond3A_104 = arith.constant 0 : i32
      %cond3A_105 = arith.cmpi ne, %convert_element_type3A_103, %cond3A_104 : i32
      scf.if %cond3A_105 {
        %add3A_106 = arith.constant 1 : i32
        %add3A_107 = arith.addi %add3A_81, %add3A_106 : i32
        %dma_start3A_108 = arith.constant 0 : i32
        %dma_start3A_109 = tpu.memref_slice %arg7[%add3A_107, %dma_start3A_108] : memref<40x125xi32, #tpu.memory_space<vmem>> -> memref<1x125xi32, #tpu.memory_space<vmem>>
        %dma_start3A_110 = tpu.memref_squeeze %dma_start3A_109 : memref<1x125xi32, #tpu.memory_space<vmem>> -> memref<125xi32, #tpu.memory_space<vmem>>
        %dma_start3A_111 = arith.constant 0 : i32
        %dma_start3A_112 = arith.constant 0 : i32
        %dma_start3A_113 = tpu.memref_slice %arg2[%dma_start3A_111, %dma_start3A_112] : memref<10000x128xf32, #tpu.memory_space<hbm>> -> memref<10000x128xf32, #tpu.memory_space<hbm>>
        tpu.enqueue_indirect_dma source(%dma_start3A_113 : memref<10000x128xf32, #tpu.memory_space<hbm>>) target(%arg9 : memref<125x128xf32, #tpu.memory_space<vmem>>) offsets(%dma_start3A_110 : memref<125xi32, #tpu.memory_space<vmem>>) semaphore(%arg12 : memref<!tpu.dma_semaphore, #tpu.memory_space<semaphore_mem>>)
      } else {
      }
    }
    %scan3A_16 = arith.constant 20 : i32
    %dma_wait3A = arith.constant 39 : i32
    %dma_wait3A_17 = arith.constant 0 : i32
    %dma_wait3A_18 = tpu.memref_slice %arg8[%dma_wait3A, %dma_wait3A_17] : memref<40x125xi32, #tpu.memory_space<vmem>> -> memref<1x125xi32, #tpu.memory_space<vmem>>
    %dma_wait3A_19 = tpu.memref_squeeze %dma_wait3A_18 : memref<1x125xi32, #tpu.memory_space<vmem>> -> memref<125xi32, #tpu.memory_space<vmem>>
    %dma_wait3A_20 = arith.constant 0 : i32
    %dma_wait3A_21 = arith.constant 0 : i32
    %dma_wait3A_22 = tpu.memref_slice %arg11[%dma_wait3A_20, %dma_wait3A_21] : memref<10112x128xf32, #tpu.memory_space<vmem_shared>> -> memref<10112x128xf32, #tpu.memory_space<vmem_shared>>
    tpu.wait_indirect_dma semaphore(%arg15 : memref<!tpu.dma_semaphore, #tpu.memory_space<semaphore_mem>>) src(%arg10 : memref<125x128xf32, #tpu.memory_space<vmem>>) dst(%dma_wait3A_22 : memref<10112x128xf32, #tpu.memory_space<vmem_shared>>)
    %run_scoped3A_23 = arith.constant 1 : i32
    "tpu.region"() ({
      %run_scoped3A_53 = tpu.sem_alloc : memref<!tpu.dma_semaphore, #tpu.memory_space<semaphore_mem>>
      %dma_start3A_54 = arith.constant 0 : i32
      %dma_start3A_55 = arith.constant 0 : i32
      %dma_start3A_56 = tpu.memref_slice %arg3[%add3A, %run_scoped3A_23, %dma_start3A_54, %dma_start3A_55] : memref<32x2x40x125xi32, #tpu.memory_space<hbm>> -> memref<1x1x40x125xi32, #tpu.memory_space<hbm>>
      %dma_start3A_57 = tpu.memref_squeeze %dma_start3A_56 : memref<1x1x40x125xi32, #tpu.memory_space<hbm>> -> memref<40x125xi32, #tpu.memory_space<hbm>>
      %dma_start3A_58 = arith.constant 0 : i32
      %dma_start3A_59 = arith.constant 0 : i32
      %dma_start3A_60 = tpu.memref_slice %arg3[%add3A, %run_scoped3A_23, %dma_start3A_58, %dma_start3A_59] : memref<32x2x40x125xi32, #tpu.memory_space<hbm>> -> memref<1x1x40x125xi32, #tpu.memory_space<hbm>>
      %dma_start3A_61 = tpu.memref_squeeze %dma_start3A_60 : memref<1x1x40x125xi32, #tpu.memory_space<hbm>> -> memref<40x125xi32, #tpu.memory_space<hbm>>
      tpu.enqueue_dma source(%dma_start3A_61 : memref<40x125xi32, #tpu.memory_space<hbm>>) target(%arg7 : memref<40x125xi32, #tpu.memory_space<vmem>>) target_semaphore(%run_scoped3A_53 : memref<!tpu.dma_semaphore, #tpu.memory_space<semaphore_mem>>)
      %dma_wait3A_62 = arith.constant 0 : i32
      %dma_wait3A_63 = arith.constant 0 : i32
      %dma_wait3A_64 = tpu.memref_slice %arg3[%add3A, %run_scoped3A_23, %dma_wait3A_62, %dma_wait3A_63] : memref<32x2x40x125xi32, #tpu.memory_space<hbm>> -> memref<1x1x40x125xi32, #tpu.memory_space<hbm>>
      %dma_wait3A_65 = tpu.memref_squeeze %dma_wait3A_64 : memref<1x1x40x125xi32, #tpu.memory_space<hbm>> -> memref<40x125xi32, #tpu.memory_space<hbm>>
      %dma_wait3A_66 = arith.constant 0 : i32
      %dma_wait3A_67 = arith.constant 0 : i32
      %dma_wait3A_68 = tpu.memref_slice %arg3[%add3A, %run_scoped3A_23, %dma_wait3A_66, %dma_wait3A_67] : memref<32x2x40x125xi32, #tpu.memory_space<hbm>> -> memref<1x1x40x125xi32, #tpu.memory_space<hbm>>
      %dma_wait3A_69 = tpu.memref_squeeze %dma_wait3A_68 : memref<1x1x40x125xi32, #tpu.memory_space<hbm>> -> memref<40x125xi32, #tpu.memory_space<hbm>>
      tpu.wait_dma2 semaphore(%run_scoped3A_53 : memref<!tpu.dma_semaphore, #tpu.memory_space<semaphore_mem>>) src(%dma_wait3A_69 : memref<40x125xi32, #tpu.memory_space<hbm>>) dst(%arg7 : memref<40x125xi32, #tpu.memory_space<vmem>>)
      tpu.yield
    }) : () -> ()
    %run_scoped3A_24 = arith.constant 1 : i32
    "tpu.region"() ({
      %run_scoped3A_53 = tpu.sem_alloc : memref<!tpu.dma_semaphore, #tpu.memory_space<semaphore_mem>>
      %dma_start3A_54 = arith.constant 0 : i32
      %dma_start3A_55 = arith.constant 0 : i32
      %dma_start3A_56 = tpu.memref_slice %arg4[%add3A, %run_scoped3A_24, %dma_start3A_54, %dma_start3A_55] : memref<32x2x40x125xi32, #tpu.memory_space<hbm>> -> memref<1x1x40x125xi32, #tpu.memory_space<hbm>>
      %dma_start3A_57 = tpu.memref_squeeze %dma_start3A_56 : memref<1x1x40x125xi32, #tpu.memory_space<hbm>> -> memref<40x125xi32, #tpu.memory_space<hbm>>
      %dma_start3A_58 = arith.constant 0 : i32
      %dma_start3A_59 = arith.constant 0 : i32
      %dma_start3A_60 = tpu.memref_slice %arg4[%add3A, %run_scoped3A_24, %dma_start3A_58, %dma_start3A_59] : memref<32x2x40x125xi32, #tpu.memory_space<hbm>> -> memref<1x1x40x125xi32, #tpu.memory_space<hbm>>
      %dma_start3A_61 = tpu.memref_squeeze %dma_start3A_60 : memref<1x1x40x125xi32, #tpu.memory_space<hbm>> -> memref<40x125xi32, #tpu.memory_space<hbm>>
      tpu.enqueue_dma source(%dma_start3A_61 : memref<40x125xi32, #tpu.memory_space<hbm>>) target(%arg8 : memref<40x125xi32, #tpu.memory_space<vmem>>) target_semaphore(%run_scoped3A_53 : memref<!tpu.dma_semaphore, #tpu.memory_space<semaphore_mem>>)
      %dma_wait3A_62 = arith.constant 0 : i32
      %dma_wait3A_63 = arith.constant 0 : i32
      %dma_wait3A_64 = tpu.memref_slice %arg4[%add3A, %run_scoped3A_24, %dma_wait3A_62, %dma_wait3A_63] : memref<32x2x40x125xi32, #tpu.memory_space<hbm>> -> memref<1x1x40x125xi32, #tpu.memory_space<hbm>>
      %dma_wait3A_65 = tpu.memref_squeeze %dma_wait3A_64 : memref<1x1x40x125xi32, #tpu.memory_space<hbm>> -> memref<40x125xi32, #tpu.memory_space<hbm>>
      %dma_wait3A_66 = arith.constant 0 : i32
      %dma_wait3A_67 = arith.constant 0 : i32
      %dma_wait3A_68 = tpu.memref_slice %arg4[%add3A, %run_scoped3A_24, %dma_wait3A_66, %dma_wait3A_67] : memref<32x2x40x125xi32, #tpu.memory_space<hbm>> -> memref<1x1x40x125xi32, #tpu.memory_space<hbm>>
      %dma_wait3A_69 = tpu.memref_squeeze %dma_wait3A_68 : memref<1x1x40x125xi32, #tpu.memory_space<hbm>> -> memref<40x125xi32, #tpu.memory_space<hbm>>
      tpu.wait_dma2 semaphore(%run_scoped3A_53 : memref<!tpu.dma_semaphore, #tpu.memory_space<semaphore_mem>>) src(%dma_wait3A_69 : memref<40x125xi32, #tpu.memory_space<hbm>>) dst(%arg8 : memref<40x125xi32, #tpu.memory_space<vmem>>)
      tpu.yield
    }) : () -> ()
    %dma_start3A_25 = arith.constant 0 : i32
    %dma_start3A_26 = arith.constant 0 : i32
    %dma_start3A_27 = tpu.memref_slice %arg7[%dma_start3A_25, %dma_start3A_26] : memref<40x125xi32, #tpu.memory_space<vmem>> -> memref<1x125xi32, #tpu.memory_space<vmem>>
    %dma_start3A_28 = tpu.memref_squeeze %dma_start3A_27 : memref<1x125xi32, #tpu.memory_space<vmem>> -> memref<125xi32, #tpu.memory_space<vmem>>
    %dma_start3A_29 = arith.constant 0 : i32
    %dma_start3A_30 = arith.constant 0 : i32
    %dma_start3A_31 = tpu.memref_slice %arg2[%dma_start3A_29, %dma_start3A_30] : memref<10000x128xf32, #tpu.memory_space<hbm>> -> memref<10000x128xf32, #tpu.memory_space<hbm>>
    tpu.enqueue_indirect_dma source(%dma_start3A_31 : memref<10000x128xf32, #tpu.memory_space<hbm>>) target(%arg9 : memref<125x128xf32, #tpu.memory_space<vmem>>) offsets(%dma_start3A_28 : memref<125xi32, #tpu.memory_space<vmem>>) semaphore(%arg12 : memref<!tpu.dma_semaphore, #tpu.memory_space<semaphore_mem>>)
    %scan3A_32 = arith.constant 0 : i32
    %scan3A_33 = arith.constant 0 : i32
    %scan3A_34 = arith.constant 20 : i32
    %scan3A_35 = arith.addi %scan3A_33, %scan3A_34 : i32
    %scan3A_36 = arith.constant 1 : i32
    scf.for %scan3A_53 = %scan3A_33 to %scan3A_35 step %scan3A_36  : i32 {
      %mul3A_54 = arith.constant 2 : i32
      %mul3A_55 = arith.muli %mul3A_54, %scan3A_53 : i32
      %add3A_56 = arith.constant 0 : i32
      %add3A_57 = arith.addi %mul3A_55, %add3A_56 : i32
      %dma_wait3A_58 = arith.constant 0 : i32
      %dma_wait3A_59 = tpu.memref_slice %arg7[%add3A_57, %dma_wait3A_58] : memref<40x125xi32, #tpu.memory_space<vmem>> -> memref<1x125xi32, #tpu.memory_space<vmem>>
      %dma_wait3A_60 = tpu.memref_squeeze %dma_wait3A_59 : memref<1x125xi32, #tpu.memory_space<vmem>> -> memref<125xi32, #tpu.memory_space<vmem>>
      %dma_wait3A_61 = arith.constant 0 : i32
      %dma_wait3A_62 = arith.constant 0 : i32
      %dma_wait3A_63 = tpu.memref_slice %arg2[%dma_wait3A_61, %dma_wait3A_62] : memref<10000x128xf32, #tpu.memory_space<hbm>> -> memref<10000x128xf32, #tpu.memory_space<hbm>>
      tpu.wait_indirect_dma semaphore(%arg12 : memref<!tpu.dma_semaphore, #tpu.memory_space<semaphore_mem>>) src(%dma_wait3A_63 : memref<10000x128xf32, #tpu.memory_space<hbm>>) dst(%arg9 : memref<125x128xf32, #tpu.memory_space<vmem>>)
      %dma_start3A_64 = arith.constant 0 : i32
      %dma_start3A_65 = tpu.memref_slice %arg8[%add3A_57, %dma_start3A_64] : memref<40x125xi32, #tpu.memory_space<vmem>> -> memref<1x125xi32, #tpu.memory_space<vmem>>
      %dma_start3A_66 = tpu.memref_squeeze %dma_start3A_65 : memref<1x125xi32, #tpu.memory_space<vmem>> -> memref<125xi32, #tpu.memory_space<vmem>>
      %dma_start3A_67 = arith.constant 0 : i32
      %dma_start3A_68 = arith.constant 0 : i32
      %dma_start3A_69 = tpu.memref_slice %arg11[%dma_start3A_67, %dma_start3A_68] : memref<10112x128xf32, #tpu.memory_space<vmem_shared>> -> memref<10112x128xf32, #tpu.memory_space<vmem_shared>>
      tpu.enqueue_indirect_dma source(%arg9 : memref<125x128xf32, #tpu.memory_space<vmem>>) target(%dma_start3A_69 : memref<10112x128xf32, #tpu.memory_space<vmem_shared>>) offsets(%dma_start3A_66 : memref<125xi32, #tpu.memory_space<vmem>>) semaphore(%arg14 : memref<!tpu.dma_semaphore, #tpu.memory_space<semaphore_mem>>) {add = true}
      %ge3A = arith.constant 1 : i32
      %ge3A_70 = arith.cmpi sge, %add3A_57, %ge3A : i32
      %convert_element_type3A = arith.extui %ge3A_70 : i1 to i32
      %cond3A = arith.constant 0 : i32
      %cond3A_71 = arith.cmpi ne, %convert_element_type3A, %cond3A : i32
      scf.if %cond3A_71 {
        %sub3A = arith.constant 1 : i32
        %sub3A_106 = arith.subi %add3A_57, %sub3A : i32
        %dma_wait3A_107 = arith.constant 0 : i32
        %dma_wait3A_108 = tpu.memref_slice %arg8[%sub3A_106, %dma_wait3A_107] : memref<40x125xi32, #tpu.memory_space<vmem>> -> memref<1x125xi32, #tpu.memory_space<vmem>>
        %dma_wait3A_109 = tpu.memref_squeeze %dma_wait3A_108 : memref<1x125xi32, #tpu.memory_space<vmem>> -> memref<125xi32, #tpu.memory_space<vmem>>
        %dma_wait3A_110 = arith.constant 0 : i32
        %dma_wait3A_111 = arith.constant 0 : i32
        %dma_wait3A_112 = tpu.memref_slice %arg11[%dma_wait3A_110, %dma_wait3A_111] : memref<10112x128xf32, #tpu.memory_space<vmem_shared>> -> memref<10112x128xf32, #tpu.memory_space<vmem_shared>>
        tpu.wait_indirect_dma semaphore(%arg15 : memref<!tpu.dma_semaphore, #tpu.memory_space<semaphore_mem>>) src(%arg10 : memref<125x128xf32, #tpu.memory_space<vmem>>) dst(%dma_wait3A_112 : memref<10112x128xf32, #tpu.memory_space<vmem_shared>>)
      } else {
      }
      %add3A_72 = arith.constant 1 : i32
      %add3A_73 = arith.addi %add3A_57, %add3A_72 : i32
      %lt3A = arith.constant 40 : i32
      %lt3A_74 = arith.cmpi slt, %add3A_73, %lt3A : i32
      %convert_element_type3A_75 = arith.extui %lt3A_74 : i1 to i32
      %cond3A_76 = arith.constant 0 : i32
      %cond3A_77 = arith.cmpi ne, %convert_element_type3A_75, %cond3A_76 : i32
      scf.if %cond3A_77 {
        %add3A_106 = arith.constant 1 : i32
        %add3A_107 = arith.addi %add3A_57, %add3A_106 : i32
        %dma_start3A_108 = arith.constant 0 : i32
        %dma_start3A_109 = tpu.memref_slice %arg7[%add3A_107, %dma_start3A_108] : memref<40x125xi32, #tpu.memory_space<vmem>> -> memref<1x125xi32, #tpu.memory_space<vmem>>
        %dma_start3A_110 = tpu.memref_squeeze %dma_start3A_109 : memref<1x125xi32, #tpu.memory_space<vmem>> -> memref<125xi32, #tpu.memory_space<vmem>>
        %dma_start3A_111 = arith.constant 0 : i32
        %dma_start3A_112 = arith.constant 0 : i32
        %dma_start3A_113 = tpu.memref_slice %arg2[%dma_start3A_111, %dma_start3A_112] : memref<10000x128xf32, #tpu.memory_space<hbm>> -> memref<10000x128xf32, #tpu.memory_space<hbm>>
        tpu.enqueue_indirect_dma source(%dma_start3A_113 : memref<10000x128xf32, #tpu.memory_space<hbm>>) target(%arg10 : memref<125x128xf32, #tpu.memory_space<vmem>>) offsets(%dma_start3A_110 : memref<125xi32, #tpu.memory_space<vmem>>) semaphore(%arg13 : memref<!tpu.dma_semaphore, #tpu.memory_space<semaphore_mem>>)
      } else {
      }
      %mul3A_78 = arith.constant 2 : i32
      %mul3A_79 = arith.muli %mul3A_78, %scan3A_53 : i32
      %add3A_80 = arith.constant 1 : i32
      %add3A_81 = arith.addi %mul3A_79, %add3A_80 : i32
      %dma_wait3A_82 = arith.constant 0 : i32
      %dma_wait3A_83 = tpu.memref_slice %arg7[%add3A_81, %dma_wait3A_82] : memref<40x125xi32, #tpu.memory_space<vmem>> -> memref<1x125xi32, #tpu.memory_space<vmem>>
      %dma_wait3A_84 = tpu.memref_squeeze %dma_wait3A_83 : memref<1x125xi32, #tpu.memory_space<vmem>> -> memref<125xi32, #tpu.memory_space<vmem>>
      %dma_wait3A_85 = arith.constant 0 : i32
      %dma_wait3A_86 = arith.constant 0 : i32
      %dma_wait3A_87 = tpu.memref_slice %arg2[%dma_wait3A_85, %dma_wait3A_86] : memref<10000x128xf32, #tpu.memory_space<hbm>> -> memref<10000x128xf32, #tpu.memory_space<hbm>>
      tpu.wait_indirect_dma semaphore(%arg13 : memref<!tpu.dma_semaphore, #tpu.memory_space<semaphore_mem>>) src(%dma_wait3A_87 : memref<10000x128xf32, #tpu.memory_space<hbm>>) dst(%arg10 : memref<125x128xf32, #tpu.memory_space<vmem>>)
      %dma_start3A_88 = arith.constant 0 : i32
      %dma_start3A_89 = tpu.memref_slice %arg8[%add3A_81, %dma_start3A_88] : memref<40x125xi32, #tpu.memory_space<vmem>> -> memref<1x125xi32, #tpu.memory_space<vmem>>
      %dma_start3A_90 = tpu.memref_squeeze %dma_start3A_89 : memref<1x125xi32, #tpu.memory_space<vmem>> -> memref<125xi32, #tpu.memory_space<vmem>>
      %dma_start3A_91 = arith.constant 0 : i32
      %dma_start3A_92 = arith.constant 0 : i32
      %dma_start3A_93 = tpu.memref_slice %arg11[%dma_start3A_91, %dma_start3A_92] : memref<10112x128xf32, #tpu.memory_space<vmem_shared>> -> memref<10112x128xf32, #tpu.memory_space<vmem_shared>>
      tpu.enqueue_indirect_dma source(%arg10 : memref<125x128xf32, #tpu.memory_space<vmem>>) target(%dma_start3A_93 : memref<10112x128xf32, #tpu.memory_space<vmem_shared>>) offsets(%dma_start3A_90 : memref<125xi32, #tpu.memory_space<vmem>>) semaphore(%arg15 : memref<!tpu.dma_semaphore, #tpu.memory_space<semaphore_mem>>) {add = true}
      %ge3A_94 = arith.constant 1 : i32
      %ge3A_95 = arith.cmpi sge, %add3A_81, %ge3A_94 : i32
      %convert_element_type3A_96 = arith.extui %ge3A_95 : i1 to i32
      %cond3A_97 = arith.constant 0 : i32
      %cond3A_98 = arith.cmpi ne, %convert_element_type3A_96, %cond3A_97 : i32
      scf.if %cond3A_98 {
        %sub3A = arith.constant 1 : i32
        %sub3A_106 = arith.subi %add3A_81, %sub3A : i32
        %dma_wait3A_107 = arith.constant 0 : i32
        %dma_wait3A_108 = tpu.memref_slice %arg8[%sub3A_106, %dma_wait3A_107] : memref<40x125xi32, #tpu.memory_space<vmem>> -> memref<1x125xi32, #tpu.memory_space<vmem>>
        %dma_wait3A_109 = tpu.memref_squeeze %dma_wait3A_108 : memref<1x125xi32, #tpu.memory_space<vmem>> -> memref<125xi32, #tpu.memory_space<vmem>>
        %dma_wait3A_110 = arith.constant 0 : i32
        %dma_wait3A_111 = arith.constant 0 : i32
        %dma_wait3A_112 = tpu.memref_slice %arg11[%dma_wait3A_110, %dma_wait3A_111] : memref<10112x128xf32, #tpu.memory_space<vmem_shared>> -> memref<10112x128xf32, #tpu.memory_space<vmem_shared>>
        tpu.wait_indirect_dma semaphore(%arg14 : memref<!tpu.dma_semaphore, #tpu.memory_space<semaphore_mem>>) src(%arg9 : memref<125x128xf32, #tpu.memory_space<vmem>>) dst(%dma_wait3A_112 : memref<10112x128xf32, #tpu.memory_space<vmem_shared>>)
      } else {
      }
      %add3A_99 = arith.constant 1 : i32
      %add3A_100 = arith.addi %add3A_81, %add3A_99 : i32
      %lt3A_101 = arith.constant 40 : i32
      %lt3A_102 = arith.cmpi slt, %add3A_100, %lt3A_101 : i32
      %convert_element_type3A_103 = arith.extui %lt3A_102 : i1 to i32
      %cond3A_104 = arith.constant 0 : i32
      %cond3A_105 = arith.cmpi ne, %convert_element_type3A_103, %cond3A_104 : i32
      scf.if %cond3A_105 {
        %add3A_106 = arith.constant 1 : i32
        %add3A_107 = arith.addi %add3A_81, %add3A_106 : i32
        %dma_start3A_108 = arith.constant 0 : i32
        %dma_start3A_109 = tpu.memref_slice %arg7[%add3A_107, %dma_start3A_108] : memref<40x125xi32, #tpu.memory_space<vmem>> -> memref<1x125xi32, #tpu.memory_space<vmem>>
        %dma_start3A_110 = tpu.memref_squeeze %dma_start3A_109 : memref<1x125xi32, #tpu.memory_space<vmem>> -> memref<125xi32, #tpu.memory_space<vmem>>
        %dma_start3A_111 = arith.constant 0 : i32
        %dma_start3A_112 = arith.constant 0 : i32
        %dma_start3A_113 = tpu.memref_slice %arg2[%dma_start3A_111, %dma_start3A_112] : memref<10000x128xf32, #tpu.memory_space<hbm>> -> memref<10000x128xf32, #tpu.memory_space<hbm>>
        tpu.enqueue_indirect_dma source(%dma_start3A_113 : memref<10000x128xf32, #tpu.memory_space<hbm>>) target(%arg9 : memref<125x128xf32, #tpu.memory_space<vmem>>) offsets(%dma_start3A_110 : memref<125xi32, #tpu.memory_space<vmem>>) semaphore(%arg12 : memref<!tpu.dma_semaphore, #tpu.memory_space<semaphore_mem>>)
      } else {
      }
    }
    %scan3A_37 = arith.constant 20 : i32
    %dma_wait3A_38 = arith.constant 39 : i32
    %dma_wait3A_39 = arith.constant 0 : i32
    %dma_wait3A_40 = tpu.memref_slice %arg8[%dma_wait3A_38, %dma_wait3A_39] : memref<40x125xi32, #tpu.memory_space<vmem>> -> memref<1x125xi32, #tpu.memory_space<vmem>>
    %dma_wait3A_41 = tpu.memref_squeeze %dma_wait3A_40 : memref<1x125xi32, #tpu.memory_space<vmem>> -> memref<125xi32, #tpu.memory_space<vmem>>
    %dma_wait3A_42 = arith.constant 0 : i32
    %dma_wait3A_43 = arith.constant 0 : i32
    %dma_wait3A_44 = tpu.memref_slice %arg11[%dma_wait3A_42, %dma_wait3A_43] : memref<10112x128xf32, #tpu.memory_space<vmem_shared>> -> memref<10112x128xf32, #tpu.memory_space<vmem_shared>>
    tpu.wait_indirect_dma semaphore(%arg15 : memref<!tpu.dma_semaphore, #tpu.memory_space<semaphore_mem>>) src(%arg10 : memref<125x128xf32, #tpu.memory_space<vmem>>) dst(%dma_wait3A_44 : memref<10112x128xf32, #tpu.memory_space<vmem_shared>>)
    %barrier3A_45 = arith.constant 0 : index
    tpu.barrier barrier_id(%barrier3A_45)
    %mul3A_46 = arith.constant 632 : i32
    %mul3A_47 = arith.muli %arg1, %mul3A_46 : i32
    %mul3A_48 = arith.constant 10112 : i32
    %mul3A_49 = arith.muli %arg0, %mul3A_48 : i32
    %mul3A_50 = arith.constant 632 : i32
    %mul3A_51 = arith.muli %arg1, %mul3A_50 : i32
    %add3A_52 = arith.addi %mul3A_49, %mul3A_51 : i32
    "tpu.region"() ({
      %run_scoped3A_53 = tpu.sem_alloc : memref<!tpu.dma_semaphore, #tpu.memory_space<semaphore_mem>>
      %dma_start3A_54 = arith.constant 0 : i32
      %dma_start3A_55 = tpu.memref_slice %arg6[%add3A_52, %dma_start3A_54] : memref<20224x128xf32, #tpu.memory_space<hbm>> -> memref<632x128xf32, #tpu.memory_space<hbm>>
      %dma_start3A_56 = arith.constant 0 : i32
      %dma_start3A_57 = tpu.memref_slice %arg11[%mul3A_47, %dma_start3A_56] : memref<10112x128xf32, #tpu.memory_space<vmem_shared>> -> memref<632x128xf32, #tpu.memory_space<vmem_shared>>
      tpu.enqueue_dma source(%dma_start3A_57 : memref<632x128xf32, #tpu.memory_space<vmem_shared>>) target(%dma_start3A_55 : memref<632x128xf32, #tpu.memory_space<hbm>>) target_semaphore(%run_scoped3A_53 : memref<!tpu.dma_semaphore, #tpu.memory_space<semaphore_mem>>)
      %dma_wait3A_58 = arith.constant 0 : i32
      %dma_wait3A_59 = tpu.memref_slice %arg6[%add3A_52, %dma_wait3A_58] : memref<20224x128xf32, #tpu.memory_space<hbm>> -> memref<632x128xf32, #tpu.memory_space<hbm>>
      %dma_wait3A_60 = arith.constant 0 : i32
      %dma_wait3A_61 = tpu.memref_slice %arg11[%mul3A_47, %dma_wait3A_60] : memref<10112x128xf32, #tpu.memory_space<vmem_shared>> -> memref<632x128xf32, #tpu.memory_space<vmem_shared>>
      tpu.wait_dma2 semaphore(%run_scoped3A_53 : memref<!tpu.dma_semaphore, #tpu.memory_space<semaphore_mem>>) src(%dma_wait3A_61 : memref<632x128xf32, #tpu.memory_space<vmem_shared>>) dst(%dma_wait3A_59 : memref<632x128xf32, #tpu.memory_space<hbm>>)
      tpu.yield
    }) : () -> ()
    return
  }
}

#map = affine_map<(d0, d1) -> (0, 0)>
#map1 = affine_map<(d0, d1) -> (0, 0, 0, 0)>
module attributes {stable_mosaic.version = 14 : i64} {
  func.func @k(%arg0: i32, %arg1: i32, %arg2: memref<10000x128xf32, #tpu.memory_space<hbm>>, %arg3: memref<32x2x40x125xi32, #tpu.memory_space<hbm>>, %arg4: memref<32x2x40x125xi32, #tpu.memory_space<hbm>>, %arg5: memref<10112x128xf32, #tpu.memory_space<hbm>>, %arg6: memref<20224x128xf32, #tpu.memory_space<hbm>>, %arg7: memref<40x125xi32, #tpu.memory_space<vmem>>, %arg8: memref<40x125xi32, #tpu.memory_space<vmem>>, %arg9: memref<125x128xf32, #tpu.memory_space<vmem>>, %arg10: memref<125x128xf32, #tpu.memory_space<vmem>>, %arg11: memref<10112x128xf32, #tpu.memory_space<vmem_shared>>, %arg12: memref<!tpu.dma_semaphore, #tpu.memory_space<semaphore_mem>>, %arg13: memref<!tpu.dma_semaphore, #tpu.memory_space<semaphore_mem>>, %arg14: memref<!tpu.dma_semaphore, #tpu.memory_space<semaphore_mem>>, %arg15: memref<!tpu.dma_semaphore, #tpu.memory_space<semaphore_mem>>) attributes {dimension_semantics = [#tpu.dimension_semantics<core_parallel>, #tpu.dimension_semantics<subcore_parallel>], iteration_bounds = array<i64: 2, 16>, scalar_prefetch = 0 : i64, scratch_operands = 9 : i64, tpu.core_type = #tpu.core_type<sc_vector_subcore>, window_params = [{transform_indices = #map}, {transform_indices = #map1}, {transform_indices = #map1}, {transform_indices = #map}, {transform_indices = #map}]} {
    %mul3A = arith.constant 16 : i32
    %mul3A_0 = arith.muli %arg0, %mul3A : i32
    %add3A = arith.addi %mul3A_0, %arg1 : i32
    %run_scoped3A = arith.constant 0 : i32
    "tpu.region"() ({
      %run_scoped3A_53 = tpu.sem_alloc : memref<!tpu.dma_semaphore, #tpu.memory_space<semaphore_mem>>
      %dma_start3A_54 = arith.constant 0 : i32
      %dma_start3A_55 = arith.constant 0 : i32
      %dma_start3A_56 = tpu.memref_slice %arg3[%add3A, %run_scoped3A, %dma_start3A_54, %dma_start3A_55] : memref<32x2x40x125xi32, #tpu.memory_space<hbm>> -> memref<1x1x40x125xi32, #tpu.memory_space<hbm>>
      %dma_start3A_57 = tpu.memref_squeeze %dma_start3A_56 : memref<1x1x40x125xi32, #tpu.memory_space<hbm>> -> memref<40x125xi32, #tpu.memory_space<hbm>>
      %dma_start3A_58 = arith.constant 0 : i32
      %dma_start3A_59 = arith.constant 0 : i32
      %dma_start3A_60 = tpu.memref_slice %arg3[%add3A, %run_scoped3A, %dma_start3A_58, %dma_start3A_59] : memref<32x2x40x125xi32, #tpu.memory_space<hbm>> -> memref<1x1x40x125xi32, #tpu.memory_space<hbm>>
      %dma_start3A_61 = tpu.memref_squeeze %dma_start3A_60 : memref<1x1x40x125xi32, #tpu.memory_space<hbm>> -> memref<40x125xi32, #tpu.memory_space<hbm>>
      tpu.enqueue_dma source(%dma_start3A_61 : memref<40x125xi32, #tpu.memory_space<hbm>>) target(%arg7 : memref<40x125xi32, #tpu.memory_space<vmem>>) target_semaphore(%run_scoped3A_53 : memref<!tpu.dma_semaphore, #tpu.memory_space<semaphore_mem>>)
      %dma_wait3A_62 = arith.constant 0 : i32
      %dma_wait3A_63 = arith.constant 0 : i32
      %dma_wait3A_64 = tpu.memref_slice %arg3[%add3A, %run_scoped3A, %dma_wait3A_62, %dma_wait3A_63] : memref<32x2x40x125xi32, #tpu.memory_space<hbm>> -> memref<1x1x40x125xi32, #tpu.memory_space<hbm>>
      %dma_wait3A_65 = tpu.memref_squeeze %dma_wait3A_64 : memref<1x1x40x125xi32, #tpu.memory_space<hbm>> -> memref<40x125xi32, #tpu.memory_space<hbm>>
      %dma_wait3A_66 = arith.constant 0 : i32
      %dma_wait3A_67 = arith.constant 0 : i32
      %dma_wait3A_68 = tpu.memref_slice %arg3[%add3A, %run_scoped3A, %dma_wait3A_66, %dma_wait3A_67] : memref<32x2x40x125xi32, #tpu.memory_space<hbm>> -> memref<1x1x40x125xi32, #tpu.memory_space<hbm>>
      %dma_wait3A_69 = tpu.memref_squeeze %dma_wait3A_68 : memref<1x1x40x125xi32, #tpu.memory_space<hbm>> -> memref<40x125xi32, #tpu.memory_space<hbm>>
      tpu.wait_dma2 semaphore(%run_scoped3A_53 : memref<!tpu.dma_semaphore, #tpu.memory_space<semaphore_mem>>) src(%dma_wait3A_69 : memref<40x125xi32, #tpu.memory_space<hbm>>) dst(%arg7 : memref<40x125xi32, #tpu.memory_space<vmem>>)
      tpu.yield
    }) : () -> ()
    %run_scoped3A_1 = arith.constant 0 : i32
    "tpu.region"() ({
      %run_scoped3A_53 = tpu.sem_alloc : memref<!tpu.dma_semaphore, #tpu.memory_space<semaphore_mem>>
      %dma_start3A_54 = arith.constant 0 : i32
      %dma_start3A_55 = arith.constant 0 : i32
      %dma_start3A_56 = tpu.memref_slice %arg4[%add3A, %run_scoped3A_1, %dma_start3A_54, %dma_start3A_55] : memref<32x2x40x125xi32, #tpu.memory_space<hbm>> -> memref<1x1x40x125xi32, #tpu.memory_space<hbm>>
      %dma_start3A_57 = tpu.memref_squeeze %dma_start3A_56 : memref<1x1x40x125xi32, #tpu.memory_space<hbm>> -> memref<40x125xi32, #tpu.memory_space<hbm>>
      %dma_start3A_58 = arith.constant 0 : i32
      %dma_start3A_59 = arith.constant 0 : i32
      %dma_start3A_60 = tpu.memref_slice %arg4[%add3A, %run_scoped3A_1, %dma_start3A_58, %dma_start3A_59] : memref<32x2x40x125xi32, #tpu.memory_space<hbm>> -> memref<1x1x40x125xi32, #tpu.memory_space<hbm>>
      %dma_start3A_61 = tpu.memref_squeeze %dma_start3A_60 : memref<1x1x40x125xi32, #tpu.memory_space<hbm>> -> memref<40x125xi32, #tpu.memory_space<hbm>>
      tpu.enqueue_dma source(%dma_start3A_61 : memref<40x125xi32, #tpu.memory_space<hbm>>) target(%arg8 : memref<40x125xi32, #tpu.memory_space<vmem>>) target_semaphore(%run_scoped3A_53 : memref<!tpu.dma_semaphore, #tpu.memory_space<semaphore_mem>>)
      %dma_wait3A_62 = arith.constant 0 : i32
      %dma_wait3A_63 = arith.constant 0 : i32
      %dma_wait3A_64 = tpu.memref_slice %arg4[%add3A, %run_scoped3A_1, %dma_wait3A_62, %dma_wait3A_63] : memref<32x2x40x125xi32, #tpu.memory_space<hbm>> -> memref<1x1x40x125xi32, #tpu.memory_space<hbm>>
      %dma_wait3A_65 = tpu.memref_squeeze %dma_wait3A_64 : memref<1x1x40x125xi32, #tpu.memory_space<hbm>> -> memref<40x125xi32, #tpu.memory_space<hbm>>
      %dma_wait3A_66 = arith.constant 0 : i32
      %dma_wait3A_67 = arith.constant 0 : i32
      %dma_wait3A_68 = tpu.memref_slice %arg4[%add3A, %run_scoped3A_1, %dma_wait3A_66, %dma_wait3A_67] : memref<32x2x40x125xi32, #tpu.memory_space<hbm>> -> memref<1x1x40x125xi32, #tpu.memory_space<hbm>>
      %dma_wait3A_69 = tpu.memref_squeeze %dma_wait3A_68 : memref<1x1x40x125xi32, #tpu.memory_space<hbm>> -> memref<40x125xi32, #tpu.memory_space<hbm>>
      tpu.wait_dma2 semaphore(%run_scoped3A_53 : memref<!tpu.dma_semaphore, #tpu.memory_space<semaphore_mem>>) src(%dma_wait3A_69 : memref<40x125xi32, #tpu.memory_space<hbm>>) dst(%arg8 : memref<40x125xi32, #tpu.memory_space<vmem>>)
      tpu.yield
    }) : () -> ()
    %dma_start3A = arith.constant 0 : i32
    %dma_start3A_2 = arith.constant 0 : i32
    %dma_start3A_3 = tpu.memref_slice %arg7[%dma_start3A, %dma_start3A_2] : memref<40x125xi32, #tpu.memory_space<vmem>> -> memref<1x125xi32, #tpu.memory_space<vmem>>
    %dma_start3A_4 = tpu.memref_squeeze %dma_start3A_3 : memref<1x125xi32, #tpu.memory_space<vmem>> -> memref<125xi32, #tpu.memory_space<vmem>>
    %dma_start3A_5 = arith.constant 0 : i32
    %dma_start3A_6 = arith.constant 0 : i32
    %dma_start3A_7 = tpu.memref_slice %arg2[%dma_start3A_5, %dma_start3A_6] : memref<10000x128xf32, #tpu.memory_space<hbm>> -> memref<10000x128xf32, #tpu.memory_space<hbm>>
    tpu.enqueue_indirect_dma source(%dma_start3A_7 : memref<10000x128xf32, #tpu.memory_space<hbm>>) target(%arg9 : memref<125x128xf32, #tpu.memory_space<vmem>>) offsets(%dma_start3A_4 : memref<125xi32, #tpu.memory_space<vmem>>) semaphore(%arg12 : memref<!tpu.dma_semaphore, #tpu.memory_space<semaphore_mem>>)
    %mul3A_8 = arith.constant 632 : i32
    %mul3A_9 = arith.muli %arg1, %mul3A_8 : i32
    %mul3A_10 = arith.constant 632 : i32
    %mul3A_11 = arith.muli %arg1, %mul3A_10 : i32
    "tpu.region"() ({
      %run_scoped3A_53 = tpu.sem_alloc : memref<!tpu.dma_semaphore, #tpu.memory_space<semaphore_mem>>
      %dma_start3A_54 = arith.constant 0 : i32
      %dma_start3A_55 = tpu.memref_slice %arg11[%mul3A_11, %dma_start3A_54] : memref<10112x128xf32, #tpu.memory_space<vmem_shared>> -> memref<632x128xf32, #tpu.memory_space<vmem_shared>>
      %dma_start3A_56 = arith.constant 0 : i32
      %dma_start3A_57 = tpu.memref_slice %arg5[%mul3A_9, %dma_start3A_56] : memref<10112x128xf32, #tpu.memory_space<hbm>> -> memref<632x128xf32, #tpu.memory_space<hbm>>
      tpu.enqueue_dma source(%dma_start3A_57 : memref<632x128xf32, #tpu.memory_space<hbm>>) target(%dma_start3A_55 : memref<632x128xf32, #tpu.memory_space<vmem_shared>>) target_semaphore(%run_scoped3A_53 : memref<!tpu.dma_semaphore, #tpu.memory_space<semaphore_mem>>)
      %dma_wait3A_58 = arith.constant 0 : i32
      %dma_wait3A_59 = tpu.memref_slice %arg11[%mul3A_11, %dma_wait3A_58] : memref<10112x128xf32, #tpu.memory_space<vmem_shared>> -> memref<632x128xf32, #tpu.memory_space<vmem_shared>>
      %dma_wait3A_60 = arith.constant 0 : i32
      %dma_wait3A_61 = tpu.memref_slice %arg5[%mul3A_9, %dma_wait3A_60] : memref<10112x128xf32, #tpu.memory_space<hbm>> -> memref<632x128xf32, #tpu.memory_space<hbm>>
      tpu.wait_dma2 semaphore(%run_scoped3A_53 : memref<!tpu.dma_semaphore, #tpu.memory_space<semaphore_mem>>) src(%dma_wait3A_61 : memref<632x128xf32, #tpu.memory_space<hbm>>) dst(%dma_wait3A_59 : memref<632x128xf32, #tpu.memory_space<vmem_shared>>)
      tpu.yield
    }) : () -> ()
    %barrier3A = arith.constant 0 : index
    tpu.barrier barrier_id(%barrier3A)
    %scan3A = arith.constant 0 : i32
    %scan3A_12 = arith.constant 0 : i32
    %scan3A_13 = arith.constant 20 : i32
    %scan3A_14 = arith.addi %scan3A_12, %scan3A_13 : i32
    %scan3A_15 = arith.constant 1 : i32
    scf.for %scan3A_53 = %scan3A_12 to %scan3A_14 step %scan3A_15  : i32 {
      %mul3A_54 = arith.constant 2 : i32
      %mul3A_55 = arith.muli %mul3A_54, %scan3A_53 : i32
      %add3A_56 = arith.constant 0 : i32
      %add3A_57 = arith.addi %mul3A_55, %add3A_56 : i32
      %dma_wait3A_58 = arith.constant 0 : i32
      %dma_wait3A_59 = tpu.memref_slice %arg7[%add3A_57, %dma_wait3A_58] : memref<40x125xi32, #tpu.memory_space<vmem>> -> memref<1x125xi32, #tpu.memory_space<vmem>>
      %dma_wait3A_60 = tpu.memref_squeeze %dma_wait3A_59 : memref<1x125xi32, #tpu.memory_space<vmem>> -> memref<125xi32, #tpu.memory_space<vmem>>
      %dma_wait3A_61 = arith.constant 0 : i32
      %dma_wait3A_62 = arith.constant 0 : i32
      %dma_wait3A_63 = tpu.memref_slice %arg2[%dma_wait3A_61, %dma_wait3A_62] : memref<10000x128xf32, #tpu.memory_space<hbm>> -> memref<10000x128xf32, #tpu.memory_space<hbm>>
      tpu.wait_indirect_dma semaphore(%arg12 : memref<!tpu.dma_semaphore, #tpu.memory_space<semaphore_mem>>) src(%dma_wait3A_63 : memref<10000x128xf32, #tpu.memory_space<hbm>>) dst(%arg9 : memref<125x128xf32, #tpu.memory_space<vmem>>)
      %dma_start3A_64 = arith.constant 0 : i32
      %dma_start3A_65 = tpu.memref_slice %arg8[%add3A_57, %dma_start3A_64] : memref<40x125xi32, #tpu.memory_space<vmem>> -> memref<1x125xi32, #tpu.memory_space<vmem>>
      %dma_start3A_66 = tpu.memref_squeeze %dma_start3A_65 : memref<1x125xi32, #tpu.memory_space<vmem>> -> memref<125xi32, #tpu.memory_space<vmem>>
      %dma_start3A_67 = arith.constant 0 : i32
      %dma_start3A_68 = arith.constant 0 : i32
      %dma_start3A_69 = tpu.memref_slice %arg11[%dma_start3A_67, %dma_start3A_68] : memref<10112x128xf32, #tpu.memory_space<vmem_shared>> -> memref<10112x128xf32, #tpu.memory_space<vmem_shared>>
      tpu.enqueue_indirect_dma source(%arg9 : memref<125x128xf32, #tpu.memory_space<vmem>>) target(%dma_start3A_69 : memref<10112x128xf32, #tpu.memory_space<vmem_shared>>) offsets(%dma_start3A_66 : memref<125xi32, #tpu.memory_space<vmem>>) semaphore(%arg14 : memref<!tpu.dma_semaphore, #tpu.memory_space<semaphore_mem>>) {add = true}
      %ge3A = arith.constant 1 : i32
      %ge3A_70 = arith.cmpi sge, %add3A_57, %ge3A : i32
      %convert_element_type3A = arith.extui %ge3A_70 : i1 to i32
      %cond3A = arith.constant 0 : i32
      %cond3A_71 = arith.cmpi ne, %convert_element_type3A, %cond3A : i32
      scf.if %cond3A_71 {
        %sub3A = arith.constant 1 : i32
        %sub3A_106 = arith.subi %add3A_57, %sub3A : i32
        %dma_wait3A_107 = arith.constant 0 : i32
        %dma_wait3A_108 = tpu.memref_slice %arg8[%sub3A_106, %dma_wait3A_107] : memref<40x125xi32, #tpu.memory_space<vmem>> -> memref<1x125xi32, #tpu.memory_space<vmem>>
        %dma_wait3A_109 = tpu.memref_squeeze %dma_wait3A_108 : memref<1x125xi32, #tpu.memory_space<vmem>> -> memref<125xi32, #tpu.memory_space<vmem>>
        %dma_wait3A_110 = arith.constant 0 : i32
        %dma_wait3A_111 = arith.constant 0 : i32
        %dma_wait3A_112 = tpu.memref_slice %arg11[%dma_wait3A_110, %dma_wait3A_111] : memref<10112x128xf32, #tpu.memory_space<vmem_shared>> -> memref<10112x128xf32, #tpu.memory_space<vmem_shared>>
        tpu.wait_indirect_dma semaphore(%arg15 : memref<!tpu.dma_semaphore, #tpu.memory_space<semaphore_mem>>) src(%arg10 : memref<125x128xf32, #tpu.memory_space<vmem>>) dst(%dma_wait3A_112 : memref<10112x128xf32, #tpu.memory_space<vmem_shared>>)
      } else {
      }
      %add3A_72 = arith.constant 1 : i32
      %add3A_73 = arith.addi %add3A_57, %add3A_72 : i32
      %lt3A = arith.constant 40 : i32
      %lt3A_74 = arith.cmpi slt, %add3A_73, %lt3A : i32
      %convert_element_type3A_75 = arith.extui %lt3A_74 : i1 to i32
      %cond3A_76 = arith.constant 0 : i32
      %cond3A_77 = arith.cmpi ne, %convert_element_type3A_75, %cond3A_76 : i32
      scf.if %cond3A_77 {
        %add3A_106 = arith.constant 1 : i32
        %add3A_107 = arith.addi %add3A_57, %add3A_106 : i32
        %dma_start3A_108 = arith.constant 0 : i32
        %dma_start3A_109 = tpu.memref_slice %arg7[%add3A_107, %dma_start3A_108] : memref<40x125xi32, #tpu.memory_space<vmem>> -> memref<1x125xi32, #tpu.memory_space<vmem>>
        %dma_start3A_110 = tpu.memref_squeeze %dma_start3A_109 : memref<1x125xi32, #tpu.memory_space<vmem>> -> memref<125xi32, #tpu.memory_space<vmem>>
        %dma_start3A_111 = arith.constant 0 : i32
        %dma_start3A_112 = arith.constant 0 : i32
        %dma_start3A_113 = tpu.memref_slice %arg2[%dma_start3A_111, %dma_start3A_112] : memref<10000x128xf32, #tpu.memory_space<hbm>> -> memref<10000x128xf32, #tpu.memory_space<hbm>>
        tpu.enqueue_indirect_dma source(%dma_start3A_113 : memref<10000x128xf32, #tpu.memory_space<hbm>>) target(%arg10 : memref<125x128xf32, #tpu.memory_space<vmem>>) offsets(%dma_start3A_110 : memref<125xi32, #tpu.memory_space<vmem>>) semaphore(%arg13 : memref<!tpu.dma_semaphore, #tpu.memory_space<semaphore_mem>>)
      } else {
      }
      %mul3A_78 = arith.constant 2 : i32
      %mul3A_79 = arith.muli %mul3A_78, %scan3A_53 : i32
      %add3A_80 = arith.constant 1 : i32
      %add3A_81 = arith.addi %mul3A_79, %add3A_80 : i32
      %dma_wait3A_82 = arith.constant 0 : i32
      %dma_wait3A_83 = tpu.memref_slice %arg7[%add3A_81, %dma_wait3A_82] : memref<40x125xi32, #tpu.memory_space<vmem>> -> memref<1x125xi32, #tpu.memory_space<vmem>>
      %dma_wait3A_84 = tpu.memref_squeeze %dma_wait3A_83 : memref<1x125xi32, #tpu.memory_space<vmem>> -> memref<125xi32, #tpu.memory_space<vmem>>
      %dma_wait3A_85 = arith.constant 0 : i32
      %dma_wait3A_86 = arith.constant 0 : i32
      %dma_wait3A_87 = tpu.memref_slice %arg2[%dma_wait3A_85, %dma_wait3A_86] : memref<10000x128xf32, #tpu.memory_space<hbm>> -> memref<10000x128xf32, #tpu.memory_space<hbm>>
      tpu.wait_indirect_dma semaphore(%arg13 : memref<!tpu.dma_semaphore, #tpu.memory_space<semaphore_mem>>) src(%dma_wait3A_87 : memref<10000x128xf32, #tpu.memory_space<hbm>>) dst(%arg10 : memref<125x128xf32, #tpu.memory_space<vmem>>)
      %dma_start3A_88 = arith.constant 0 : i32
      %dma_start3A_89 = tpu.memref_slice %arg8[%add3A_81, %dma_start3A_88] : memref<40x125xi32, #tpu.memory_space<vmem>> -> memref<1x125xi32, #tpu.memory_space<vmem>>
      %dma_start3A_90 = tpu.memref_squeeze %dma_start3A_89 : memref<1x125xi32, #tpu.memory_space<vmem>> -> memref<125xi32, #tpu.memory_space<vmem>>
      %dma_start3A_91 = arith.constant 0 : i32
      %dma_start3A_92 = arith.constant 0 : i32
      %dma_start3A_93 = tpu.memref_slice %arg11[%dma_start3A_91, %dma_start3A_92] : memref<10112x128xf32, #tpu.memory_space<vmem_shared>> -> memref<10112x128xf32, #tpu.memory_space<vmem_shared>>
      tpu.enqueue_indirect_dma source(%arg10 : memref<125x128xf32, #tpu.memory_space<vmem>>) target(%dma_start3A_93 : memref<10112x128xf32, #tpu.memory_space<vmem_shared>>) offsets(%dma_start3A_90 : memref<125xi32, #tpu.memory_space<vmem>>) semaphore(%arg15 : memref<!tpu.dma_semaphore, #tpu.memory_space<semaphore_mem>>) {add = true}
      %ge3A_94 = arith.constant 1 : i32
      %ge3A_95 = arith.cmpi sge, %add3A_81, %ge3A_94 : i32
      %convert_element_type3A_96 = arith.extui %ge3A_95 : i1 to i32
      %cond3A_97 = arith.constant 0 : i32
      %cond3A_98 = arith.cmpi ne, %convert_element_type3A_96, %cond3A_97 : i32
      scf.if %cond3A_98 {
        %sub3A = arith.constant 1 : i32
        %sub3A_106 = arith.subi %add3A_81, %sub3A : i32
        %dma_wait3A_107 = arith.constant 0 : i32
        %dma_wait3A_108 = tpu.memref_slice %arg8[%sub3A_106, %dma_wait3A_107] : memref<40x125xi32, #tpu.memory_space<vmem>> -> memref<1x125xi32, #tpu.memory_space<vmem>>
        %dma_wait3A_109 = tpu.memref_squeeze %dma_wait3A_108 : memref<1x125xi32, #tpu.memory_space<vmem>> -> memref<125xi32, #tpu.memory_space<vmem>>
        %dma_wait3A_110 = arith.constant 0 : i32
        %dma_wait3A_111 = arith.constant 0 : i32
        %dma_wait3A_112 = tpu.memref_slice %arg11[%dma_wait3A_110, %dma_wait3A_111] : memref<10112x128xf32, #tpu.memory_space<vmem_shared>> -> memref<10112x128xf32, #tpu.memory_space<vmem_shared>>
        tpu.wait_indirect_dma semaphore(%arg14 : memref<!tpu.dma_semaphore, #tpu.memory_space<semaphore_mem>>) src(%arg9 : memref<125x128xf32, #tpu.memory_space<vmem>>) dst(%dma_wait3A_112 : memref<10112x128xf32, #tpu.memory_space<vmem_shared>>)
      } else {
      }
      %add3A_99 = arith.constant 1 : i32
      %add3A_100 = arith.addi %add3A_81, %add3A_99 : i32
      %lt3A_101 = arith.constant 40 : i32
      %lt3A_102 = arith.cmpi slt, %add3A_100, %lt3A_101 : i32
      %convert_element_type3A_103 = arith.extui %lt3A_102 : i1 to i32
      %cond3A_104 = arith.constant 0 : i32
      %cond3A_105 = arith.cmpi ne, %convert_element_type3A_103, %cond3A_104 : i32
      scf.if %cond3A_105 {
        %add3A_106 = arith.constant 1 : i32
        %add3A_107 = arith.addi %add3A_81, %add3A_106 : i32
        %dma_start3A_108 = arith.constant 0 : i32
        %dma_start3A_109 = tpu.memref_slice %arg7[%add3A_107, %dma_start3A_108] : memref<40x125xi32, #tpu.memory_space<vmem>> -> memref<1x125xi32, #tpu.memory_space<vmem>>
        %dma_start3A_110 = tpu.memref_squeeze %dma_start3A_109 : memref<1x125xi32, #tpu.memory_space<vmem>> -> memref<125xi32, #tpu.memory_space<vmem>>
        %dma_start3A_111 = arith.constant 0 : i32
        %dma_start3A_112 = arith.constant 0 : i32
        %dma_start3A_113 = tpu.memref_slice %arg2[%dma_start3A_111, %dma_start3A_112] : memref<10000x128xf32, #tpu.memory_space<hbm>> -> memref<10000x128xf32, #tpu.memory_space<hbm>>
        tpu.enqueue_indirect_dma source(%dma_start3A_113 : memref<10000x128xf32, #tpu.memory_space<hbm>>) target(%arg9 : memref<125x128xf32, #tpu.memory_space<vmem>>) offsets(%dma_start3A_110 : memref<125xi32, #tpu.memory_space<vmem>>) semaphore(%arg12 : memref<!tpu.dma_semaphore, #tpu.memory_space<semaphore_mem>>)
      } else {
      }
    }
    %scan3A_16 = arith.constant 20 : i32
    %dma_wait3A = arith.constant 39 : i32
    %dma_wait3A_17 = arith.constant 0 : i32
    %dma_wait3A_18 = tpu.memref_slice %arg8[%dma_wait3A, %dma_wait3A_17] : memref<40x125xi32, #tpu.memory_space<vmem>> -> memref<1x125xi32, #tpu.memory_space<vmem>>
    %dma_wait3A_19 = tpu.memref_squeeze %dma_wait3A_18 : memref<1x125xi32, #tpu.memory_space<vmem>> -> memref<125xi32, #tpu.memory_space<vmem>>
    %dma_wait3A_20 = arith.constant 0 : i32
    %dma_wait3A_21 = arith.constant 0 : i32
    %dma_wait3A_22 = tpu.memref_slice %arg11[%dma_wait3A_20, %dma_wait3A_21] : memref<10112x128xf32, #tpu.memory_space<vmem_shared>> -> memref<10112x128xf32, #tpu.memory_space<vmem_shared>>
    tpu.wait_indirect_dma semaphore(%arg15 : memref<!tpu.dma_semaphore, #tpu.memory_space<semaphore_mem>>) src(%arg10 : memref<125x128xf32, #tpu.memory_space<vmem>>) dst(%dma_wait3A_22 : memref<10112x128xf32, #tpu.memory_space<vmem_shared>>)
    %run_scoped3A_23 = arith.constant 1 : i32
    "tpu.region"() ({
      %run_scoped3A_53 = tpu.sem_alloc : memref<!tpu.dma_semaphore, #tpu.memory_space<semaphore_mem>>
      %dma_start3A_54 = arith.constant 0 : i32
      %dma_start3A_55 = arith.constant 0 : i32
      %dma_start3A_56 = tpu.memref_slice %arg3[%add3A, %run_scoped3A_23, %dma_start3A_54, %dma_start3A_55] : memref<32x2x40x125xi32, #tpu.memory_space<hbm>> -> memref<1x1x40x125xi32, #tpu.memory_space<hbm>>
      %dma_start3A_57 = tpu.memref_squeeze %dma_start3A_56 : memref<1x1x40x125xi32, #tpu.memory_space<hbm>> -> memref<40x125xi32, #tpu.memory_space<hbm>>
      %dma_start3A_58 = arith.constant 0 : i32
      %dma_start3A_59 = arith.constant 0 : i32
      %dma_start3A_60 = tpu.memref_slice %arg3[%add3A, %run_scoped3A_23, %dma_start3A_58, %dma_start3A_59] : memref<32x2x40x125xi32, #tpu.memory_space<hbm>> -> memref<1x1x40x125xi32, #tpu.memory_space<hbm>>
      %dma_start3A_61 = tpu.memref_squeeze %dma_start3A_60 : memref<1x1x40x125xi32, #tpu.memory_space<hbm>> -> memref<40x125xi32, #tpu.memory_space<hbm>>
      tpu.enqueue_dma source(%dma_start3A_61 : memref<40x125xi32, #tpu.memory_space<hbm>>) target(%arg7 : memref<40x125xi32, #tpu.memory_space<vmem>>) target_semaphore(%run_scoped3A_53 : memref<!tpu.dma_semaphore, #tpu.memory_space<semaphore_mem>>)
      %dma_wait3A_62 = arith.constant 0 : i32
      %dma_wait3A_63 = arith.constant 0 : i32
      %dma_wait3A_64 = tpu.memref_slice %arg3[%add3A, %run_scoped3A_23, %dma_wait3A_62, %dma_wait3A_63] : memref<32x2x40x125xi32, #tpu.memory_space<hbm>> -> memref<1x1x40x125xi32, #tpu.memory_space<hbm>>
      %dma_wait3A_65 = tpu.memref_squeeze %dma_wait3A_64 : memref<1x1x40x125xi32, #tpu.memory_space<hbm>> -> memref<40x125xi32, #tpu.memory_space<hbm>>
      %dma_wait3A_66 = arith.constant 0 : i32
      %dma_wait3A_67 = arith.constant 0 : i32
      %dma_wait3A_68 = tpu.memref_slice %arg3[%add3A, %run_scoped3A_23, %dma_wait3A_66, %dma_wait3A_67] : memref<32x2x40x125xi32, #tpu.memory_space<hbm>> -> memref<1x1x40x125xi32, #tpu.memory_space<hbm>>
      %dma_wait3A_69 = tpu.memref_squeeze %dma_wait3A_68 : memref<1x1x40x125xi32, #tpu.memory_space<hbm>> -> memref<40x125xi32, #tpu.memory_space<hbm>>
      tpu.wait_dma2 semaphore(%run_scoped3A_53 : memref<!tpu.dma_semaphore, #tpu.memory_space<semaphore_mem>>) src(%dma_wait3A_69 : memref<40x125xi32, #tpu.memory_space<hbm>>) dst(%arg7 : memref<40x125xi32, #tpu.memory_space<vmem>>)
      tpu.yield
    }) : () -> ()
    %run_scoped3A_24 = arith.constant 1 : i32
    "tpu.region"() ({
      %run_scoped3A_53 = tpu.sem_alloc : memref<!tpu.dma_semaphore, #tpu.memory_space<semaphore_mem>>
      %dma_start3A_54 = arith.constant 0 : i32
      %dma_start3A_55 = arith.constant 0 : i32
      %dma_start3A_56 = tpu.memref_slice %arg4[%add3A, %run_scoped3A_24, %dma_start3A_54, %dma_start3A_55] : memref<32x2x40x125xi32, #tpu.memory_space<hbm>> -> memref<1x1x40x125xi32, #tpu.memory_space<hbm>>
      %dma_start3A_57 = tpu.memref_squeeze %dma_start3A_56 : memref<1x1x40x125xi32, #tpu.memory_space<hbm>> -> memref<40x125xi32, #tpu.memory_space<hbm>>
      %dma_start3A_58 = arith.constant 0 : i32
      %dma_start3A_59 = arith.constant 0 : i32
      %dma_start3A_60 = tpu.memref_slice %arg4[%add3A, %run_scoped3A_24, %dma_start3A_58, %dma_start3A_59] : memref<32x2x40x125xi32, #tpu.memory_space<hbm>> -> memref<1x1x40x125xi32, #tpu.memory_space<hbm>>
      %dma_start3A_61 = tpu.memref_squeeze %dma_start3A_60 : memref<1x1x40x125xi32, #tpu.memory_space<hbm>> -> memref<40x125xi32, #tpu.memory_space<hbm>>
      tpu.enqueue_dma source(%dma_start3A_61 : memref<40x125xi32, #tpu.memory_space<hbm>>) target(%arg8 : memref<40x125xi32, #tpu.memory_space<vmem>>) target_semaphore(%run_scoped3A_53 : memref<!tpu.dma_semaphore, #tpu.memory_space<semaphore_mem>>)
      %dma_wait3A_62 = arith.constant 0 : i32
      %dma_wait3A_63 = arith.constant 0 : i32
      %dma_wait3A_64 = tpu.memref_slice %arg4[%add3A, %run_scoped3A_24, %dma_wait3A_62, %dma_wait3A_63] : memref<32x2x40x125xi32, #tpu.memory_space<hbm>> -> memref<1x1x40x125xi32, #tpu.memory_space<hbm>>
      %dma_wait3A_65 = tpu.memref_squeeze %dma_wait3A_64 : memref<1x1x40x125xi32, #tpu.memory_space<hbm>> -> memref<40x125xi32, #tpu.memory_space<hbm>>
      %dma_wait3A_66 = arith.constant 0 : i32
      %dma_wait3A_67 = arith.constant 0 : i32
      %dma_wait3A_68 = tpu.memref_slice %arg4[%add3A, %run_scoped3A_24, %dma_wait3A_66, %dma_wait3A_67] : memref<32x2x40x125xi32, #tpu.memory_space<hbm>> -> memref<1x1x40x125xi32, #tpu.memory_space<hbm>>
      %dma_wait3A_69 = tpu.memref_squeeze %dma_wait3A_68 : memref<1x1x40x125xi32, #tpu.memory_space<hbm>> -> memref<40x125xi32, #tpu.memory_space<hbm>>
      tpu.wait_dma2 semaphore(%run_scoped3A_53 : memref<!tpu.dma_semaphore, #tpu.memory_space<semaphore_mem>>) src(%dma_wait3A_69 : memref<40x125xi32, #tpu.memory_space<hbm>>) dst(%arg8 : memref<40x125xi32, #tpu.memory_space<vmem>>)
      tpu.yield
    }) : () -> ()
    %dma_start3A_25 = arith.constant 0 : i32
    %dma_start3A_26 = arith.constant 0 : i32
    %dma_start3A_27 = tpu.memref_slice %arg7[%dma_start3A_25, %dma_start3A_26] : memref<40x125xi32, #tpu.memory_space<vmem>> -> memref<1x125xi32, #tpu.memory_space<vmem>>
    %dma_start3A_28 = tpu.memref_squeeze %dma_start3A_27 : memref<1x125xi32, #tpu.memory_space<vmem>> -> memref<125xi32, #tpu.memory_space<vmem>>
    %dma_start3A_29 = arith.constant 0 : i32
    %dma_start3A_30 = arith.constant 0 : i32
    %dma_start3A_31 = tpu.memref_slice %arg2[%dma_start3A_29, %dma_start3A_30] : memref<10000x128xf32, #tpu.memory_space<hbm>> -> memref<10000x128xf32, #tpu.memory_space<hbm>>
    tpu.enqueue_indirect_dma source(%dma_start3A_31 : memref<10000x128xf32, #tpu.memory_space<hbm>>) target(%arg9 : memref<125x128xf32, #tpu.memory_space<vmem>>) offsets(%dma_start3A_28 : memref<125xi32, #tpu.memory_space<vmem>>) semaphore(%arg12 : memref<!tpu.dma_semaphore, #tpu.memory_space<semaphore_mem>>)
    %scan3A_32 = arith.constant 0 : i32
    %scan3A_33 = arith.constant 0 : i32
    %scan3A_34 = arith.constant 20 : i32
    %scan3A_35 = arith.addi %scan3A_33, %scan3A_34 : i32
    %scan3A_36 = arith.constant 1 : i32
    scf.for %scan3A_53 = %scan3A_33 to %scan3A_35 step %scan3A_36  : i32 {
      %mul3A_54 = arith.constant 2 : i32
      %mul3A_55 = arith.muli %mul3A_54, %scan3A_53 : i32
      %add3A_56 = arith.constant 0 : i32
      %add3A_57 = arith.addi %mul3A_55, %add3A_56 : i32
      %dma_wait3A_58 = arith.constant 0 : i32
      %dma_wait3A_59 = tpu.memref_slice %arg7[%add3A_57, %dma_wait3A_58] : memref<40x125xi32, #tpu.memory_space<vmem>> -> memref<1x125xi32, #tpu.memory_space<vmem>>
      %dma_wait3A_60 = tpu.memref_squeeze %dma_wait3A_59 : memref<1x125xi32, #tpu.memory_space<vmem>> -> memref<125xi32, #tpu.memory_space<vmem>>
      %dma_wait3A_61 = arith.constant 0 : i32
      %dma_wait3A_62 = arith.constant 0 : i32
      %dma_wait3A_63 = tpu.memref_slice %arg2[%dma_wait3A_61, %dma_wait3A_62] : memref<10000x128xf32, #tpu.memory_space<hbm>> -> memref<10000x128xf32, #tpu.memory_space<hbm>>
      tpu.wait_indirect_dma semaphore(%arg12 : memref<!tpu.dma_semaphore, #tpu.memory_space<semaphore_mem>>) src(%dma_wait3A_63 : memref<10000x128xf32, #tpu.memory_space<hbm>>) dst(%arg9 : memref<125x128xf32, #tpu.memory_space<vmem>>)
      %dma_start3A_64 = arith.constant 0 : i32
      %dma_start3A_65 = tpu.memref_slice %arg8[%add3A_57, %dma_start3A_64] : memref<40x125xi32, #tpu.memory_space<vmem>> -> memref<1x125xi32, #tpu.memory_space<vmem>>
      %dma_start3A_66 = tpu.memref_squeeze %dma_start3A_65 : memref<1x125xi32, #tpu.memory_space<vmem>> -> memref<125xi32, #tpu.memory_space<vmem>>
      %dma_start3A_67 = arith.constant 0 : i32
      %dma_start3A_68 = arith.constant 0 : i32
      %dma_start3A_69 = tpu.memref_slice %arg11[%dma_start3A_67, %dma_start3A_68] : memref<10112x128xf32, #tpu.memory_space<vmem_shared>> -> memref<10112x128xf32, #tpu.memory_space<vmem_shared>>
      tpu.enqueue_indirect_dma source(%arg9 : memref<125x128xf32, #tpu.memory_space<vmem>>) target(%dma_start3A_69 : memref<10112x128xf32, #tpu.memory_space<vmem_shared>>) offsets(%dma_start3A_66 : memref<125xi32, #tpu.memory_space<vmem>>) semaphore(%arg14 : memref<!tpu.dma_semaphore, #tpu.memory_space<semaphore_mem>>) {add = true}
      %ge3A = arith.constant 1 : i32
      %ge3A_70 = arith.cmpi sge, %add3A_57, %ge3A : i32
      %convert_element_type3A = arith.extui %ge3A_70 : i1 to i32
      %cond3A = arith.constant 0 : i32
      %cond3A_71 = arith.cmpi ne, %convert_element_type3A, %cond3A : i32
      scf.if %cond3A_71 {
        %sub3A = arith.constant 1 : i32
        %sub3A_106 = arith.subi %add3A_57, %sub3A : i32
        %dma_wait3A_107 = arith.constant 0 : i32
        %dma_wait3A_108 = tpu.memref_slice %arg8[%sub3A_106, %dma_wait3A_107] : memref<40x125xi32, #tpu.memory_space<vmem>> -> memref<1x125xi32, #tpu.memory_space<vmem>>
        %dma_wait3A_109 = tpu.memref_squeeze %dma_wait3A_108 : memref<1x125xi32, #tpu.memory_space<vmem>> -> memref<125xi32, #tpu.memory_space<vmem>>
        %dma_wait3A_110 = arith.constant 0 : i32
        %dma_wait3A_111 = arith.constant 0 : i32
        %dma_wait3A_112 = tpu.memref_slice %arg11[%dma_wait3A_110, %dma_wait3A_111] : memref<10112x128xf32, #tpu.memory_space<vmem_shared>> -> memref<10112x128xf32, #tpu.memory_space<vmem_shared>>
        tpu.wait_indirect_dma semaphore(%arg15 : memref<!tpu.dma_semaphore, #tpu.memory_space<semaphore_mem>>) src(%arg10 : memref<125x128xf32, #tpu.memory_space<vmem>>) dst(%dma_wait3A_112 : memref<10112x128xf32, #tpu.memory_space<vmem_shared>>)
      } else {
      }
      %add3A_72 = arith.constant 1 : i32
      %add3A_73 = arith.addi %add3A_57, %add3A_72 : i32
      %lt3A = arith.constant 40 : i32
      %lt3A_74 = arith.cmpi slt, %add3A_73, %lt3A : i32
      %convert_element_type3A_75 = arith.extui %lt3A_74 : i1 to i32
      %cond3A_76 = arith.constant 0 : i32
      %cond3A_77 = arith.cmpi ne, %convert_element_type3A_75, %cond3A_76 : i32
      scf.if %cond3A_77 {
        %add3A_106 = arith.constant 1 : i32
        %add3A_107 = arith.addi %add3A_57, %add3A_106 : i32
        %dma_start3A_108 = arith.constant 0 : i32
        %dma_start3A_109 = tpu.memref_slice %arg7[%add3A_107, %dma_start3A_108] : memref<40x125xi32, #tpu.memory_space<vmem>> -> memref<1x125xi32, #tpu.memory_space<vmem>>
        %dma_start3A_110 = tpu.memref_squeeze %dma_start3A_109 : memref<1x125xi32, #tpu.memory_space<vmem>> -> memref<125xi32, #tpu.memory_space<vmem>>
        %dma_start3A_111 = arith.constant 0 : i32
        %dma_start3A_112 = arith.constant 0 : i32
        %dma_start3A_113 = tpu.memref_slice %arg2[%dma_start3A_111, %dma_start3A_112] : memref<10000x128xf32, #tpu.memory_space<hbm>> -> memref<10000x128xf32, #tpu.memory_space<hbm>>
        tpu.enqueue_indirect_dma source(%dma_start3A_113 : memref<10000x128xf32, #tpu.memory_space<hbm>>) target(%arg10 : memref<125x128xf32, #tpu.memory_space<vmem>>) offsets(%dma_start3A_110 : memref<125xi32, #tpu.memory_space<vmem>>) semaphore(%arg13 : memref<!tpu.dma_semaphore, #tpu.memory_space<semaphore_mem>>)
      } else {
      }
      %mul3A_78 = arith.constant 2 : i32
      %mul3A_79 = arith.muli %mul3A_78, %scan3A_53 : i32
      %add3A_80 = arith.constant 1 : i32
      %add3A_81 = arith.addi %mul3A_79, %add3A_80 : i32
      %dma_wait3A_82 = arith.constant 0 : i32
      %dma_wait3A_83 = tpu.memref_slice %arg7[%add3A_81, %dma_wait3A_82] : memref<40x125xi32, #tpu.memory_space<vmem>> -> memref<1x125xi32, #tpu.memory_space<vmem>>
      %dma_wait3A_84 = tpu.memref_squeeze %dma_wait3A_83 : memref<1x125xi32, #tpu.memory_space<vmem>> -> memref<125xi32, #tpu.memory_space<vmem>>
      %dma_wait3A_85 = arith.constant 0 : i32
      %dma_wait3A_86 = arith.constant 0 : i32
      %dma_wait3A_87 = tpu.memref_slice %arg2[%dma_wait3A_85, %dma_wait3A_86] : memref<10000x128xf32, #tpu.memory_space<hbm>> -> memref<10000x128xf32, #tpu.memory_space<hbm>>
      tpu.wait_indirect_dma semaphore(%arg13 : memref<!tpu.dma_semaphore, #tpu.memory_space<semaphore_mem>>) src(%dma_wait3A_87 : memref<10000x128xf32, #tpu.memory_space<hbm>>) dst(%arg10 : memref<125x128xf32, #tpu.memory_space<vmem>>)
      %dma_start3A_88 = arith.constant 0 : i32
      %dma_start3A_89 = tpu.memref_slice %arg8[%add3A_81, %dma_start3A_88] : memref<40x125xi32, #tpu.memory_space<vmem>> -> memref<1x125xi32, #tpu.memory_space<vmem>>
      %dma_start3A_90 = tpu.memref_squeeze %dma_start3A_89 : memref<1x125xi32, #tpu.memory_space<vmem>> -> memref<125xi32, #tpu.memory_space<vmem>>
      %dma_start3A_91 = arith.constant 0 : i32
      %dma_start3A_92 = arith.constant 0 : i32
      %dma_start3A_93 = tpu.memref_slice %arg11[%dma_start3A_91, %dma_start3A_92] : memref<10112x128xf32, #tpu.memory_space<vmem_shared>> -> memref<10112x128xf32, #tpu.memory_space<vmem_shared>>
      tpu.enqueue_indirect_dma source(%arg10 : memref<125x128xf32, #tpu.memory_space<vmem>>) target(%dma_start3A_93 : memref<10112x128xf32, #tpu.memory_space<vmem_shared>>) offsets(%dma_start3A_90 : memref<125xi32, #tpu.memory_space<vmem>>) semaphore(%arg15 : memref<!tpu.dma_semaphore, #tpu.memory_space<semaphore_mem>>) {add = true}
      %ge3A_94 = arith.constant 1 : i32
      %ge3A_95 = arith.cmpi sge, %add3A_81, %ge3A_94 : i32
      %convert_element_type3A_96 = arith.extui %ge3A_95 : i1 to i32
      %cond3A_97 = arith.constant 0 : i32
      %cond3A_98 = arith.cmpi ne, %convert_element_type3A_96, %cond3A_97 : i32
      scf.if %cond3A_98 {
        %sub3A = arith.constant 1 : i32
        %sub3A_106 = arith.subi %add3A_81, %sub3A : i32
        %dma_wait3A_107 = arith.constant 0 : i32
        %dma_wait3A_108 = tpu.memref_slice %arg8[%sub3A_106, %dma_wait3A_107] : memref<40x125xi32, #tpu.memory_space<vmem>> -> memref<1x125xi32, #tpu.memory_space<vmem>>
        %dma_wait3A_109 = tpu.memref_squeeze %dma_wait3A_108 : memref<1x125xi32, #tpu.memory_space<vmem>> -> memref<125xi32, #tpu.memory_space<vmem>>
        %dma_wait3A_110 = arith.constant 0 : i32
        %dma_wait3A_111 = arith.constant 0 : i32
        %dma_wait3A_112 = tpu.memref_slice %arg11[%dma_wait3A_110, %dma_wait3A_111] : memref<10112x128xf32, #tpu.memory_space<vmem_shared>> -> memref<10112x128xf32, #tpu.memory_space<vmem_shared>>
        tpu.wait_indirect_dma semaphore(%arg14 : memref<!tpu.dma_semaphore, #tpu.memory_space<semaphore_mem>>) src(%arg9 : memref<125x128xf32, #tpu.memory_space<vmem>>) dst(%dma_wait3A_112 : memref<10112x128xf32, #tpu.memory_space<vmem_shared>>)
      } else {
      }
      %add3A_99 = arith.constant 1 : i32
      %add3A_100 = arith.addi %add3A_81, %add3A_99 : i32
      %lt3A_101 = arith.constant 40 : i32
      %lt3A_102 = arith.cmpi slt, %add3A_100, %lt3A_101 : i32
      %convert_element_type3A_103 = arith.extui %lt3A_102 : i1 to i32
      %cond3A_104 = arith.constant 0 : i32
      %cond3A_105 = arith.cmpi ne, %convert_element_type3A_103, %cond3A_104 : i32
      scf.if %cond3A_105 {
        %add3A_106 = arith.constant 1 : i32
        %add3A_107 = arith.addi %add3A_81, %add3A_106 : i32
        %dma_start3A_108 = arith.constant 0 : i32
        %dma_start3A_109 = tpu.memref_slice %arg7[%add3A_107, %dma_start3A_108] : memref<40x125xi32, #tpu.memory_space<vmem>> -> memref<1x125xi32, #tpu.memory_space<vmem>>
        %dma_start3A_110 = tpu.memref_squeeze %dma_start3A_109 : memref<1x125xi32, #tpu.memory_space<vmem>> -> memref<125xi32, #tpu.memory_space<vmem>>
        %dma_start3A_111 = arith.constant 0 : i32
        %dma_start3A_112 = arith.constant 0 : i32
        %dma_start3A_113 = tpu.memref_slice %arg2[%dma_start3A_111, %dma_start3A_112] : memref<10000x128xf32, #tpu.memory_space<hbm>> -> memref<10000x128xf32, #tpu.memory_space<hbm>>
        tpu.enqueue_indirect_dma source(%dma_start3A_113 : memref<10000x128xf32, #tpu.memory_space<hbm>>) target(%arg9 : memref<125x128xf32, #tpu.memory_space<vmem>>) offsets(%dma_start3A_110 : memref<125xi32, #tpu.memory_space<vmem>>) semaphore(%arg12 : memref<!tpu.dma_semaphore, #tpu.memory_space<semaphore_mem>>)
      } else {
      }
    }
    %scan3A_37 = arith.constant 20 : i32
    %dma_wait3A_38 = arith.constant 39 : i32
    %dma_wait3A_39 = arith.constant 0 : i32
    %dma_wait3A_40 = tpu.memref_slice %arg8[%dma_wait3A_38, %dma_wait3A_39] : memref<40x125xi32, #tpu.memory_space<vmem>> -> memref<1x125xi32, #tpu.memory_space<vmem>>
    %dma_wait3A_41 = tpu.memref_squeeze %dma_wait3A_40 : memref<1x125xi32, #tpu.memory_space<vmem>> -> memref<125xi32, #tpu.memory_space<vmem>>
    %dma_wait3A_42 = arith.constant 0 : i32
    %dma_wait3A_43 = arith.constant 0 : i32
    %dma_wait3A_44 = tpu.memref_slice %arg11[%dma_wait3A_42, %dma_wait3A_43] : memref<10112x128xf32, #tpu.memory_space<vmem_shared>> -> memref<10112x128xf32, #tpu.memory_space<vmem_shared>>
    tpu.wait_indirect_dma semaphore(%arg15 : memref<!tpu.dma_semaphore, #tpu.memory_space<semaphore_mem>>) src(%arg10 : memref<125x128xf32, #tpu.memory_space<vmem>>) dst(%dma_wait3A_44 : memref<10112x128xf32, #tpu.memory_space<vmem_shared>>)
    %barrier3A_45 = arith.constant 0 : index
    tpu.barrier barrier_id(%barrier3A_45)
    %mul3A_46 = arith.constant 632 : i32
    %mul3A_47 = arith.muli %arg1, %mul3A_46 : i32
    %mul3A_48 = arith.constant 10112 : i32
    %mul3A_49 = arith.muli %arg0, %mul3A_48 : i32
    %mul3A_50 = arith.constant 632 : i32
    %mul3A_51 = arith.muli %arg1, %mul3A_50 : i32
    %add3A_52 = arith.addi %mul3A_49, %mul3A_51 : i32
    "tpu.region"() ({
      %run_scoped3A_53 = tpu.sem_alloc : memref<!tpu.dma_semaphore, #tpu.memory_space<semaphore_mem>>
      %dma_start3A_54 = arith.constant 0 : i32
      %dma_start3A_55 = tpu.memref_slice %arg6[%add3A_52, %dma_start3A_54] : memref<20224x128xf32, #tpu.memory_space<hbm>> -> memref<632x128xf32, #tpu.memory_space<hbm>>
      %dma_start3A_56 = arith.constant 0 : i32
      %dma_start3A_57 = tpu.memref_slice %arg11[%mul3A_47, %dma_start3A_56] : memref<10112x128xf32, #tpu.memory_space<vmem_shared>> -> memref<632x128xf32, #tpu.memory_space<vmem_shared>>
      tpu.enqueue_dma source(%dma_start3A_57 : memref<632x128xf32, #tpu.memory_space<vmem_shared>>) target(%dma_start3A_55 : memref<632x128xf32, #tpu.memory_space<hbm>>) target_semaphore(%run_scoped3A_53 : memref<!tpu.dma_semaphore, #tpu.memory_space<semaphore_mem>>)
      %dma_wait3A_58 = arith.constant 0 : i32
      %dma_wait3A_59 = tpu.memref_slice %arg6[%add3A_52, %dma_wait3A_58] : memref<20224x128xf32, #tpu.memory_space<hbm>> -> memref<632x128xf32, #tpu.memory_space<hbm>>
      %dma_wait3A_60 = arith.constant 0 : i32
      %dma_wait3A_61 = tpu.memref_slice %arg11[%mul3A_47, %dma_wait3A_60] : memref<10112x128xf32, #tpu.memory_space<vmem_shared>> -> memref<632x128xf32, #tpu.memory_space<vmem_shared>>
      tpu.wait_dma2 semaphore(%run_scoped3A_53 : memref<!tpu.dma_semaphore, #tpu.memory_space<semaphore_mem>>) src(%dma_wait3A_61 : memref<632x128xf32, #tpu.memory_space<vmem_shared>>) dst(%dma_wait3A_59 : memref<632x128xf32, #tpu.memory_space<hbm>>)
      tpu.yield
    }) : () -> ()
    return
  }
}

module attributes {stable_mosaic.version = 14 : i64} {
  func.func @body(%arg0: memref<20224x128xf32, #tpu.memory_space<vmem>>, %arg1: memref<10000x128xf32, #tpu.memory_space<vmem>>, %arg2: memref<128x128xf32, #tpu.memory_space<vmem>>, %arg3: memref<10000x128xf32, #tpu.memory_space<vmem>>, %arg4: memref<10000x1xf32, #tpu.memory_space<vmem>>) attributes {dimension_semantics = [], scalar_prefetch = 0 : i64, scratch_operands = 0 : i64, tpu.core_type = #tpu.core_type<tc>} {
    %get3A = arith.constant 0 : index
    %get3A_0 = arith.constant 0 : index
    %get3A_1 = vector.load %arg0[%get3A, %get3A_0] : memref<20224x128xf32, #tpu.memory_space<vmem>>, vector<10000x1xf32>
    %get3A_2 = arith.constant 10112 : index
    %get3A_3 = arith.constant 0 : index
    %get3A_4 = vector.load %arg0[%get3A_2, %get3A_3] : memref<20224x128xf32, #tpu.memory_space<vmem>>, vector<10000x1xf32>
    %add3A = arith.addf %get3A_1, %get3A_4 : vector<10000x1xf32>
    %add3A_5 = arith.constant 1.000000e+00 : f32
    %add3A_6 = vector.broadcast %add3A_5 : f32 to vector<10000x1xf32>
    %add3A_7 = arith.addf %add3A, %add3A_6 : vector<10000x1xf32>
    %rsqrt3A = math.rsqrt %add3A_7 : vector<10000x1xf32>
    %get3A_8 = arith.constant 0 : index
    %get3A_9 = arith.constant 0 : index
    %get3A_10 = vector.load %arg1[%get3A_8, %get3A_9] : memref<10000x128xf32, #tpu.memory_space<vmem>>, vector<10000x128xf32>
    %get3A_11 = arith.constant 0 : index
    %get3A_12 = arith.constant 0 : index
    %get3A_13 = vector.load %arg2[%get3A_11, %get3A_12] : memref<128x128xf32, #tpu.memory_space<vmem>>, vector<128x128xf32>
    %dot_general3A = arith.constant dense<0.000000e+00> : vector<10000x128xf32>
    %dot_general3A_14 = tpu.matmul %get3A_10, %get3A_13, %dot_general3A {dimension_numbers = #tpu.dot_dimension_numbers<[1], [0], [0], [1], [0, 0, 1, 1], [], []>, transpose_lhs_hint = false} : vector<10000x128xf32>, vector<128x128xf32>, vector<10000x128xf32> -> vector<10000x128xf32>
    %mul3A = vector.broadcast %rsqrt3A : vector<10000x1xf32> to vector<10000x128xf32>
    %mul3A_15 = arith.mulf %dot_general3A_14, %mul3A : vector<10000x128xf32>
    %swap3A = arith.constant 0 : index
    %swap3A_16 = arith.constant 0 : index
    %swap3A_17 = vector.load %arg3[%swap3A, %swap3A_16] : memref<10000x128xf32, #tpu.memory_space<vmem>>, vector<10000x128xf32>
    tpu.vector_store %arg3[%swap3A, %swap3A_16], %mul3A_15 {strides = array<i32>} : memref<10000x128xf32, #tpu.memory_space<vmem>>, vector<10000x128xf32>,
    %swap3A_18 = arith.constant 0 : index
    %swap3A_19 = arith.constant 0 : index
    %swap3A_20 = vector.load %arg4[%swap3A_18, %swap3A_19] : memref<10000x1xf32, #tpu.memory_space<vmem>>, vector<10000x1xf32>
    tpu.vector_store %arg4[%swap3A_18, %swap3A_19], %rsqrt3A {strides = array<i32>} : memref<10000x1xf32, #tpu.memory_space<vmem>>, vector<10000x1xf32>,
    return
  }
}

module attributes {stable_mosaic.version = 14 : i64} {
  func.func @body(%arg0: memref<20224x128xf32, #tpu.memory_space<vmem>>, %arg1: memref<10000x128xf32, #tpu.memory_space<vmem>>, %arg2: memref<10000x1xf32, #tpu.memory_space<vmem>>, %arg3: memref<1x128xf32, #tpu.memory_space<vmem>>, %arg4: memref<1x128xf32, #tpu.memory_space<vmem>>, %arg5: memref<1x128xf32, #tpu.memory_space<vmem>>, %arg6: memref<128x128xf32, #tpu.memory_space<vmem>>, %arg7: memref<10000x128xf32, #tpu.memory_space<vmem>>) attributes {dimension_semantics = [], scalar_prefetch = 0 : i64, scratch_operands = 0 : i64, tpu.core_type = #tpu.core_type<tc>} {
    %get3A = arith.constant 0 : index
    %get3A_0 = arith.constant 0 : index
    %get3A_1 = vector.load %arg0[%get3A, %get3A_0] : memref<20224x128xf32, #tpu.memory_space<vmem>>, vector<10000x128xf32>
    %get3A_2 = arith.constant 10112 : index
    %get3A_3 = arith.constant 0 : index
    %get3A_4 = vector.load %arg0[%get3A_2, %get3A_3] : memref<20224x128xf32, #tpu.memory_space<vmem>>, vector<10000x128xf32>
    %add3A = arith.addf %get3A_1, %get3A_4 : vector<10000x128xf32>
    %get3A_5 = arith.constant 0 : index
    %get3A_6 = arith.constant 0 : index
    %get3A_7 = vector.load %arg1[%get3A_5, %get3A_6] : memref<10000x128xf32, #tpu.memory_space<vmem>>, vector<10000x128xf32>
    %add3A_8 = arith.addf %add3A, %get3A_7 : vector<10000x128xf32>
    %get3A_9 = arith.constant 0 : index
    %get3A_10 = arith.constant 0 : index
    %get3A_11 = vector.load %arg2[%get3A_9, %get3A_10] : memref<10000x1xf32, #tpu.memory_space<vmem>>, vector<10000x1xf32>
    %mul3A = vector.broadcast %get3A_11 : vector<10000x1xf32> to vector<10000x128xf32>
    %mul3A_12 = arith.mulf %add3A_8, %mul3A : vector<10000x128xf32>
    %get3A_13 = arith.constant 0 : index
    %get3A_14 = arith.constant 0 : index
    %get3A_15 = vector.load %arg3[%get3A_13, %get3A_14] : memref<1x128xf32, #tpu.memory_space<vmem>>, vector<1x128xf32>
    %add3A_16 = vector.broadcast %get3A_15 : vector<1x128xf32> to vector<10000x128xf32>
    %add3A_17 = arith.addf %mul3A_12, %add3A_16 : vector<10000x128xf32>
    %reduce_sum3A = arith.constant dense<0.000000e+00> : vector<128xf32>
    %reduce_sum3A_18 = vector.multi_reduction <add>, %add3A_17, %reduce_sum3A [0] : vector<10000x128xf32> to vector<128xf32>
    %broadcast_in_dim3A = vector.shape_cast %reduce_sum3A_18 : vector<128xf32> to vector<1x128xf32>
    %div3A = arith.constant 1.000000e+04 : f32
    %div3A_19 = vector.broadcast %div3A : f32 to vector<1x128xf32>
    %div3A_20 = arith.divf %broadcast_in_dim3A, %div3A_19 : vector<1x128xf32>
    %sub3A = vector.broadcast %div3A_20 : vector<1x128xf32> to vector<10000x128xf32>
    %sub3A_21 = arith.subf %add3A_17, %sub3A : vector<10000x128xf32>
    %integer_pow3A = arith.mulf %sub3A_21, %sub3A_21 : vector<10000x128xf32>
    %reduce_sum3A_22 = arith.constant dense<0.000000e+00> : vector<128xf32>
    %reduce_sum3A_23 = vector.multi_reduction <add>, %integer_pow3A, %reduce_sum3A_22 [0] : vector<10000x128xf32> to vector<128xf32>
    %broadcast_in_dim3A_24 = vector.shape_cast %reduce_sum3A_23 : vector<128xf32> to vector<1x128xf32>
    %div3A_25 = arith.constant 1.000000e+04 : f32
    %div3A_26 = vector.broadcast %div3A_25 : f32 to vector<1x128xf32>
    %div3A_27 = arith.divf %broadcast_in_dim3A_24, %div3A_26 : vector<1x128xf32>
    %sub3A_28 = vector.broadcast %div3A_20 : vector<1x128xf32> to vector<10000x128xf32>
    %sub3A_29 = arith.subf %add3A_17, %sub3A_28 : vector<10000x128xf32>
    %add3A_30 = arith.constant 9.99999974E-6 : f32
    %add3A_31 = vector.broadcast %add3A_30 : f32 to vector<1x128xf32>
    %add3A_32 = arith.addf %div3A_27, %add3A_31 : vector<1x128xf32>
    %rsqrt3A = math.rsqrt %add3A_32 : vector<1x128xf32>
    %mul3A_33 = vector.broadcast %rsqrt3A : vector<1x128xf32> to vector<10000x128xf32>
    %mul3A_34 = arith.mulf %sub3A_29, %mul3A_33 : vector<10000x128xf32>
    %get3A_35 = arith.constant 0 : index
    %get3A_36 = arith.constant 0 : index
    %get3A_37 = vector.load %arg4[%get3A_35, %get3A_36] : memref<1x128xf32, #tpu.memory_space<vmem>>, vector<1x128xf32>
    %mul3A_38 = vector.broadcast %get3A_37 : vector<1x128xf32> to vector<10000x128xf32>
    %mul3A_39 = arith.mulf %mul3A_34, %mul3A_38 : vector<10000x128xf32>
    %get3A_40 = arith.constant 0 : index
    %get3A_41 = arith.constant 0 : index
    %get3A_42 = vector.load %arg5[%get3A_40, %get3A_41] : memref<1x128xf32, #tpu.memory_space<vmem>>, vector<1x128xf32>
    %add3A_43 = vector.broadcast %get3A_42 : vector<1x128xf32> to vector<10000x128xf32>
    %add3A_44 = arith.addf %mul3A_39, %add3A_43 : vector<10000x128xf32>
    %max3A = arith.constant 0.000000e+00 : f32
    %max3A_45 = vector.broadcast %max3A : f32 to vector<10000x128xf32>
    %max3A_46 = arith.maximumf %add3A_44, %max3A_45 : vector<10000x128xf32>
    %get3A_47 = arith.constant 0 : index
    %get3A_48 = arith.constant 0 : index
    %get3A_49 = vector.load %arg6[%get3A_47, %get3A_48] : memref<128x128xf32, #tpu.memory_space<vmem>>, vector<128x128xf32>
    %dot_general3A = arith.constant dense<0.000000e+00> : vector<10000x128xf32>
    %dot_general3A_50 = tpu.matmul %max3A_46, %get3A_49, %dot_general3A {dimension_numbers = #tpu.dot_dimension_numbers<[1], [0], [0], [1], [0, 0, 1, 1], [], []>, transpose_lhs_hint = false} : vector<10000x128xf32>, vector<128x128xf32>, vector<10000x128xf32> -> vector<10000x128xf32>
    %get3A_51 = arith.constant 0 : index
    %get3A_52 = arith.constant 0 : index
    %get3A_53 = vector.load %arg2[%get3A_51, %get3A_52] : memref<10000x1xf32, #tpu.memory_space<vmem>>, vector<10000x1xf32>
    %mul3A_54 = vector.broadcast %get3A_53 : vector<10000x1xf32> to vector<10000x128xf32>
    %mul3A_55 = arith.mulf %dot_general3A_50, %mul3A_54 : vector<10000x128xf32>
    %swap3A = arith.constant 0 : index
    %swap3A_56 = arith.constant 0 : index
    %swap3A_57 = vector.load %arg7[%swap3A, %swap3A_56] : memref<10000x128xf32, #tpu.memory_space<vmem>>, vector<10000x128xf32>
    tpu.vector_store %arg7[%swap3A, %swap3A_56], %mul3A_55 {strides = array<i32>} : memref<10000x128xf32, #tpu.memory_space<vmem>>, vector<10000x128xf32>,
    return
  }
}

module attributes {stable_mosaic.version = 14 : i64} {
  func.func @body(%arg0: memref<20224x128xf32, #tpu.memory_space<vmem>>, %arg1: memref<10000x128xf32, #tpu.memory_space<vmem>>, %arg2: memref<10000x1xf32, #tpu.memory_space<vmem>>, %arg3: memref<1x128xf32, #tpu.memory_space<vmem>>, %arg4: memref<1x128xf32, #tpu.memory_space<vmem>>, %arg5: memref<1x128xf32, #tpu.memory_space<vmem>>, %arg6: memref<10000x1xi32, #tpu.memory_space<vmem>>, %arg7: memref<128x256xf32, #tpu.memory_space<vmem>>, %arg8: memref<1x128xf32, #tpu.memory_space<vmem>>, %arg9: memref<10x128xf32, #tpu.memory_space<vmem>>, %arg10: memref<1x10xf32, #tpu.memory_space<vmem>>, %arg11: memref<128x10xf32, #tpu.memory_space<vmem>>) attributes {dimension_semantics = [], scalar_prefetch = 0 : i64, scratch_operands = 0 : i64, tpu.core_type = #tpu.core_type<tc>} {
    %get3A = arith.constant 0 : index
    %get3A_0 = arith.constant 0 : index
    %get3A_1 = vector.load %arg0[%get3A, %get3A_0] : memref<20224x128xf32, #tpu.memory_space<vmem>>, vector<10000x128xf32>
    %get3A_2 = arith.constant 10112 : index
    %get3A_3 = arith.constant 0 : index
    %get3A_4 = vector.load %arg0[%get3A_2, %get3A_3] : memref<20224x128xf32, #tpu.memory_space<vmem>>, vector<10000x128xf32>
    %add3A = arith.addf %get3A_1, %get3A_4 : vector<10000x128xf32>
    %get3A_5 = arith.constant 0 : index
    %get3A_6 = arith.constant 0 : index
    %get3A_7 = vector.load %arg1[%get3A_5, %get3A_6] : memref<10000x128xf32, #tpu.memory_space<vmem>>, vector<10000x128xf32>
    %add3A_8 = arith.addf %add3A, %get3A_7 : vector<10000x128xf32>
    %get3A_9 = arith.constant 0 : index
    %get3A_10 = arith.constant 0 : index
    %get3A_11 = vector.load %arg2[%get3A_9, %get3A_10] : memref<10000x1xf32, #tpu.memory_space<vmem>>, vector<10000x1xf32>
    %mul3A = vector.broadcast %get3A_11 : vector<10000x1xf32> to vector<10000x128xf32>
    %mul3A_12 = arith.mulf %add3A_8, %mul3A : vector<10000x128xf32>
    %get3A_13 = arith.constant 0 : index
    %get3A_14 = arith.constant 0 : index
    %get3A_15 = vector.load %arg3[%get3A_13, %get3A_14] : memref<1x128xf32, #tpu.memory_space<vmem>>, vector<1x128xf32>
    %add3A_16 = vector.broadcast %get3A_15 : vector<1x128xf32> to vector<10000x128xf32>
    %add3A_17 = arith.addf %mul3A_12, %add3A_16 : vector<10000x128xf32>
    %reduce_sum3A = arith.constant dense<0.000000e+00> : vector<128xf32>
    %reduce_sum3A_18 = vector.multi_reduction <add>, %add3A_17, %reduce_sum3A [0] : vector<10000x128xf32> to vector<128xf32>
    %broadcast_in_dim3A = vector.shape_cast %reduce_sum3A_18 : vector<128xf32> to vector<1x128xf32>
    %div3A = arith.constant 1.000000e+04 : f32
    %div3A_19 = vector.broadcast %div3A : f32 to vector<1x128xf32>
    %div3A_20 = arith.divf %broadcast_in_dim3A, %div3A_19 : vector<1x128xf32>
    %sub3A = vector.broadcast %div3A_20 : vector<1x128xf32> to vector<10000x128xf32>
    %sub3A_21 = arith.subf %add3A_17, %sub3A : vector<10000x128xf32>
    %integer_pow3A = arith.mulf %sub3A_21, %sub3A_21 : vector<10000x128xf32>
    %reduce_sum3A_22 = arith.constant dense<0.000000e+00> : vector<128xf32>
    %reduce_sum3A_23 = vector.multi_reduction <add>, %integer_pow3A, %reduce_sum3A_22 [0] : vector<10000x128xf32> to vector<128xf32>
    %broadcast_in_dim3A_24 = vector.shape_cast %reduce_sum3A_23 : vector<128xf32> to vector<1x128xf32>
    %div3A_25 = arith.constant 1.000000e+04 : f32
    %div3A_26 = vector.broadcast %div3A_25 : f32 to vector<1x128xf32>
    %div3A_27 = arith.divf %broadcast_in_dim3A_24, %div3A_26 : vector<1x128xf32>
    %sub3A_28 = vector.broadcast %div3A_20 : vector<1x128xf32> to vector<10000x128xf32>
    %sub3A_29 = arith.subf %add3A_17, %sub3A_28 : vector<10000x128xf32>
    %add3A_30 = arith.constant 9.99999974E-6 : f32
    %add3A_31 = vector.broadcast %add3A_30 : f32 to vector<1x128xf32>
    %add3A_32 = arith.addf %div3A_27, %add3A_31 : vector<1x128xf32>
    %rsqrt3A = math.rsqrt %add3A_32 : vector<1x128xf32>
    %mul3A_33 = vector.broadcast %rsqrt3A : vector<1x128xf32> to vector<10000x128xf32>
    %mul3A_34 = arith.mulf %sub3A_29, %mul3A_33 : vector<10000x128xf32>
    %get3A_35 = arith.constant 0 : index
    %get3A_36 = arith.constant 0 : index
    %get3A_37 = vector.load %arg4[%get3A_35, %get3A_36] : memref<1x128xf32, #tpu.memory_space<vmem>>, vector<1x128xf32>
    %mul3A_38 = vector.broadcast %get3A_37 : vector<1x128xf32> to vector<10000x128xf32>
    %mul3A_39 = arith.mulf %mul3A_34, %mul3A_38 : vector<10000x128xf32>
    %get3A_40 = arith.constant 0 : index
    %get3A_41 = arith.constant 0 : index
    %get3A_42 = vector.load %arg5[%get3A_40, %get3A_41] : memref<1x128xf32, #tpu.memory_space<vmem>>, vector<1x128xf32>
    %add3A_43 = vector.broadcast %get3A_42 : vector<1x128xf32> to vector<10000x128xf32>
    %add3A_44 = arith.addf %mul3A_39, %add3A_43 : vector<10000x128xf32>
    %max3A = arith.constant 0.000000e+00 : f32
    %max3A_45 = vector.broadcast %max3A : f32 to vector<10000x128xf32>
    %max3A_46 = arith.maximumf %add3A_44, %max3A_45 : vector<10000x128xf32>
    %iota3A = tpu.iota {dimensions = array<i32: 1>} : vector<10000x128xi32>
    %get3A_47 = arith.constant 0 : index
    %get3A_48 = arith.constant 0 : index
    %get3A_49 = vector.load %arg6[%get3A_47, %get3A_48] : memref<10000x1xi32, #tpu.memory_space<vmem>>, vector<10000x1xi32>
    %eq3A = vector.broadcast %get3A_49 : vector<10000x1xi32> to vector<10000x128xi32>
    %eq3A_50 = arith.cmpi eq, %eq3A, %iota3A : vector<10000x128xi32>
    %convert_element_type3A = arith.extui %eq3A_50 : vector<10000x128xi1> to vector<10000x128xi32>
    %convert_element_type3A_51 = arith.sitofp %convert_element_type3A : vector<10000x128xi32> to vector<10000x128xf32>
    %dot_general3A = arith.constant dense<0.000000e+00> : vector<128x128xf32>
    %dot_general3A_52 = tpu.matmul %convert_element_type3A_51, %max3A_46, %dot_general3A {dimension_numbers = #tpu.dot_dimension_numbers<[0], [0], [1], [1], [0, 1, 1, 1], [], []>, transpose_lhs_hint = false} : vector<10000x128xf32>, vector<10000x128xf32>, vector<128x128xf32> -> vector<128x128xf32>
    %broadcast_in_dim3A_53 = arith.constant 1.000000e+00 : f32
    %broadcast_in_dim3A_54 = vector.broadcast %broadcast_in_dim3A_53 : f32 to vector<10000x1xf32>
    %dot_general3A_55 = arith.constant dense<0.000000e+00> : vector<128x1xf32>
    %dot_general3A_56 = tpu.matmul %convert_element_type3A_51, %broadcast_in_dim3A_54, %dot_general3A_55 {dimension_numbers = #tpu.dot_dimension_numbers<[0], [0], [1], [1], [0, 1, 1, 1], [], []>, transpose_lhs_hint = false} : vector<10000x128xf32>, vector<10000x1xf32>, vector<128x1xf32> -> vector<128x1xf32>
    %max3A_57 = arith.constant 1.000000e+00 : f32
    %max3A_58 = vector.broadcast %max3A_57 : f32 to vector<128x1xf32>
    %max3A_59 = arith.maximumf %dot_general3A_56, %max3A_58 : vector<128x1xf32>
    %div3A_60 = vector.broadcast %max3A_59 : vector<128x1xf32> to vector<128x128xf32>
    %div3A_61 = arith.divf %dot_general3A_52, %div3A_60 : vector<128x128xf32>
    %concatenate3A = tpu.concatenate %div3A_61, %dot_general3A_52 in 1 : vector<128x128xf32>, vector<128x128xf32> -> vector<128x256xf32>
    %get3A_62 = arith.constant 0 : index
    %get3A_63 = arith.constant 0 : index
    %get3A_64 = vector.load %arg7[%get3A_62, %get3A_63] : memref<128x256xf32, #tpu.memory_space<vmem>>, vector<128x256xf32>
    %dot_general3A_65 = arith.constant dense<0.000000e+00> : vector<128x128xf32>
    %dot_general3A_66 = tpu.matmul %concatenate3A, %get3A_64, %dot_general3A_65 {dimension_numbers = #tpu.dot_dimension_numbers<[1], [1], [0], [0], [0, 0, 1, 0], [], []>, transpose_lhs_hint = false} : vector<128x256xf32>, vector<128x256xf32>, vector<128x128xf32> -> vector<128x128xf32>
    %get3A_67 = arith.constant 0 : index
    %get3A_68 = arith.constant 0 : index
    %get3A_69 = vector.load %arg8[%get3A_67, %get3A_68] : memref<1x128xf32, #tpu.memory_space<vmem>>, vector<1x128xf32>
    %add3A_70 = vector.broadcast %get3A_69 : vector<1x128xf32> to vector<128x128xf32>
    %add3A_71 = arith.addf %dot_general3A_66, %add3A_70 : vector<128x128xf32>
    %max3A_72 = arith.constant 0.000000e+00 : f32
    %max3A_73 = vector.broadcast %max3A_72 : f32 to vector<128x128xf32>
    %max3A_74 = arith.maximumf %add3A_71, %max3A_73 : vector<128x128xf32>
    %get3A_75 = arith.constant 0 : index
    %get3A_76 = arith.constant 0 : index
    %get3A_77 = vector.load %arg9[%get3A_75, %get3A_76] : memref<10x128xf32, #tpu.memory_space<vmem>>, vector<10x128xf32>
    %dot_general3A_78 = arith.constant dense<0.000000e+00> : vector<128x10xf32>
    %dot_general3A_79 = tpu.matmul %max3A_74, %get3A_77, %dot_general3A_78 {dimension_numbers = #tpu.dot_dimension_numbers<[1], [1], [0], [0], [0, 0, 1, 0], [], []>, transpose_lhs_hint = false} : vector<128x128xf32>, vector<10x128xf32>, vector<128x10xf32> -> vector<128x10xf32>
    %get3A_80 = arith.constant 0 : index
    %get3A_81 = arith.constant 0 : index
    %get3A_82 = vector.load %arg10[%get3A_80, %get3A_81] : memref<1x10xf32, #tpu.memory_space<vmem>>, vector<1x10xf32>
    %add3A_83 = vector.broadcast %get3A_82 : vector<1x10xf32> to vector<128x10xf32>
    %add3A_84 = arith.addf %dot_general3A_79, %add3A_83 : vector<128x10xf32>
    %swap3A = arith.constant 0 : index
    %swap3A_85 = arith.constant 0 : index
    %swap3A_86 = vector.load %arg11[%swap3A, %swap3A_85] : memref<128x10xf32, #tpu.memory_space<vmem>>, vector<128x10xf32>
    tpu.vector_store %arg11[%swap3A, %swap3A_85], %add3A_84 {strides = array<i32>} : memref<128x10xf32, #tpu.memory_space<vmem>>, vector<128x10xf32>,
    return
  }
}

</mosaic_0001>

<sc_bundles>
// kernel: kernel.10.cloned.1.call-start
scs
__scs_entry_jumppad:
0x0: {  	(pc) =	sbr.rel $0x88, $3  }
0x1: {  	(tag) =	ssettag $0x0;
	lr =	simm.s32 $0x1  }
0x2: {  	[smem:$0x3F8E] =	sst lr;
	_ =	strace $0xD0000000  }
0x3: {  	_ = 	snop  }
0x4: {  	_ = 	snop  }
0x5: {  	_ = 	snop  }
0x6: {  	_ = 	snop  }
0x7: {  	_ = 	snop  }
__scs_overlays_trampoline_lowered:
0x8: {  	[smem:$0x3F9D] =	sst s0  }
0x9: {  	[smem:$0x3F9E] =	sst s1  }
0xa: {  	[smem:$0x3F9F] =	sst s2  }
0xb: {  	[smem:$0x3FA0] =	sst s3  }
0xc: {  	[smem:$0x3FA1] =	sst s4  }
0xd: {  	[smem:$0x3FA2] =	sst s5  }
0xe: {  	[smem:$0x3FA3] =	sst s6  }
0xf: {  	[smem:$0x3FA4] =	sst s7  }
0x10: {  	[smem:$0x3FA5] =	sst s8  }
0x11: {  	[smem:$0x3FA6] =	sst s9;
	s0 =	simm.s32 @!p0 $0x0  }
0x12: {  	s1 =	sld [smem:$0x3F8C];
	s0 =	simm.s32 @p0 $0x1  }
0x13: {  	[smem:$0x3FA7] =	sst s0;
	s0 =	simm.s32 @!p1 $0x0  }
0x14: {  	s2 =	sld [smem:$0x3F8B];
	s0 =	simm.s32 @p1 $0x1  }
0x15: {  	[smem:$0x3FA8] =	sst s0;
	s0 =	simm.s32 @!p2 $0x0  }
0x16: {  	s3 =	sld [smem:$0x3FDB];
	s0 =	simm.s32 @p2 $0x1  }
0x17: {  	s4 =	simm.s32 $0x1BF5;
	[smem:$0x3FAA] =	sst s0  }
0x18: {  	s0 =	sld [smem:$0x3F8D];
	_ =	swait.ge [sflag:s4], $0x0  }
0x19: {  	s7 =	sld [smem:$0x3F8E]  }
0x1a: {  	s8 =	sadd.s32 $0xFFFFE003, lr  }
0x1b: {  	s9 =	sadd.s32 $0xFFFFFEF7, lr;
	s5 =	simm.s32 $0xFFFFFFFF;
	p2 =	slt.u32 s8, $0xFFFFF086  }
0x1c: {  	p1 =	slt.u32 s9, $0xF7A;
	s5 =	simm.s32 @!p2 $0x0  }
0x1d: {  	s5 =	simm.s32 @p1 $0x1;
	p0 =	seq.s32 s7, s2  }
0x1e: {  	s7 =	smul.u32 @!p0 $0xF7A, s2;
	p2 =	seq.s32 @!p0 s5, $0x0  }
0x1f: {  	s9 =	smul.u32 $0xF7A, s1;
	s8 =	simm.s32 @!p0 $0x1BF5;
	p2 =	por !p2, p0  }
0x20: {  	[sflag:s8] =	ssyncset.s32 @!p0 $0xFFFFF086;
	s6 =	sadd.s32 @!p0 s3, s7;
	s7 =	simm.s32 @!p0 $0x108  }
0x21: {  	s3 =	sadd.s32 s3, s9;
	s6 =	sadd.s32 @!p0 $0x88, s6;
	s7 =	simm.s32 @p2 $0x1082  }
0x22: {  	[simem:s7], [sflag:s8] =	dma.local @!p0 [hbm:s6], $0xF7A  }
0x23: {  	s9 =	sor.u32 $0xD0000000, s2;
	s6 =	simm.s32 $0x108;
	_ =	swait.ge @!p0 [sflag:s8], $0x0  }
0x24: {  	s3 =	sadd.s32 $0x88, s3;
	s6 =	simm.s32 @!p1 $0x1082;
	[sflag:s4] =	ssyncset.s32 $0xFFFFF086  }
0x25: {  	[simem:s6], [sflag:s4] =	dma.local [hbm:s3], $0xF7A  }
0x26: {  	[smem:$0x3F8E] =	sst s1;
	(tag) =	ssettag s2;
	_ =	strace s9  }
0x27: {  	s1 =	sld [smem:$0x3F9E]  }
0x28: {  	s2 =	sld [smem:$0x3F9F]  }
0x29: {  	s4 =	sld [smem:$0x3FA1]  }
0x2a: {  	p0 =	seq.s32 s5, $0x0;
	s5 =	sld [smem:$0x3FA2]  }
0x2b: {  	s6 =	sld [smem:$0x3FA3]  }
0x2c: {  	s7 =	sld [smem:$0x3FA4]  }
0x2d: {  	s3 =	simm.s32 $0x108;
	s8 =	sld [smem:$0x3FA5]  }
0x2e: {  	s3 =	simm.s32 @!p0 $0x1082;
	s9 =	sld [smem:$0x3FA6]  }
0x2f: {  	lr =	sadd.s32 s0, s3;
	s0 =	sld [smem:$0x3F9D]  }
0x30: {  	s3 =	sld [smem:$0x3FA0]  }
0x31: {  	[smem:$0x3FA9] =	sst s10  }
0x32: {  	s10 =	sld [smem:$0x3FA7];
	_ =	sdelay $0x3  }
0x33: {  	p0 =	seq.s32 s10, $0x1;
	s10 =	sld [smem:$0x3FA9];
	_ =	sdelay $0x3  }
0x34: {  	[smem:$0x3FA9] =	sst s10  }
0x35: {  	s10 =	sld [smem:$0x3FA8];
	_ =	sdelay $0x3  }
0x36: {  	p1 =	seq.s32 s10, $0x1;
	s10 =	sld [smem:$0x3FA9];
	_ =	sdelay $0x3  }
0x37: {  	[smem:$0x3FA9] =	sst s10  }
0x38: {  	s10 =	sld [smem:$0x3FAA]  }
0x39: {  	_ = 	snop;
	(pc) =	sbr.ind lr, $3  }
0x3a: {  	_ = 	snop  }
0x3b: {  	_ = 	snop  }
0x3c: {  	p2 =	seq.s32 s10, $0x1;
	s10 =	sld [smem:$0x3FA9]  }
0x3d: {  	_ =	shalt  }
0x3e: {  	_ =	shalt  }
0x3f: {  	_ =	shalt  }
0x40: {  	_ =	shalt  }
0x41: {  	_ =	shalt  }
0x42: {  	_ =	shalt  }
0x43: {  	_ =	shalt  }
0x44: {  	_ =	shalt  }
0x45: {  	_ =	shalt  }
0x46: {  	_ =	shalt  }
0x47: {  	_ =	shalt  }
0x48: {  	_ =	shalt  }
0x49: {  	_ =	shalt  }
0x4a: {  	_ =	shalt  }
0x4b: {  	_ =	shalt  }
0x4c: {  	_ =	shalt  }
0x4d: {  	_ =	shalt  }
0x4e: {  	_ =	shalt  }
0x4f: {  	_ =	shalt  }
0x50: {  	_ =	shalt  }
0x51: {  	_ =	shalt  }
0x52: {  	_ =	shalt  }
0x53: {  	_ =	shalt  }
0x54: {  	_ =	shalt  }
0x55: {  	_ =	shalt  }
0x56: {  	_ =	shalt  }
0x57: {  	_ =	shalt  }
0x58: {  	_ =	shalt  }
0x59: {  	_ =	shalt  }
0x5a: {  	_ =	shalt  }
0x5b: {  	_ =	shalt  }
0x5c: {  	_ =	shalt  }
0x5d: {  	_ =	shalt  }
0x5e: {  	_ =	shalt  }
0x5f: {  	_ =	shalt  }
0x60: {  	_ =	shalt  }
0x61: {  	_ =	shalt  }
0x62: {  	_ =	shalt  }
0x63: {  	_ =	shalt  }
0x64: {  	_ =	shalt  }
0x65: {  	_ =	shalt  }
0x66: {  	_ =	shalt  }
0x67: {  	_ =	shalt  }
0x68: {  	_ =	shalt  }
0x69: {  	_ =	shalt  }
0x6a: {  	_ =	shalt  }
0x6b: {  	_ =	shalt  }
0x6c: {  	_ =	shalt  }
0x6d: {  	_ =	shalt  }
0x6e: {  	_ =	shalt  }
0x6f: {  	_ =	shalt  }
0x70: {  	_ =	shalt  }
0x71: {  	_ =	shalt  }
0x72: {  	_ =	shalt  }
0x73: {  	_ =	shalt  }
0x74: {  	_ =	shalt  }
0x75: {  	_ =	shalt  }
0x76: {  	_ =	shalt  }
0x77: {  	_ =	shalt  }
0x78: {  	_ =	shalt  }
0x79: {  	_ =	shalt  }
0x7a: {  	_ =	shalt  }
0x7b: {  	_ =	shalt  }
0x7c: {  	_ =	shalt  }
0x7d: {  	_ =	shalt  }
0x7e: {  	_ =	shalt  }
0x7f: {  	_ =	shalt  }
0x80: {  	_ =	shalt  }
0x81: {  	_ =	shalt  }
0x82: {  	_ =	shalt  }
0x83: {  	_ =	shalt  }
0x84: {  	_ =	shalt  }
0x85: {  	_ =	shalt  }
0x86: {  	_ =	shalt  }
0x87: {  	_ =	shalt  }
.Lfunc_end0:
.L_simem_size_0:
called_computation_lowered:
.L_overlay_start_0:
0x88: {  	s2 =	sld [smem:$0x3FD9]  }
0x89: {  	s3 =	sld [smem:$0x3FFE];
	_ =	sdelay $0x1  }
0x8a: {  	s1 =	srdreg.scid  }
0x8b: {  	s0 =	sand.u32 $0x1, s1  }
0x8c: {  	s16 =	sshll.u32 s0, $0xA;
	s2 =	sadd.s32 s3, s2  }
0x8d: {  	s2 =	sadd.s32 s2, s16  }
0x8e: {  	[smem:$0x3FB5] =	sst s2  }
0x8f: {  	_ = 	snop  }
0x90: {  	(tm) =	ssettm $0x1  }
0x91: {  	s17 =	sld [smem:$0x3FFB];
	_ =	sdelay $0x3  }
0x92: {  	_ =	strace s17  }
0x93: {  	s2 =	sld [smem:$0x3FFC];
	_ =	sdelay $0x3  }
0x94: {  	_ =	strace s2  }
0x95: {  	s2 =	sld [smem:$0x3FFD];
	_ =	sdelay $0x3  }
0x96: {  	_ =	strace s2  }
0x97: {  	_ =	strace $0x8FFFFFFF  }
0x98: {  	s18 =	sld [smem:$0x3FDB];
	_ =	sdelay $0x1  }
0x99: {  	s19 =	simm.s32 $_scs_section_size  }
0x9a: {  	s4 =	simm.s32 $_size__tile_overlayer_lowered;
	s5 =	simm.s32 $_tile_overlayer_lowered  }
0x9b: {  	s22 =	simm.s32 $0x1BFF;
	s21 =	sshll.u32 s5, $0x1;
	s2 =	sadd.s32 s19, s18  }
0x9c: {  	s6 =	simm.s32 $0x0;
	s20 =	sshll.u32 s4, $0x1;
	s4 =	sadd.s32 s21, s2  }
0x9d: {  	[timem:s6], [sflag:s22] =	dma.local [hbm:s4], s20  }
0x9e: {  	_ =	swait.ge [sflag:s22], s20  }
0x9f: {  	s3 =	ssub.s32 $0x0, s20;
	[sflag:s22] =	ssyncset.done $0x0  }
0xa0: {  	[sflag:s22] =	ssyncadd.s32 s3;
	_ =	sdelay $0x1  }
0xa1: {  	s23 =	simm.s32 $0x1B8B  }
0xa2: {  	_ =	swait.ge [sflag:s23], $0x1  }
0xa3: {  	[sflag:s23] =	ssyncset.done $0x0  }
0xa4: {  	s25 =	simm.s32 $0x1B8E;
	s24 =	sld [smem:$0x3FFE];
	[sflag:s23] =	ssyncadd.s32 $0xFFFFFFFF  }
0xa5: {  	s26 =	simm.s32 $execute0_lowered;
	[smem:$0x3FD2] =	sst s25  }
0xa6: {  	s4 =	sshll.u32 s26, $0x1;
	_ =	strace $0x80000046;
	[dreg:$0x1] =	wrdreg $0xFFFFFFFF  }
0xa7: {  	s28 =	simm.s32 $_size_execute0_lowered;
	s2 =	sadd.s32 s2, s4;
	[dreg:$0x0] =	wrdreg $0x0  }
0xa8: {  	s4 =	sshll.u32 s28, $0x1;
	[dreg:$0x2] =	wrdreg s2  }
0xa9: {  	[dreg:$0x3] =	wrdreg s4  }
0xaa: {  	[dreg:$0x4] =	wrdreg $0xC0  }
0xab: {  	_ =	task [dreg:s6], $0x5FFFF  }
0xac: {  	[dreg:$0x1] =	wrdreg $0xFFFFFFFF  }
0xad: {  	[dreg:$0x0] =	wrdreg $0x60  }
0xae: {  	[dreg:$0x2] =	wrdreg s24  }
0xaf: {  	[dreg:$0x3] =	wrdreg $0x68000  }
0xb0: {  	[dreg:$0x4] =	wrdreg $0x9  }
0xb1: {  	_ =	task.clear_ibuf [dreg:s6], $0x5FFFF;
	_ =	strace $0x90000046  }
0xb2: {  	s29 =	simm.s32 $0x9;
	_ =	strace $0x80000048  }
0xb3: {  	_ =	swait.ge [sflag:s29], $0x1  }
0xb4: {  	[sflag:s29] =	ssyncadd.s32 $0xFFFFFFFF  }
0xb5: {  	_ =	strace $0x90000048  }
0xb6: {  	_ =	sfence  }
0xb7: {  	s30 =	sld [smem:$0x0];
	_ =	sdelay $0x2  }
0xb8: {  	s31 =	sshll.u32 s1, $0xD;
	s1 =	sshrl.u32 s1, $0x2  }
0xb9: {  	s3 =	sand.u32 $0x4000, s31;
	s1 =	sadd.s32 s1, s30  }
0xba: {  	s0 =	sor.u32 s3, s0;
	s1 =	sshll.u32 s1, $0x11  }
0xbb: {  	s0 =	sor.u32 s1, s0  }
0xbc: {  	s0 =	sadd.s32 $0x8F2B, s0  }
0xbd: {  	[sflag:s0] =	ssyncadd.remote.s32 $0x1  }
0xbe: {  	_ =	sfence.sel $0xFFFF  }
0xbf: {  	[dreg:$0x0] =	wrdreg $0xFFFFFFFF;
	(pc) =	sbr.abs _section_cstart, $3  }
0xc0: {  	[dreg:$0x1] =	wrdreg $0xFFFFFFFF  }
0xc1: {  	_ =	task.clear_ibuf [dreg:s6], $0x2FFFF;
	_ =	strace $0x9FFFFFFF  }
0xc2: {  	(tm) =	ssettm $0x7FFFFFFF  }
0xc3: {  	_ =	shalt  }
tec
execute0_lowered:
.L_overlay_start_1:
0x0: {  	(tag) =	ssettag $0x1  }
0x1: {  	s6 =	rddreg [dreg:$0x0]  }
0x2: {  	s0 =	srdreg.scid;
	s2 =	rddreg [dreg:$0x1]  }
0x3: {  	s3 =	simm.s32 $0x0;
	s5 =	sand.u32 $0x1, s0;
	s0 =	stileid.u32  }
0x4: {  	s13 =	simm.s32 $0x7D;
	s14 =	simm.s32 $0x0;
	s7 =	smul.u32 $0x2780, s0  }
0x5: {  	[smem:$0x7FF] =	sst s3;
	s1 =	sshll.u32 s5, $0x4;
	s9 =	smul.u32 $0x27800, s5  }
0x6: {  	s5 =	ssub.s32 $0x2, s5;
	s10 =	smul.u32 $0x4F000, s0;
	s31 =	sshll.u32 s0, $0x6  }
0x7: {  	s4 =	sor.u32 s0, s1;
	s1 =	rddreg [dreg:$0x2];
	_ =	strace $0x80000047  }
0x8: {  	s29 =	sshrl.u32 s5, $0x1;
	s4 =	smul.u32 $0x500, s4;
	s11 =	sadd.s32 s7, s6  }
0x9: {  	s7 =	sadd.s32 s7, s9;
	s9 =	ssub.s32 s5, s29;
	s30 =	sshrl.u32 s10, $0x2  }
0xa: {  	s12 =	sadd.s32 s7, s6;
	s10 =	sadd.s32 s30, s2;
	s5 =	sadd.s32 $0xE000, s11  }
0xb: {  	s9 =	smax.u32 s9, $0x1;
	s11 =	simm.s32 $0x1;
	s8 =	sadd.s32 s4, s6  }
0xc: {  	s4 =	sadd.s32 $0x35800, s6;
	s6 =	sor.u32 $0x1C01, s31;
	s10 =	sshrl.u32 s10, $0x3  }
0xd: {  	s7 =	sadd.s32 $0x4000, s8;
	s8 =	sadd.s32 $0x36000, s12;
	s12 =	simm.s32 $0x2800  }
.LBB2_1:
0xe: {  	[spmem:s10], [sflag:s6] =	dma.local [hbm:s5], $0x2780  }
0xf: {  	_ =	swait.ge [sflag:s11], $0x2780  }
0x10: {  	[sflag:s11] =	ssyncset.done $0x0  }
0x11: {  	[sflag:s11] =	ssyncadd.s32 $0xFFFFD880  }
0x12: {  	[tilespmem:s3], [sflag:$0x1] =	stream.linear.gather [hbm4b:s7+s3], $0x2800, $0x38;
	[tilespmem:$0x1A400] =	vst v63  }
0x13: {  	_ =	swait.ge [sflag:s11], $0x2800  }
0x14: {  	[sflag:s11] =	ssyncset.done $0x0  }
0x15: {  	[sflag:s11] =	ssyncadd.s32 $0xFFFFD800  }
0x16: {  	[tilespmem:s12], [sflag:$0x1] =	stream.linear.gather [hbm4b:s4+s3], $0x3E80, $0x38;
	[tilespmem:$0x1A400] =	vst v63  }
0x17: {  	_ =	swait.ge [sflag:s11], $0x3E80  }
0x18: {  	[sflag:s11] =	ssyncset.done $0x0  }
0x19: {  	[sflag:s11] =	ssyncadd.s32 $0xFFFFC180  }
0x1a: {  	s15 =	simm.s32 $0x0;
	[bflag:$0x0] =	sbarrier.arrive $0xFFFF  }
.LBB2_2:
0x1b: {  	p0 =	sne.s32 s15, $0x4E00  }
.Ltmp0:
0x1c: {  	s16 =	sshra.s32 s15, $0x2;
	(pc) =	sbr.rel @p0 .LBB2_2-.Ltmp0, $4  }
0x1d: {  	[spmem:s2] =	stream.indirect.scatter.add.f32 [tilespmem:s12], [sflag:$0x1], $0x80, s16, s13, $0xb8;
	[tilespmem:$0x1A400] =	vst v63  }
0x1e: {  	_ =	swait.ge [sflag:s11], $0x3E80  }
0x1f: {  	[sflag:s11] =	ssyncset.done $0x0  }
0x20: {  	s15 =	sadd.s32 $0x200, s15;
	[sflag:s11] =	ssyncadd.s32 $0xFFFFC180  }
0x21: {  	s15 =	simm.s32 $0x1400  }
0x22: {  	[spmem:s2] =	stream.indirect.scatter.add.f32 [tilespmem:s12], [sflag:$0x1], $0x80, s15, s13, $0xb8;
	[tilespmem:$0x1A400] =	vst v63  }
0x23: {  	s15 =	simm.s32 $0x200;
	_ =	swait.ge [sflag:s11], $0x3E80  }
.LBB2_4:
0x24: {  	s16 =	sshra.s32 s15, $0x2;
	[sflag:s11] =	ssyncset.done $0x0;
	p0 =	sne.s32 s15, $0x4E00  }
.Ltmp1:
0x25: {  	s16 =	sadd.s32 $0x1400, s16;
	[sflag:s11] =	ssyncadd.s32 $0xFFFFC180;
	(pc) =	sbr.rel @p0 .LBB2_4-.Ltmp1, $3  }
0x26: {  	[spmem:s2] =	stream.indirect.scatter.add.f32 [tilespmem:s12], [sflag:$0x1], $0x80, s16, s13, $0xb8;
	[tilespmem:$0x1A400] =	vst v63  }
0x27: {  	s15 =	sadd.s32 $0x200, s15;
	_ =	sdelay $0x1  }
0x28: {  	_ =	swait.ge [sflag:s11], $0x3E80  }
0x29: {  	[sflag:s11] =	ssyncset.done $0x0;
	s14 =	sadd.s32 $0x1, s14  }
0x2a: {  	[sflag:s11] =	ssyncadd.s32 $0xFFFFC180;
	p0 =	sne.s32 s14, s9  }
.Ltmp2:
0x2b: {  	[bflag:$0x0] =	sbarrier.arrive $0xFFFF;
	(pc) =	sbr.rel @p0 .LBB2_1-.Ltmp2, $4  }
0x2c: {  	[hbm:s8], [sflag:s6] =	dma.local [spmem:s10], $0x2780  }
0x2d: {  	_ =	swait.ge [sflag:s11], $0x2780  }
0x2e: {  	[sflag:s11] =	ssyncset.done $0x0  }
0x2f: {  	[sflag:s11] =	ssyncadd.s32 $0xFFFFD880  }
0x30: {  	_ =	sfence.sel $0x180000  }
0x31: {  	[bflag:$0x0] =	sbarrier.arrive $0xFFFF  }
0x32: {  	p0 =	sne.s32 s0, $0x0;
	_ =	strace $0x90000047  }
0x33: {  	s0 =	sadd.s32 @!p0 $0x100000, s1;
	[bflag:$0x2] =	sbarrier.arrive $0xFFFF  }
0x34: {  	[sflag:s0] =	ssyncadd.tile.s32 @!p0 $0x1;
	_ =	shalt  }
.Lfunc_end2:
_tile_overlayer_lowered:
.L_overlay_start_2:
0x35: {  	(tag) =	ssettag $0x2  }
0x36: {  	s0 =	rddreg [dreg:$0x0];
	s2 =	stileid.u32  }
0x37: {  	s1 =	rddreg [dreg:$0x1];
	p0 =	sne.s32 s2, $0x0  }
0x38: {  	s3 =	rddreg [dreg:$0x2];
	[bflag:$0x3] =	sbarrier.arrive $0xFFFF;
	s2 =	simm.s32 @!p0 $0x1C01  }
0x39: {  	[timem:s3], [sflag:s2] =	dma.local @!p0 [hbm:s0], s1  }
0x3a: {  	s0 =	simm.s32 @!p0 $0x1  }
0x3b: {  	_ =	swait.ge @!p0 [sflag:s0], s1  }
0x3c: {  	s1 =	ssub.s32 @!p0 $0x0, s1;
	[sflag:s0] =	ssyncset.done @!p0 $0x0  }
0x3d: {  	[sflag:s0] =	ssyncadd.s32 @!p0 s1  }
0x3e: {  	[bflag:$0x3] =	sbarrier.arrive $0xFFFF  }
0x3f: {  	_ =	shalt  }

// kernel: kernel.13.cloned.1.call-start
scs
__scs_entry_jumppad:
0x0: {  	(pc) =	sbr.rel $0x88, $3  }
0x1: {  	(tag) =	ssettag $0x0;
	lr =	simm.s32 $0x1  }
0x2: {  	[smem:$0x3F8E] =	sst lr;
	_ =	strace $0xD0000000  }
0x3: {  	_ = 	snop  }
0x4: {  	_ = 	snop  }
0x5: {  	_ = 	snop  }
0x6: {  	_ = 	snop  }
0x7: {  	_ = 	snop  }
__scs_overlays_trampoline_lowered:
0x8: {  	[smem:$0x3F9D] =	sst s0  }
0x9: {  	[smem:$0x3F9E] =	sst s1  }
0xa: {  	[smem:$0x3F9F] =	sst s2  }
0xb: {  	[smem:$0x3FA0] =	sst s3  }
0xc: {  	[smem:$0x3FA1] =	sst s4  }
0xd: {  	[smem:$0x3FA2] =	sst s5  }
0xe: {  	[smem:$0x3FA3] =	sst s6  }
0xf: {  	[smem:$0x3FA4] =	sst s7  }
0x10: {  	[smem:$0x3FA5] =	sst s8  }
0x11: {  	[smem:$0x3FA6] =	sst s9;
	s0 =	simm.s32 @!p0 $0x0  }
0x12: {  	s1 =	sld [smem:$0x3F8C];
	s0 =	simm.s32 @p0 $0x1  }
0x13: {  	[smem:$0x3FA7] =	sst s0;
	s0 =	simm.s32 @!p1 $0x0  }
0x14: {  	s2 =	sld [smem:$0x3F8B];
	s0 =	simm.s32 @p1 $0x1  }
0x15: {  	[smem:$0x3FA8] =	sst s0;
	s0 =	simm.s32 @!p2 $0x0  }
0x16: {  	s3 =	sld [smem:$0x3FDB];
	s0 =	simm.s32 @p2 $0x1  }
0x17: {  	s4 =	simm.s32 $0x1BF5;
	[smem:$0x3FAA] =	sst s0  }
0x18: {  	s0 =	sld [smem:$0x3F8D];
	_ =	swait.ge [sflag:s4], $0x0  }
0x19: {  	s7 =	sld [smem:$0x3F8E]  }
0x1a: {  	s8 =	sadd.s32 $0xFFFFE003, lr  }
0x1b: {  	s9 =	sadd.s32 $0xFFFFFEF7, lr;
	s5 =	simm.s32 $0xFFFFFFFF;
	p2 =	slt.u32 s8, $0xFFFFF086  }
0x1c: {  	p1 =	slt.u32 s9, $0xF7A;
	s5 =	simm.s32 @!p2 $0x0  }
0x1d: {  	s5 =	simm.s32 @p1 $0x1;
	p0 =	seq.s32 s7, s2  }
0x1e: {  	s7 =	smul.u32 @!p0 $0xF7A, s2;
	p2 =	seq.s32 @!p0 s5, $0x0  }
0x1f: {  	s9 =	smul.u32 $0xF7A, s1;
	s8 =	simm.s32 @!p0 $0x1BF5;
	p2 =	por !p2, p0  }
0x20: {  	[sflag:s8] =	ssyncset.s32 @!p0 $0xFFFFF086;
	s6 =	sadd.s32 @!p0 s3, s7;
	s7 =	simm.s32 @!p0 $0x108  }
0x21: {  	s3 =	sadd.s32 s3, s9;
	s6 =	sadd.s32 @!p0 $0x88, s6;
	s7 =	simm.s32 @p2 $0x1082  }
0x22: {  	[simem:s7], [sflag:s8] =	dma.local @!p0 [hbm:s6], $0xF7A  }
0x23: {  	s9 =	sor.u32 $0xD0000000, s2;
	s6 =	simm.s32 $0x108;
	_ =	swait.ge @!p0 [sflag:s8], $0x0  }
0x24: {  	s3 =	sadd.s32 $0x88, s3;
	s6 =	simm.s32 @!p1 $0x1082;
	[sflag:s4] =	ssyncset.s32 $0xFFFFF086  }
0x25: {  	[simem:s6], [sflag:s4] =	dma.local [hbm:s3], $0xF7A  }
0x26: {  	[smem:$0x3F8E] =	sst s1;
	(tag) =	ssettag s2;
	_ =	strace s9  }
0x27: {  	s1 =	sld [smem:$0x3F9E]  }
0x28: {  	s2 =	sld [smem:$0x3F9F]  }
0x29: {  	s4 =	sld [smem:$0x3FA1]  }
0x2a: {  	p0 =	seq.s32 s5, $0x0;
	s5 =	sld [smem:$0x3FA2]  }
0x2b: {  	s6 =	sld [smem:$0x3FA3]  }
0x2c: {  	s7 =	sld [smem:$0x3FA4]  }
0x2d: {  	s3 =	simm.s32 $0x108;
	s8 =	sld [smem:$0x3FA5]  }
0x2e: {  	s3 =	simm.s32 @!p0 $0x1082;
	s9 =	sld [smem:$0x3FA6]  }
0x2f: {  	lr =	sadd.s32 s0, s3;
	s0 =	sld [smem:$0x3F9D]  }
0x30: {  	s3 =	sld [smem:$0x3FA0]  }
0x31: {  	[smem:$0x3FA9] =	sst s10  }
0x32: {  	s10 =	sld [smem:$0x3FA7];
	_ =	sdelay $0x3  }
0x33: {  	p0 =	seq.s32 s10, $0x1;
	s10 =	sld [smem:$0x3FA9];
	_ =	sdelay $0x3  }
0x34: {  	[smem:$0x3FA9] =	sst s10  }
0x35: {  	s10 =	sld [smem:$0x3FA8];
	_ =	sdelay $0x3  }
0x36: {  	p1 =	seq.s32 s10, $0x1;
	s10 =	sld [smem:$0x3FA9];
	_ =	sdelay $0x3  }
0x37: {  	[smem:$0x3FA9] =	sst s10  }
0x38: {  	s10 =	sld [smem:$0x3FAA]  }
0x39: {  	_ = 	snop;
	(pc) =	sbr.ind lr, $3  }
0x3a: {  	_ = 	snop  }
0x3b: {  	_ = 	snop  }
0x3c: {  	p2 =	seq.s32 s10, $0x1;
	s10 =	sld [smem:$0x3FA9]  }
0x3d: {  	_ =	shalt  }
0x3e: {  	_ =	shalt  }
0x3f: {  	_ =	shalt  }
0x40: {  	_ =	shalt  }
0x41: {  	_ =	shalt  }
0x42: {  	_ =	shalt  }
0x43: {  	_ =	shalt  }
0x44: {  	_ =	shalt  }
0x45: {  	_ =	shalt  }
0x46: {  	_ =	shalt  }
0x47: {  	_ =	shalt  }
0x48: {  	_ =	shalt  }
0x49: {  	_ =	shalt  }
0x4a: {  	_ =	shalt  }
0x4b: {  	_ =	shalt  }
0x4c: {  	_ =	shalt  }
0x4d: {  	_ =	shalt  }
0x4e: {  	_ =	shalt  }
0x4f: {  	_ =	shalt  }
0x50: {  	_ =	shalt  }
0x51: {  	_ =	shalt  }
0x52: {  	_ =	shalt  }
0x53: {  	_ =	shalt  }
0x54: {  	_ =	shalt  }
0x55: {  	_ =	shalt  }
0x56: {  	_ =	shalt  }
0x57: {  	_ =	shalt  }
0x58: {  	_ =	shalt  }
0x59: {  	_ =	shalt  }
0x5a: {  	_ =	shalt  }
0x5b: {  	_ =	shalt  }
0x5c: {  	_ =	shalt  }
0x5d: {  	_ =	shalt  }
0x5e: {  	_ =	shalt  }
0x5f: {  	_ =	shalt  }
0x60: {  	_ =	shalt  }
0x61: {  	_ =	shalt  }
0x62: {  	_ =	shalt  }
0x63: {  	_ =	shalt  }
0x64: {  	_ =	shalt  }
0x65: {  	_ =	shalt  }
0x66: {  	_ =	shalt  }
0x67: {  	_ =	shalt  }
0x68: {  	_ =	shalt  }
0x69: {  	_ =	shalt  }
0x6a: {  	_ =	shalt  }
0x6b: {  	_ =	shalt  }
0x6c: {  	_ =	shalt  }
0x6d: {  	_ =	shalt  }
0x6e: {  	_ =	shalt  }
0x6f: {  	_ =	shalt  }
0x70: {  	_ =	shalt  }
0x71: {  	_ =	shalt  }
0x72: {  	_ =	shalt  }
0x73: {  	_ =	shalt  }
0x74: {  	_ =	shalt  }
0x75: {  	_ =	shalt  }
0x76: {  	_ =	shalt  }
0x77: {  	_ =	shalt  }
0x78: {  	_ =	shalt  }
0x79: {  	_ =	shalt  }
0x7a: {  	_ =	shalt  }
0x7b: {  	_ =	shalt  }
0x7c: {  	_ =	shalt  }
0x7d: {  	_ =	shalt  }
0x7e: {  	_ =	shalt  }
0x7f: {  	_ =	shalt  }
0x80: {  	_ =	shalt  }
0x81: {  	_ =	shalt  }
0x82: {  	_ =	shalt  }
0x83: {  	_ =	shalt  }
0x84: {  	_ =	shalt  }
0x85: {  	_ =	shalt  }
0x86: {  	_ =	shalt  }
0x87: {  	_ =	shalt  }
.Lfunc_end0:
.L_simem_size_0:
called_computation.1_lowered:
.L_overlay_start_0:
0x88: {  	s2 =	sld [smem:$0x3FD9]  }
0x89: {  	s3 =	sld [smem:$0x3FFE];
	_ =	sdelay $0x1  }
0x8a: {  	s1 =	srdreg.scid  }
0x8b: {  	s0 =	sand.u32 $0x1, s1  }
0x8c: {  	s16 =	sshll.u32 s0, $0xA;
	s2 =	sadd.s32 s3, s2  }
0x8d: {  	s2 =	sadd.s32 s2, s16  }
0x8e: {  	[smem:$0x3FB5] =	sst s2  }
0x8f: {  	_ = 	snop  }
0x90: {  	(tm) =	ssettm $0x1  }
0x91: {  	s17 =	sld [smem:$0x3FFB];
	_ =	sdelay $0x3  }
0x92: {  	_ =	strace s17  }
0x93: {  	s2 =	sld [smem:$0x3FFC];
	_ =	sdelay $0x3  }
0x94: {  	_ =	strace s2  }
0x95: {  	s2 =	sld [smem:$0x3FFD];
	_ =	sdelay $0x3  }
0x96: {  	_ =	strace s2  }
0x97: {  	_ =	strace $0x8FFFFFFF  }
0x98: {  	s18 =	sld [smem:$0x3FDB];
	_ =	sdelay $0x1  }
0x99: {  	s19 =	simm.s32 $_scs_section_size  }
0x9a: {  	s4 =	simm.s32 $_size__tile_overlayer_lowered;
	s5 =	simm.s32 $_tile_overlayer_lowered  }
0x9b: {  	s22 =	simm.s32 $0x1BFF;
	s21 =	sshll.u32 s5, $0x1;
	s2 =	sadd.s32 s19, s18  }
0x9c: {  	s6 =	simm.s32 $0x0;
	s20 =	sshll.u32 s4, $0x1;
	s4 =	sadd.s32 s21, s2  }
0x9d: {  	[timem:s6], [sflag:s22] =	dma.local [hbm:s4], s20  }
0x9e: {  	_ =	swait.ge [sflag:s22], s20  }
0x9f: {  	s3 =	ssub.s32 $0x0, s20;
	[sflag:s22] =	ssyncset.done $0x0  }
0xa0: {  	[sflag:s22] =	ssyncadd.s32 s3;
	_ =	sdelay $0x1  }
0xa1: {  	s23 =	simm.s32 $0x1B8B  }
0xa2: {  	_ =	swait.ge [sflag:s23], $0x1  }
0xa3: {  	[sflag:s23] =	ssyncset.done $0x0  }
0xa4: {  	s25 =	simm.s32 $0x1B8E;
	s24 =	sld [smem:$0x3FFE];
	[sflag:s23] =	ssyncadd.s32 $0xFFFFFFFF  }
0xa5: {  	s26 =	simm.s32 $execute0_lowered;
	[smem:$0x3FD2] =	sst s25  }
0xa6: {  	s4 =	sshll.u32 s26, $0x1;
	_ =	strace $0x80000049;
	[dreg:$0x1] =	wrdreg $0xFFFFFFFF  }
0xa7: {  	s28 =	simm.s32 $_size_execute0_lowered;
	s2 =	sadd.s32 s2, s4;
	[dreg:$0x0] =	wrdreg $0x0  }
0xa8: {  	s4 =	sshll.u32 s28, $0x1;
	[dreg:$0x2] =	wrdreg s2  }
0xa9: {  	[dreg:$0x3] =	wrdreg s4  }
0xaa: {  	[dreg:$0x4] =	wrdreg $0xC0  }
0xab: {  	_ =	task [dreg:s6], $0x5FFFF  }
0xac: {  	[dreg:$0x1] =	wrdreg $0xFFFFFFFF  }
0xad: {  	[dreg:$0x0] =	wrdreg $0x60  }
0xae: {  	[dreg:$0x2] =	wrdreg s24  }
0xaf: {  	[dreg:$0x3] =	wrdreg $0xA8000  }
0xb0: {  	[dreg:$0x4] =	wrdreg $0x9  }
0xb1: {  	_ =	task.clear_ibuf [dreg:s6], $0x5FFFF;
	_ =	strace $0x90000049  }
0xb2: {  	s29 =	simm.s32 $0x9;
	_ =	strace $0x8000004B  }
0xb3: {  	_ =	swait.ge [sflag:s29], $0x1  }
0xb4: {  	[sflag:s29] =	ssyncadd.s32 $0xFFFFFFFF  }
0xb5: {  	_ =	strace $0x9000004B  }
0xb6: {  	_ =	sfence  }
0xb7: {  	s30 =	sld [smem:$0x0];
	_ =	sdelay $0x2  }
0xb8: {  	s31 =	sshll.u32 s1, $0xD;
	s1 =	sshrl.u32 s1, $0x2  }
0xb9: {  	s3 =	sand.u32 $0x4000, s31;
	s1 =	sadd.s32 s1, s30  }
0xba: {  	s0 =	sor.u32 s3, s0;
	s1 =	sshll.u32 s1, $0x11  }
0xbb: {  	s0 =	sor.u32 s1, s0  }
0xbc: {  	s0 =	sadd.s32 $0x8F2B, s0  }
0xbd: {  	[sflag:s0] =	ssyncadd.remote.s32 $0x1  }
0xbe: {  	_ =	sfence.sel $0xFFFF  }
0xbf: {  	[dreg:$0x0] =	wrdreg $0xFFFFFFFF;
	(pc) =	sbr.abs _section_cstart, $3  }
0xc0: {  	[dreg:$0x1] =	wrdreg $0xFFFFFFFF  }
0xc1: {  	_ =	task.clear_ibuf [dreg:s6], $0x2FFFF;
	_ =	strace $0x9FFFFFFF  }
0xc2: {  	(tm) =	ssettm $0x7FFFFFFF  }
0xc3: {  	_ =	shalt  }
tec
execute0_lowered:
.L_overlay_start_1:
0x0: {  	(tag) =	ssettag $0x1  }
0x1: {  	s5 =	rddreg [dreg:$0x0]  }
0x2: {  	s1 =	rddreg [dreg:$0x1]  }
0x3: {  	s0 =	rddreg [dreg:$0x2];
	s3 =	simm.s32 $0x0  }
0x4: {  	s4 =	srdreg.scid;
	s2 =	stileid.u32;
	s15 =	simm.s32 $0x2800  }
0x5: {  	s18 =	simm.s32 $0x1;
	s19 =	simm.s32 $0x80;
	s20 =	simm.s32 $0x6800  }
0x6: {  	s21 =	simm.s32 $0x2;
	s22 =	simm.s32 $0x1480;
	s23 =	simm.s32 $0x3  }
0x7: {  	s24 =	simm.s32 $0x100;
	s25 =	simm.s32 $0x4;
	[smem:$0x7FF] =	sst s3  }
0x8: {  	s6 =	sand.u32 $0x1, s4;
	s4 =	sadd.s32 $0x35800, s5;
	s7 =	smul.u32 $0x2780, s2  }
0x9: {  	s9 =	sadd.s32 $0x85000, s5;
	s11 =	sadd.s32 $0x4000, s5;
	s26 =	smul.u32 $0x4F000, s2  }
0xa: {  	s16 =	sshll.u32 s2, $0x6;
	_ =	strace $0x8000004A;
	s8 =	sshll.u32 s6, $0x4  }
0xb: {  	s10 =	smul.u32 $0x27800, s6;
	s6 =	ssub.s32 $0x2, s6;
	s16 =	sor.u32 $0x1C05, s16  }
0xc: {  	s8 =	sor.u32 s2, s8;
	s12 =	sadd.s32 s7, s5;
	s28 =	sshrl.u32 s6, $0x1  }
0xd: {  	s30 =	sshrl.u32 s26, $0x2;
	s26 =	simm.s32 $0x0;
	s8 =	smul.u32 $0x2800, s8  }
0xe: {  	s7 =	sadd.s32 s7, s10;
	s14 =	ssub.s32 s6, s28;
	s17 =	sadd.s32 s30, s1  }
.Ltmp0:
0xf: {  	s13 =	sadd.s32 s7, s5;
	s7 =	sadd.s32 $0xE000, s12;
	(pc) =	sbr.rel .LBB2_1-.Ltmp0, $4  }
0x10: {  	s12 =	simm.s32 $0x5;
	s17 =	sshrl.u32 s17, $0x3;
	s29 =	sshrl.u32 s8, $0x3  }
0x11: {  	s10 =	sadd.s32 $0x8F000, s13;
	s13 =	simm.s32 $0x1400;
	s31 =	sadd.s32 $0x280, s29  }
0x12: {  	s5 =	sadd.s32 s9, s29;
	s6 =	sadd.s32 s11, s29;
	s8 =	sadd.s32 s9, s31  }
0x13: {  	s9 =	sadd.s32 s11, s31;
	s11 =	smax.u32 s14, $0x1;
	s14 =	simm.s32 $0x7D  }
.LBB2_7:
0x14: {  	_ =	swait.ge [sflag:s25], $0x3E80  }
0x15: {  	s26 =	sadd.s32 $0x1, s26;
	[sflag:s25] =	ssyncset.done $0x0  }
0x16: {  	p0 =	sne.s32 s26, s11;
	[sflag:s25] =	ssyncadd.s32 $0xFFFFC180  }
.Ltmp1:
0x17: {  	[bflag:$0x0] =	sbarrier.arrive $0xFFFF;
	(pc) =	sbr.rel @!p0 .LBB2_8-.Ltmp1, $4  }
0x18: {  	[hbm:s10], [sflag:s16] =	dma.local [spmem:s17], $0x2780  }
0x19: {  	_ =	swait.ge [sflag:s12], $0x2780  }
0x1a: {  	[sflag:s12] =	ssyncset.done $0x0  }
0x1b: {  	[sflag:s12] =	ssyncadd.s32 $0xFFFFD880  }
.LBB2_1:
0x1c: {  	[tilespmem:s3], [sflag:$0x5] =	stream.linear.gather [hbm4b:s5+s3], $0x1400, $0x38;
	[tilespmem:$0x1E400] =	vst v63  }
0x1d: {  	_ =	swait.ge [sflag:s12], $0x1400  }
0x1e: {  	[sflag:s12] =	ssyncset.done $0x0  }
0x1f: {  	[sflag:s12] =	ssyncadd.s32 $0xFFFFEC00  }
0x20: {  	[tilespmem:s13], [sflag:$0x5] =	stream.linear.gather [hbm4b:s6+s3], $0x1400, $0x38;
	[tilespmem:$0x1E400] =	vst v63  }
0x21: {  	_ =	swait.ge [sflag:s12], $0x1400  }
0x22: {  	[sflag:s12] =	ssyncset.done $0x0  }
0x23: {  	[sflag:s12] =	ssyncadd.s32 $0xFFFFEC00  }
0x24: {  	[tilespmem:s15], [sflag:$0x1] =	stream.indirect.gather [hbm4b:s4+s14], $0x80, s3, s14, $0xb8;
	[tilespmem:$0x1E400] =	vst v63  }
0x25: {  	[spmem:s17], [sflag:s16] =	dma.local [hbm:s7], $0x2780  }
0x26: {  	_ =	swait.ge [sflag:s12], $0x2780  }
0x27: {  	[sflag:s12] =	ssyncset.done $0x0  }
0x28: {  	[sflag:s12] =	ssyncadd.s32 $0xFFFFD880  }
0x29: {  	[bflag:$0x0] =	sbarrier.arrive $0xFFFF  }
0x2a: {  	_ =	swait.ge [sflag:s18], $0x3E80  }
0x2b: {  	[sflag:s18] =	ssyncset.done $0x0  }
0x2c: {  	[sflag:s18] =	ssyncadd.s32 $0xFFFFC180  }
0x2d: {  	[spmem:s1] =	stream.indirect.scatter.add.f32 [tilespmem:s15], [sflag:$0x3], $0x80, s13, s14, $0xb8;
	[tilespmem:$0x1E400] =	vst v63  }
0x2e: {  	_ = 	snop  }
0x2f: {  	[tilespmem:s20], [sflag:$0x2] =	stream.indirect.gather [hbm4b:s4+s14], $0x80, s19, s14, $0xb8;
	[tilespmem:$0x1E400] =	vst v63  }
0x30: {  	_ =	swait.ge [sflag:s21], $0x3E80  }
0x31: {  	[sflag:s21] =	ssyncset.done $0x0  }
0x32: {  	[sflag:s21] =	ssyncadd.s32 $0xFFFFC180  }
0x33: {  	[spmem:s1] =	stream.indirect.scatter.add.f32 [tilespmem:s20], [sflag:$0x4], $0x80, s22, s14, $0xb8;
	[tilespmem:$0x1E400] =	vst v63  }
0x34: {  	_ =	swait.ge [sflag:s23], $0x3E80  }
0x35: {  	[sflag:s23] =	ssyncset.done $0x0  }
0x36: {  	s28 =	simm.s32 $0xFFFFB800;
	[sflag:s23] =	ssyncadd.s32 $0xFFFFC180  }
0x37: {  	[tilespmem:s15], [sflag:$0x1] =	stream.indirect.gather [hbm4b:s4+s14], $0x80, s24, s14, $0xb8;
	[tilespmem:$0x1E400] =	vst v63  }
.LBB2_2:
0x38: {  	_ =	swait.ge [sflag:s18], $0x3E80  }
0x39: {  	s29 =	sshra.s32 s28, $0x2;
	[sflag:s18] =	ssyncset.done $0x0  }
0x3a: {  	s30 =	sadd.s32 $0x2700, s29;
	[sflag:s18] =	ssyncadd.s32 $0xFFFFC180  }
0x3b: {  	[spmem:s1] =	stream.indirect.scatter.add.f32 [tilespmem:s15], [sflag:$0x3], $0x80, s30, s14, $0xb8;
	[tilespmem:$0x1E400] =	vst v63  }
0x3c: {  	_ =	swait.ge [sflag:s25], $0x3E80  }
0x3d: {  	[sflag:s25] =	ssyncset.done $0x0  }
0x3e: {  	s31 =	sadd.s32 $0x1380, s29;
	[sflag:s25] =	ssyncadd.s32 $0xFFFFC180  }
0x3f: {  	[tilespmem:s20], [sflag:$0x2] =	stream.indirect.gather [hbm4b:s4+s14], $0x80, s31, s14, $0xb8;
	[tilespmem:$0x1E400] =	vst v63  }
0x40: {  	_ =	swait.ge [sflag:s21], $0x3E80  }
0x41: {  	p0 =	seq.s32 s28, $0x0;
	[sflag:s21] =	ssyncset.done $0x0  }
.Ltmp2:
0x42: {  	s31 =	sadd.s32 $0x2780, s29;
	[sflag:s21] =	ssyncadd.s32 $0xFFFFC180;
	(pc) =	sbr.rel @p0 .LBB2_4-.Ltmp2, $4  }
0x43: {  	[spmem:s1] =	stream.indirect.scatter.add.f32 [tilespmem:s20], [sflag:$0x4], $0x80, s31, s14, $0xb8;
	[tilespmem:$0x1E400] =	vst v63  }
0x44: {  	_ =	swait.ge [sflag:s23], $0x3E80  }
0x45: {  	[sflag:s23] =	ssyncset.done $0x0  }
0x46: {  	[sflag:s23] =	ssyncadd.s32 $0xFFFFC180  }
.Ltmp3:
0x47: {  	(pc) =	sbr.rel .LBB2_2-.Ltmp3, $3  }
0x48: {  	_ =	sdelay $0x1  }
0x49: {  	s29 =	sadd.s32 $0x1400, s29;
	s28 =	sadd.s32 $0x400, s28  }
0x4a: {  	[tilespmem:s15], [sflag:$0x1] =	stream.indirect.gather [hbm4b:s4+s14], $0x80, s29, s14, $0xb8;
	[tilespmem:$0x1E400] =	vst v63  }
.LBB2_4:
0x4b: {  	_ =	swait.ge [sflag:s25], $0x3E80  }
0x4c: {  	[sflag:s25] =	ssyncset.done $0x0  }
0x4d: {  	[sflag:s25] =	ssyncadd.s32 $0xFFFFC180  }
0x4e: {  	[tilespmem:s3], [sflag:$0x5] =	stream.linear.gather [hbm4b:s8+s3], $0x1400, $0x38;
	[tilespmem:$0x1E400] =	vst v63  }
0x4f: {  	_ =	swait.ge [sflag:s12], $0x1400  }
0x50: {  	[sflag:s12] =	ssyncset.done $0x0  }
0x51: {  	[sflag:s12] =	ssyncadd.s32 $0xFFFFEC00  }
0x52: {  	[tilespmem:s13], [sflag:$0x5] =	stream.linear.gather [hbm4b:s9+s3], $0x1400, $0x38;
	[tilespmem:$0x1E400] =	vst v63  }
0x53: {  	_ =	swait.ge [sflag:s12], $0x1400  }
0x54: {  	[sflag:s12] =	ssyncset.done $0x0  }
0x55: {  	[sflag:s12] =	ssyncadd.s32 $0xFFFFEC00  }
0x56: {  	[tilespmem:s15], [sflag:$0x1] =	stream.indirect.gather [hbm4b:s4+s14], $0x80, s3, s14, $0xb8;
	[tilespmem:$0x1E400] =	vst v63  }
0x57: {  	_ =	swait.ge [sflag:s18], $0x3E80  }
0x58: {  	[sflag:s18] =	ssyncset.done $0x0  }
0x59: {  	[sflag:s18] =	ssyncadd.s32 $0xFFFFC180  }
0x5a: {  	[spmem:s1] =	stream.indirect.scatter.add.f32 [tilespmem:s15], [sflag:$0x3], $0x80, s13, s14, $0xb8;
	[tilespmem:$0x1E400] =	vst v63  }
0x5b: {  	_ = 	snop  }
0x5c: {  	[tilespmem:s20], [sflag:$0x2] =	stream.indirect.gather [hbm4b:s4+s14], $0x80, s19, s14, $0xb8;
	[tilespmem:$0x1E400] =	vst v63  }
0x5d: {  	_ =	swait.ge [sflag:s21], $0x3E80  }
0x5e: {  	[sflag:s21] =	ssyncset.done $0x0  }
0x5f: {  	[sflag:s21] =	ssyncadd.s32 $0xFFFFC180  }
0x60: {  	[spmem:s1] =	stream.indirect.scatter.add.f32 [tilespmem:s20], [sflag:$0x4], $0x80, s22, s14, $0xb8;
	[tilespmem:$0x1E400] =	vst v63  }
0x61: {  	_ =	swait.ge [sflag:s23], $0x3E80  }
0x62: {  	[sflag:s23] =	ssyncset.done $0x0  }
0x63: {  	s28 =	simm.s32 $0xFFFFB800;
	[sflag:s23] =	ssyncadd.s32 $0xFFFFC180  }
0x64: {  	[tilespmem:s15], [sflag:$0x1] =	stream.indirect.gather [hbm4b:s4+s14], $0x80, s24, s14, $0xb8;
	[tilespmem:$0x1E400] =	vst v63  }
.LBB2_5:
0x65: {  	_ =	swait.ge [sflag:s18], $0x3E80  }
0x66: {  	s29 =	sshra.s32 s28, $0x2;
	[sflag:s18] =	ssyncset.done $0x0  }
0x67: {  	s30 =	sadd.s32 $0x2700, s29;
	[sflag:s18] =	ssyncadd.s32 $0xFFFFC180  }
0x68: {  	[spmem:s1] =	stream.indirect.scatter.add.f32 [tilespmem:s15], [sflag:$0x3], $0x80, s30, s14, $0xb8;
	[tilespmem:$0x1E400] =	vst v63  }
0x69: {  	_ =	swait.ge [sflag:s25], $0x3E80  }
0x6a: {  	[sflag:s25] =	ssyncset.done $0x0  }
0x6b: {  	s31 =	sadd.s32 $0x1380, s29;
	[sflag:s25] =	ssyncadd.s32 $0xFFFFC180  }
0x6c: {  	[tilespmem:s20], [sflag:$0x2] =	stream.indirect.gather [hbm4b:s4+s14], $0x80, s31, s14, $0xb8;
	[tilespmem:$0x1E400] =	vst v63  }
0x6d: {  	_ =	swait.ge [sflag:s21], $0x3E80  }
0x6e: {  	p0 =	seq.s32 s28, $0x0;
	[sflag:s21] =	ssyncset.done $0x0  }
.Ltmp4:
0x6f: {  	s31 =	sadd.s32 $0x2780, s29;
	[sflag:s21] =	ssyncadd.s32 $0xFFFFC180;
	(pc) =	sbr.rel @p0 .LBB2_7-.Ltmp4, $4  }
0x70: {  	[spmem:s1] =	stream.indirect.scatter.add.f32 [tilespmem:s20], [sflag:$0x4], $0x80, s31, s14, $0xb8;
	[tilespmem:$0x1E400] =	vst v63  }
0x71: {  	_ =	swait.ge [sflag:s23], $0x3E80  }
0x72: {  	[sflag:s23] =	ssyncset.done $0x0  }
0x73: {  	[sflag:s23] =	ssyncadd.s32 $0xFFFFC180  }
.Ltmp5:
0x74: {  	(pc) =	sbr.rel .LBB2_5-.Ltmp5, $3  }
0x75: {  	_ =	sdelay $0x1  }
0x76: {  	s29 =	sadd.s32 $0x1400, s29;
	s28 =	sadd.s32 $0x400, s28  }
0x77: {  	[tilespmem:s15], [sflag:$0x1] =	stream.indirect.gather [hbm4b:s4+s14], $0x80, s29, s14, $0xb8;
	[tilespmem:$0x1E400] =	vst v63  }
.LBB2_8:
0x78: {  	_ =	sfence.sel $0x180000  }
0x79: {  	[bflag:$0x0] =	sbarrier.arrive $0xFFFF  }
0x7a: {  	p0 =	sne.s32 s2, $0x0;
	_ =	strace $0x9000004A  }
0x7b: {  	s0 =	sadd.s32 @!p0 $0x100000, s0;
	[bflag:$0x2] =	sbarrier.arrive $0xFFFF  }
0x7c: {  	[sflag:s0] =	ssyncadd.tile.s32 @!p0 $0x1;
	_ =	shalt  }
.Lfunc_end2:
_tile_overlayer_lowered:
.L_overlay_start_2:
0x7d: {  	(tag) =	ssettag $0x2  }
0x7e: {  	s0 =	rddreg [dreg:$0x0];
	s2 =	stileid.u32  }
0x7f: {  	s1 =	rddreg [dreg:$0x1];
	p0 =	sne.s32 s2, $0x0  }
0x80: {  	s3 =	rddreg [dreg:$0x2];
	[bflag:$0x3] =	sbarrier.arrive $0xFFFF;
	s2 =	simm.s32 @!p0 $0x1C05  }
0x81: {  	[timem:s3], [sflag:s2] =	dma.local @!p0 [hbm:s0], s1  }
0x82: {  	s0 =	simm.s32 @!p0 $0x5  }
0x83: {  	_ =	swait.ge @!p0 [sflag:s0], s1  }
0x84: {  	s1 =	ssub.s32 @!p0 $0x0, s1;
	[sflag:s0] =	ssyncset.done @!p0 $0x0  }
0x85: {  	[sflag:s0] =	ssyncadd.s32 @!p0 s1  }
0x86: {  	[bflag:$0x3] =	sbarrier.arrive $0xFFFF  }
0x87: {  	_ =	shalt  }

// kernel: kernel.16.cloned.1.call-start
scs
__scs_entry_jumppad:
0x0: {  	(pc) =	sbr.rel $0x88, $3  }
0x1: {  	(tag) =	ssettag $0x0;
	lr =	simm.s32 $0x1  }
0x2: {  	[smem:$0x3F8E] =	sst lr;
	_ =	strace $0xD0000000  }
0x3: {  	_ = 	snop  }
0x4: {  	_ = 	snop  }
0x5: {  	_ = 	snop  }
0x6: {  	_ = 	snop  }
0x7: {  	_ = 	snop  }
__scs_overlays_trampoline_lowered:
0x8: {  	[smem:$0x3F9D] =	sst s0  }
0x9: {  	[smem:$0x3F9E] =	sst s1  }
0xa: {  	[smem:$0x3F9F] =	sst s2  }
0xb: {  	[smem:$0x3FA0] =	sst s3  }
0xc: {  	[smem:$0x3FA1] =	sst s4  }
0xd: {  	[smem:$0x3FA2] =	sst s5  }
0xe: {  	[smem:$0x3FA3] =	sst s6  }
0xf: {  	[smem:$0x3FA4] =	sst s7  }
0x10: {  	[smem:$0x3FA5] =	sst s8  }
0x11: {  	[smem:$0x3FA6] =	sst s9;
	s0 =	simm.s32 @!p0 $0x0  }
0x12: {  	s1 =	sld [smem:$0x3F8C];
	s0 =	simm.s32 @p0 $0x1  }
0x13: {  	[smem:$0x3FA7] =	sst s0;
	s0 =	simm.s32 @!p1 $0x0  }
0x14: {  	s2 =	sld [smem:$0x3F8B];
	s0 =	simm.s32 @p1 $0x1  }
0x15: {  	[smem:$0x3FA8] =	sst s0;
	s0 =	simm.s32 @!p2 $0x0  }
0x16: {  	s3 =	sld [smem:$0x3FDB];
	s0 =	simm.s32 @p2 $0x1  }
0x17: {  	s4 =	simm.s32 $0x1BF5;
	[smem:$0x3FAA] =	sst s0  }
0x18: {  	s0 =	sld [smem:$0x3F8D];
	_ =	swait.ge [sflag:s4], $0x0  }
0x19: {  	s7 =	sld [smem:$0x3F8E]  }
0x1a: {  	s8 =	sadd.s32 $0xFFFFE003, lr  }
0x1b: {  	s9 =	sadd.s32 $0xFFFFFEF7, lr;
	s5 =	simm.s32 $0xFFFFFFFF;
	p2 =	slt.u32 s8, $0xFFFFF086  }
0x1c: {  	p1 =	slt.u32 s9, $0xF7A;
	s5 =	simm.s32 @!p2 $0x0  }
0x1d: {  	s5 =	simm.s32 @p1 $0x1;
	p0 =	seq.s32 s7, s2  }
0x1e: {  	s7 =	smul.u32 @!p0 $0xF7A, s2;
	p2 =	seq.s32 @!p0 s5, $0x0  }
0x1f: {  	s9 =	smul.u32 $0xF7A, s1;
	s8 =	simm.s32 @!p0 $0x1BF5;
	p2 =	por !p2, p0  }
0x20: {  	[sflag:s8] =	ssyncset.s32 @!p0 $0xFFFFF086;
	s6 =	sadd.s32 @!p0 s3, s7;
	s7 =	simm.s32 @!p0 $0x108  }
0x21: {  	s3 =	sadd.s32 s3, s9;
	s6 =	sadd.s32 @!p0 $0x88, s6;
	s7 =	simm.s32 @p2 $0x1082  }
0x22: {  	[simem:s7], [sflag:s8] =	dma.local @!p0 [hbm:s6], $0xF7A  }
0x23: {  	s9 =	sor.u32 $0xD0000000, s2;
	s6 =	simm.s32 $0x108;
	_ =	swait.ge @!p0 [sflag:s8], $0x0  }
0x24: {  	s3 =	sadd.s32 $0x88, s3;
	s6 =	simm.s32 @!p1 $0x1082;
	[sflag:s4] =	ssyncset.s32 $0xFFFFF086  }
0x25: {  	[simem:s6], [sflag:s4] =	dma.local [hbm:s3], $0xF7A  }
0x26: {  	[smem:$0x3F8E] =	sst s1;
	(tag) =	ssettag s2;
	_ =	strace s9  }
0x27: {  	s1 =	sld [smem:$0x3F9E]  }
0x28: {  	s2 =	sld [smem:$0x3F9F]  }
0x29: {  	s4 =	sld [smem:$0x3FA1]  }
0x2a: {  	p0 =	seq.s32 s5, $0x0;
	s5 =	sld [smem:$0x3FA2]  }
0x2b: {  	s6 =	sld [smem:$0x3FA3]  }
0x2c: {  	s7 =	sld [smem:$0x3FA4]  }
0x2d: {  	s3 =	simm.s32 $0x108;
	s8 =	sld [smem:$0x3FA5]  }
0x2e: {  	s3 =	simm.s32 @!p0 $0x1082;
	s9 =	sld [smem:$0x3FA6]  }
0x2f: {  	lr =	sadd.s32 s0, s3;
	s0 =	sld [smem:$0x3F9D]  }
0x30: {  	s3 =	sld [smem:$0x3FA0]  }
0x31: {  	[smem:$0x3FA9] =	sst s10  }
0x32: {  	s10 =	sld [smem:$0x3FA7];
	_ =	sdelay $0x3  }
0x33: {  	p0 =	seq.s32 s10, $0x1;
	s10 =	sld [smem:$0x3FA9];
	_ =	sdelay $0x3  }
0x34: {  	[smem:$0x3FA9] =	sst s10  }
0x35: {  	s10 =	sld [smem:$0x3FA8];
	_ =	sdelay $0x3  }
0x36: {  	p1 =	seq.s32 s10, $0x1;
	s10 =	sld [smem:$0x3FA9];
	_ =	sdelay $0x3  }
0x37: {  	[smem:$0x3FA9] =	sst s10  }
0x38: {  	s10 =	sld [smem:$0x3FAA]  }
0x39: {  	_ = 	snop;
	(pc) =	sbr.ind lr, $3  }
0x3a: {  	_ = 	snop  }
0x3b: {  	_ = 	snop  }
0x3c: {  	p2 =	seq.s32 s10, $0x1;
	s10 =	sld [smem:$0x3FA9]  }
0x3d: {  	_ =	shalt  }
0x3e: {  	_ =	shalt  }
0x3f: {  	_ =	shalt  }
0x40: {  	_ =	shalt  }
0x41: {  	_ =	shalt  }
0x42: {  	_ =	shalt  }
0x43: {  	_ =	shalt  }
0x44: {  	_ =	shalt  }
0x45: {  	_ =	shalt  }
0x46: {  	_ =	shalt  }
0x47: {  	_ =	shalt  }
0x48: {  	_ =	shalt  }
0x49: {  	_ =	shalt  }
0x4a: {  	_ =	shalt  }
0x4b: {  	_ =	shalt  }
0x4c: {  	_ =	shalt  }
0x4d: {  	_ =	shalt  }
0x4e: {  	_ =	shalt  }
0x4f: {  	_ =	shalt  }
0x50: {  	_ =	shalt  }
0x51: {  	_ =	shalt  }
0x52: {  	_ =	shalt  }
0x53: {  	_ =	shalt  }
0x54: {  	_ =	shalt  }
0x55: {  	_ =	shalt  }
0x56: {  	_ =	shalt  }
0x57: {  	_ =	shalt  }
0x58: {  	_ =	shalt  }
0x59: {  	_ =	shalt  }
0x5a: {  	_ =	shalt  }
0x5b: {  	_ =	shalt  }
0x5c: {  	_ =	shalt  }
0x5d: {  	_ =	shalt  }
0x5e: {  	_ =	shalt  }
0x5f: {  	_ =	shalt  }
0x60: {  	_ =	shalt  }
0x61: {  	_ =	shalt  }
0x62: {  	_ =	shalt  }
0x63: {  	_ =	shalt  }
0x64: {  	_ =	shalt  }
0x65: {  	_ =	shalt  }
0x66: {  	_ =	shalt  }
0x67: {  	_ =	shalt  }
0x68: {  	_ =	shalt  }
0x69: {  	_ =	shalt  }
0x6a: {  	_ =	shalt  }
0x6b: {  	_ =	shalt  }
0x6c: {  	_ =	shalt  }
0x6d: {  	_ =	shalt  }
0x6e: {  	_ =	shalt  }
0x6f: {  	_ =	shalt  }
0x70: {  	_ =	shalt  }
0x71: {  	_ =	shalt  }
0x72: {  	_ =	shalt  }
0x73: {  	_ =	shalt  }
0x74: {  	_ =	shalt  }
0x75: {  	_ =	shalt  }
0x76: {  	_ =	shalt  }
0x77: {  	_ =	shalt  }
0x78: {  	_ =	shalt  }
0x79: {  	_ =	shalt  }
0x7a: {  	_ =	shalt  }
0x7b: {  	_ =	shalt  }
0x7c: {  	_ =	shalt  }
0x7d: {  	_ =	shalt  }
0x7e: {  	_ =	shalt  }
0x7f: {  	_ =	shalt  }
0x80: {  	_ =	shalt  }
0x81: {  	_ =	shalt  }
0x82: {  	_ =	shalt  }
0x83: {  	_ =	shalt  }
0x84: {  	_ =	shalt  }
0x85: {  	_ =	shalt  }
0x86: {  	_ =	shalt  }
0x87: {  	_ =	shalt  }
.Lfunc_end0:
.L_simem_size_0:
called_computation.2_lowered:
.L_overlay_start_0:
0x88: {  	s2 =	sld [smem:$0x3FD9]  }
0x89: {  	s3 =	sld [smem:$0x3FFE];
	_ =	sdelay $0x1  }
0x8a: {  	s1 =	srdreg.scid  }
0x8b: {  	s0 =	sand.u32 $0x1, s1  }
0x8c: {  	s16 =	sshll.u32 s0, $0xA;
	s2 =	sadd.s32 s3, s2  }
0x8d: {  	s2 =	sadd.s32 s2, s16  }
0x8e: {  	[smem:$0x3FB5] =	sst s2  }
0x8f: {  	_ = 	snop  }
0x90: {  	(tm) =	ssettm $0x1  }
0x91: {  	s17 =	sld [smem:$0x3FFB];
	_ =	sdelay $0x3  }
0x92: {  	_ =	strace s17  }
0x93: {  	s2 =	sld [smem:$0x3FFC];
	_ =	sdelay $0x3  }
0x94: {  	_ =	strace s2  }
0x95: {  	s2 =	sld [smem:$0x3FFD];
	_ =	sdelay $0x3  }
0x96: {  	_ =	strace s2  }
0x97: {  	_ =	strace $0x8FFFFFFF  }
0x98: {  	s18 =	sld [smem:$0x3FDB];
	_ =	sdelay $0x1  }
0x99: {  	s19 =	simm.s32 $_scs_section_size  }
0x9a: {  	s4 =	simm.s32 $_size__tile_overlayer_lowered;
	s5 =	simm.s32 $_tile_overlayer_lowered  }
0x9b: {  	s22 =	simm.s32 $0x1BFF;
	s21 =	sshll.u32 s5, $0x1;
	s2 =	sadd.s32 s19, s18  }
0x9c: {  	s6 =	simm.s32 $0x0;
	s20 =	sshll.u32 s4, $0x1;
	s4 =	sadd.s32 s21, s2  }
0x9d: {  	[timem:s6], [sflag:s22] =	dma.local [hbm:s4], s20  }
0x9e: {  	_ =	swait.ge [sflag:s22], s20  }
0x9f: {  	s3 =	ssub.s32 $0x0, s20;
	[sflag:s22] =	ssyncset.done $0x0  }
0xa0: {  	[sflag:s22] =	ssyncadd.s32 s3;
	_ =	sdelay $0x1  }
0xa1: {  	s23 =	simm.s32 $0x1B8B  }
0xa2: {  	_ =	swait.ge [sflag:s23], $0x1  }
0xa3: {  	[sflag:s23] =	ssyncset.done $0x0  }
0xa4: {  	s25 =	simm.s32 $0x1B8E;
	s24 =	sld [smem:$0x3FFE];
	[sflag:s23] =	ssyncadd.s32 $0xFFFFFFFF  }
0xa5: {  	s26 =	simm.s32 $execute0_lowered;
	[smem:$0x3FD2] =	sst s25  }
0xa6: {  	s4 =	sshll.u32 s26, $0x1;
	_ =	strace $0x8000004C;
	[dreg:$0x1] =	wrdreg $0xFFFFFFFF  }
0xa7: {  	s28 =	simm.s32 $_size_execute0_lowered;
	s2 =	sadd.s32 s2, s4;
	[dreg:$0x0] =	wrdreg $0x0  }
0xa8: {  	s4 =	sshll.u32 s28, $0x1;
	[dreg:$0x2] =	wrdreg s2  }
0xa9: {  	[dreg:$0x3] =	wrdreg s4  }
0xaa: {  	[dreg:$0x4] =	wrdreg $0xC0  }
0xab: {  	_ =	task [dreg:s6], $0x5FFFF  }
0xac: {  	[dreg:$0x1] =	wrdreg $0xFFFFFFFF  }
0xad: {  	[dreg:$0x0] =	wrdreg $0x60  }
0xae: {  	[dreg:$0x2] =	wrdreg s24  }
0xaf: {  	[dreg:$0x3] =	wrdreg $0xA8000  }
0xb0: {  	[dreg:$0x4] =	wrdreg $0x9  }
0xb1: {  	_ =	task.clear_ibuf [dreg:s6], $0x5FFFF;
	_ =	strace $0x9000004C  }
0xb2: {  	s29 =	simm.s32 $0x9;
	_ =	strace $0x8000004E  }
0xb3: {  	_ =	swait.ge [sflag:s29], $0x1  }
0xb4: {  	[sflag:s29] =	ssyncadd.s32 $0xFFFFFFFF  }
0xb5: {  	_ =	strace $0x9000004E  }
0xb6: {  	_ =	sfence  }
0xb7: {  	s30 =	sld [smem:$0x0];
	_ =	sdelay $0x2  }
0xb8: {  	s31 =	sshll.u32 s1, $0xD;
	s1 =	sshrl.u32 s1, $0x2  }
0xb9: {  	s3 =	sand.u32 $0x4000, s31;
	s1 =	sadd.s32 s1, s30  }
0xba: {  	s0 =	sor.u32 s3, s0;
	s1 =	sshll.u32 s1, $0x11  }
0xbb: {  	s0 =	sor.u32 s1, s0  }
0xbc: {  	s0 =	sadd.s32 $0x8F2B, s0  }
0xbd: {  	[sflag:s0] =	ssyncadd.remote.s32 $0x1  }
0xbe: {  	_ =	sfence.sel $0xFFFF  }
0xbf: {  	[dreg:$0x0] =	wrdreg $0xFFFFFFFF;
	(pc) =	sbr.abs _section_cstart, $3  }
0xc0: {  	[dreg:$0x1] =	wrdreg $0xFFFFFFFF  }
0xc1: {  	_ =	task.clear_ibuf [dreg:s6], $0x2FFFF;
	_ =	strace $0x9FFFFFFF  }
0xc2: {  	(tm) =	ssettm $0x7FFFFFFF  }
0xc3: {  	_ =	shalt  }
tec
execute0_lowered:
.L_overlay_start_1:
0x0: {  	(tag) =	ssettag $0x1  }
0x1: {  	s5 =	rddreg [dreg:$0x0]  }
0x2: {  	s1 =	rddreg [dreg:$0x1]  }
0x3: {  	s0 =	rddreg [dreg:$0x2];
	s3 =	simm.s32 $0x0  }
0x4: {  	s4 =	srdreg.scid;
	s2 =	stileid.u32;
	s15 =	simm.s32 $0x2800  }
0x5: {  	s18 =	simm.s32 $0x1;
	s19 =	simm.s32 $0x80;
	s20 =	simm.s32 $0x6800  }
0x6: {  	s21 =	simm.s32 $0x2;
	s22 =	simm.s32 $0x1480;
	s23 =	simm.s32 $0x3  }
0x7: {  	s24 =	simm.s32 $0x100;
	s25 =	simm.s32 $0x4;
	[smem:$0x7FF] =	sst s3  }
0x8: {  	s6 =	sand.u32 $0x1, s4;
	s4 =	sadd.s32 $0x35800, s5;
	s7 =	smul.u32 $0x2780, s2  }
0x9: {  	s9 =	sadd.s32 $0x85000, s5;
	s11 =	sadd.s32 $0x4000, s5;
	s26 =	smul.u32 $0x4F000, s2  }
0xa: {  	s16 =	sshll.u32 s2, $0x6;
	_ =	strace $0x8000004D;
	s8 =	sshll.u32 s6, $0x4  }
0xb: {  	s10 =	smul.u32 $0x27800, s6;
	s6 =	ssub.s32 $0x2, s6;
	s16 =	sor.u32 $0x1C05, s16  }
0xc: {  	s8 =	sor.u32 s2, s8;
	s12 =	sadd.s32 s7, s5;
	s28 =	sshrl.u32 s6, $0x1  }
0xd: {  	s30 =	sshrl.u32 s26, $0x2;
	s26 =	simm.s32 $0x0;
	s8 =	smul.u32 $0x2800, s8  }
0xe: {  	s7 =	sadd.s32 s7, s10;
	s14 =	ssub.s32 s6, s28;
	s17 =	sadd.s32 s30, s1  }
.Ltmp0:
0xf: {  	s13 =	sadd.s32 s7, s5;
	s7 =	sadd.s32 $0xE000, s12;
	(pc) =	sbr.rel .LBB2_1-.Ltmp0, $4  }
0x10: {  	s12 =	simm.s32 $0x5;
	s17 =	sshrl.u32 s17, $0x3;
	s29 =	sshrl.u32 s8, $0x3  }
0x11: {  	s10 =	sadd.s32 $0x8F000, s13;
	s13 =	simm.s32 $0x1400;
	s31 =	sadd.s32 $0x280, s29  }
0x12: {  	s5 =	sadd.s32 s9, s29;
	s6 =	sadd.s32 s11, s29;
	s8 =	sadd.s32 s9, s31  }
0x13: {  	s9 =	sadd.s32 s11, s31;
	s11 =	smax.u32 s14, $0x1;
	s14 =	simm.s32 $0x7D  }
.LBB2_7:
0x14: {  	_ =	swait.ge [sflag:s25], $0x3E80  }
0x15: {  	s26 =	sadd.s32 $0x1, s26;
	[sflag:s25] =	ssyncset.done $0x0  }
0x16: {  	p0 =	sne.s32 s26, s11;
	[sflag:s25] =	ssyncadd.s32 $0xFFFFC180  }
.Ltmp1:
0x17: {  	[bflag:$0x0] =	sbarrier.arrive $0xFFFF;
	(pc) =	sbr.rel @!p0 .LBB2_8-.Ltmp1, $4  }
0x18: {  	[hbm:s10], [sflag:s16] =	dma.local [spmem:s17], $0x2780  }
0x19: {  	_ =	swait.ge [sflag:s12], $0x2780  }
0x1a: {  	[sflag:s12] =	ssyncset.done $0x0  }
0x1b: {  	[sflag:s12] =	ssyncadd.s32 $0xFFFFD880  }
.LBB2_1:
0x1c: {  	[tilespmem:s3], [sflag:$0x5] =	stream.linear.gather [hbm4b:s5+s3], $0x1400, $0x38;
	[tilespmem:$0x1E400] =	vst v63  }
0x1d: {  	_ =	swait.ge [sflag:s12], $0x1400  }
0x1e: {  	[sflag:s12] =	ssyncset.done $0x0  }
0x1f: {  	[sflag:s12] =	ssyncadd.s32 $0xFFFFEC00  }
0x20: {  	[tilespmem:s13], [sflag:$0x5] =	stream.linear.gather [hbm4b:s6+s3], $0x1400, $0x38;
	[tilespmem:$0x1E400] =	vst v63  }
0x21: {  	_ =	swait.ge [sflag:s12], $0x1400  }
0x22: {  	[sflag:s12] =	ssyncset.done $0x0  }
0x23: {  	[sflag:s12] =	ssyncadd.s32 $0xFFFFEC00  }
0x24: {  	[tilespmem:s15], [sflag:$0x1] =	stream.indirect.gather [hbm4b:s4+s14], $0x80, s3, s14, $0xb8;
	[tilespmem:$0x1E400] =	vst v63  }
0x25: {  	[spmem:s17], [sflag:s16] =	dma.local [hbm:s7], $0x2780  }
0x26: {  	_ =	swait.ge [sflag:s12], $0x2780  }
0x27: {  	[sflag:s12] =	ssyncset.done $0x0  }
0x28: {  	[sflag:s12] =	ssyncadd.s32 $0xFFFFD880  }
0x29: {  	[bflag:$0x0] =	sbarrier.arrive $0xFFFF  }
0x2a: {  	_ =	swait.ge [sflag:s18], $0x3E80  }
0x2b: {  	[sflag:s18] =	ssyncset.done $0x0  }
0x2c: {  	[sflag:s18] =	ssyncadd.s32 $0xFFFFC180  }
0x2d: {  	[spmem:s1] =	stream.indirect.scatter.add.f32 [tilespmem:s15], [sflag:$0x3], $0x80, s13, s14, $0xb8;
	[tilespmem:$0x1E400] =	vst v63  }
0x2e: {  	_ = 	snop  }
0x2f: {  	[tilespmem:s20], [sflag:$0x2] =	stream.indirect.gather [hbm4b:s4+s14], $0x80, s19, s14, $0xb8;
	[tilespmem:$0x1E400] =	vst v63  }
0x30: {  	_ =	swait.ge [sflag:s21], $0x3E80  }
0x31: {  	[sflag:s21] =	ssyncset.done $0x0  }
0x32: {  	[sflag:s21] =	ssyncadd.s32 $0xFFFFC180  }
0x33: {  	[spmem:s1] =	stream.indirect.scatter.add.f32 [tilespmem:s20], [sflag:$0x4], $0x80, s22, s14, $0xb8;
	[tilespmem:$0x1E400] =	vst v63  }
0x34: {  	_ =	swait.ge [sflag:s23], $0x3E80  }
0x35: {  	[sflag:s23] =	ssyncset.done $0x0  }
0x36: {  	s28 =	simm.s32 $0xFFFFB800;
	[sflag:s23] =	ssyncadd.s32 $0xFFFFC180  }
0x37: {  	[tilespmem:s15], [sflag:$0x1] =	stream.indirect.gather [hbm4b:s4+s14], $0x80, s24, s14, $0xb8;
	[tilespmem:$0x1E400] =	vst v63  }
.LBB2_2:
0x38: {  	_ =	swait.ge [sflag:s18], $0x3E80  }
0x39: {  	s29 =	sshra.s32 s28, $0x2;
	[sflag:s18] =	ssyncset.done $0x0  }
0x3a: {  	s30 =	sadd.s32 $0x2700, s29;
	[sflag:s18] =	ssyncadd.s32 $0xFFFFC180  }
0x3b: {  	[spmem:s1] =	stream.indirect.scatter.add.f32 [tilespmem:s15], [sflag:$0x3], $0x80, s30, s14, $0xb8;
	[tilespmem:$0x1E400] =	vst v63  }
0x3c: {  	_ =	swait.ge [sflag:s25], $0x3E80  }
0x3d: {  	[sflag:s25] =	ssyncset.done $0x0  }
0x3e: {  	s31 =	sadd.s32 $0x1380, s29;
	[sflag:s25] =	ssyncadd.s32 $0xFFFFC180  }
0x3f: {  	[tilespmem:s20], [sflag:$0x2] =	stream.indirect.gather [hbm4b:s4+s14], $0x80, s31, s14, $0xb8;
	[tilespmem:$0x1E400] =	vst v63  }
0x40: {  	_ =	swait.ge [sflag:s21], $0x3E80  }
0x41: {  	p0 =	seq.s32 s28, $0x0;
	[sflag:s21] =	ssyncset.done $0x0  }
.Ltmp2:
0x42: {  	s31 =	sadd.s32 $0x2780, s29;
	[sflag:s21] =	ssyncadd.s32 $0xFFFFC180;
	(pc) =	sbr.rel @p0 .LBB2_4-.Ltmp2, $4  }
0x43: {  	[spmem:s1] =	stream.indirect.scatter.add.f32 [tilespmem:s20], [sflag:$0x4], $0x80, s31, s14, $0xb8;
	[tilespmem:$0x1E400] =	vst v63  }
0x44: {  	_ =	swait.ge [sflag:s23], $0x3E80  }
0x45: {  	[sflag:s23] =	ssyncset.done $0x0  }
0x46: {  	[sflag:s23] =	ssyncadd.s32 $0xFFFFC180  }
.Ltmp3:
0x47: {  	(pc) =	sbr.rel .LBB2_2-.Ltmp3, $3  }
0x48: {  	_ =	sdelay $0x1  }
0x49: {  	s29 =	sadd.s32 $0x1400, s29;
	s28 =	sadd.s32 $0x400, s28  }
0x4a: {  	[tilespmem:s15], [sflag:$0x1] =	stream.indirect.gather [hbm4b:s4+s14], $0x80, s29, s14, $0xb8;
	[tilespmem:$0x1E400] =	vst v63  }
.LBB2_4:
0x4b: {  	_ =	swait.ge [sflag:s25], $0x3E80  }
0x4c: {  	[sflag:s25] =	ssyncset.done $0x0  }
0x4d: {  	[sflag:s25] =	ssyncadd.s32 $0xFFFFC180  }
0x4e: {  	[tilespmem:s3], [sflag:$0x5] =	stream.linear.gather [hbm4b:s8+s3], $0x1400, $0x38;
	[tilespmem:$0x1E400] =	vst v63  }
0x4f: {  	_ =	swait.ge [sflag:s12], $0x1400  }
0x50: {  	[sflag:s12] =	ssyncset.done $0x0  }
0x51: {  	[sflag:s12] =	ssyncadd.s32 $0xFFFFEC00  }
0x52: {  	[tilespmem:s13], [sflag:$0x5] =	stream.linear.gather [hbm4b:s9+s3], $0x1400, $0x38;
	[tilespmem:$0x1E400] =	vst v63  }
0x53: {  	_ =	swait.ge [sflag:s12], $0x1400  }
0x54: {  	[sflag:s12] =	ssyncset.done $0x0  }
0x55: {  	[sflag:s12] =	ssyncadd.s32 $0xFFFFEC00  }
0x56: {  	[tilespmem:s15], [sflag:$0x1] =	stream.indirect.gather [hbm4b:s4+s14], $0x80, s3, s14, $0xb8;
	[tilespmem:$0x1E400] =	vst v63  }
0x57: {  	_ =	swait.ge [sflag:s18], $0x3E80  }
0x58: {  	[sflag:s18] =	ssyncset.done $0x0  }
0x59: {  	[sflag:s18] =	ssyncadd.s32 $0xFFFFC180  }
0x5a: {  	[spmem:s1] =	stream.indirect.scatter.add.f32 [tilespmem:s15], [sflag:$0x3], $0x80, s13, s14, $0xb8;
	[tilespmem:$0x1E400] =	vst v63  }
0x5b: {  	_ = 	snop  }
0x5c: {  	[tilespmem:s20], [sflag:$0x2] =	stream.indirect.gather [hbm4b:s4+s14], $0x80, s19, s14, $0xb8;
	[tilespmem:$0x1E400] =	vst v63  }
0x5d: {  	_ =	swait.ge [sflag:s21], $0x3E80  }
0x5e: {  	[sflag:s21] =	ssyncset.done $0x0  }
0x5f: {  	[sflag:s21] =	ssyncadd.s32 $0xFFFFC180  }
0x60: {  	[spmem:s1] =	stream.indirect.scatter.add.f32 [tilespmem:s20], [sflag:$0x4], $0x80, s22, s14, $0xb8;
	[tilespmem:$0x1E400] =	vst v63  }
0x61: {  	_ =	swait.ge [sflag:s23], $0x3E80  }
0x62: {  	[sflag:s23] =	ssyncset.done $0x0  }
0x63: {  	s28 =	simm.s32 $0xFFFFB800;
	[sflag:s23] =	ssyncadd.s32 $0xFFFFC180  }
0x64: {  	[tilespmem:s15], [sflag:$0x1] =	stream.indirect.gather [hbm4b:s4+s14], $0x80, s24, s14, $0xb8;
	[tilespmem:$0x1E400] =	vst v63  }
.LBB2_5:
0x65: {  	_ =	swait.ge [sflag:s18], $0x3E80  }
0x66: {  	s29 =	sshra.s32 s28, $0x2;
	[sflag:s18] =	ssyncset.done $0x0  }
0x67: {  	s30 =	sadd.s32 $0x2700, s29;
	[sflag:s18] =	ssyncadd.s32 $0xFFFFC180  }
0x68: {  	[spmem:s1] =	stream.indirect.scatter.add.f32 [tilespmem:s15], [sflag:$0x3], $0x80, s30, s14, $0xb8;
	[tilespmem:$0x1E400] =	vst v63  }
0x69: {  	_ =	swait.ge [sflag:s25], $0x3E80  }
0x6a: {  	[sflag:s25] =	ssyncset.done $0x0  }
0x6b: {  	s31 =	sadd.s32 $0x1380, s29;
	[sflag:s25] =	ssyncadd.s32 $0xFFFFC180  }
0x6c: {  	[tilespmem:s20], [sflag:$0x2] =	stream.indirect.gather [hbm4b:s4+s14], $0x80, s31, s14, $0xb8;
	[tilespmem:$0x1E400] =	vst v63  }
0x6d: {  	_ =	swait.ge [sflag:s21], $0x3E80  }
0x6e: {  	p0 =	seq.s32 s28, $0x0;
	[sflag:s21] =	ssyncset.done $0x0  }
.Ltmp4:
0x6f: {  	s31 =	sadd.s32 $0x2780, s29;
	[sflag:s21] =	ssyncadd.s32 $0xFFFFC180;
	(pc) =	sbr.rel @p0 .LBB2_7-.Ltmp4, $4  }
0x70: {  	[spmem:s1] =	stream.indirect.scatter.add.f32 [tilespmem:s20], [sflag:$0x4], $0x80, s31, s14, $0xb8;
	[tilespmem:$0x1E400] =	vst v63  }
0x71: {  	_ =	swait.ge [sflag:s23], $0x3E80  }
0x72: {  	[sflag:s23] =	ssyncset.done $0x0  }
0x73: {  	[sflag:s23] =	ssyncadd.s32 $0xFFFFC180  }
.Ltmp5:
0x74: {  	(pc) =	sbr.rel .LBB2_5-.Ltmp5, $3  }
0x75: {  	_ =	sdelay $0x1  }
0x76: {  	s29 =	sadd.s32 $0x1400, s29;
	s28 =	sadd.s32 $0x400, s28  }
0x77: {  	[tilespmem:s15], [sflag:$0x1] =	stream.indirect.gather [hbm4b:s4+s14], $0x80, s29, s14, $0xb8;
	[tilespmem:$0x1E400] =	vst v63  }
.LBB2_8:
0x78: {  	_ =	sfence.sel $0x180000  }
0x79: {  	[bflag:$0x0] =	sbarrier.arrive $0xFFFF  }
0x7a: {  	p0 =	sne.s32 s2, $0x0;
	_ =	strace $0x9000004D  }
0x7b: {  	s0 =	sadd.s32 @!p0 $0x100000, s0;
	[bflag:$0x2] =	sbarrier.arrive $0xFFFF  }
0x7c: {  	[sflag:s0] =	ssyncadd.tile.s32 @!p0 $0x1;
	_ =	shalt  }
.Lfunc_end2:
_tile_overlayer_lowered:
.L_overlay_start_2:
0x7d: {  	(tag) =	ssettag $0x2  }
0x7e: {  	s0 =	rddreg [dreg:$0x0];
	s2 =	stileid.u32  }
0x7f: {  	s1 =	rddreg [dreg:$0x1];
	p0 =	sne.s32 s2, $0x0  }
0x80: {  	s3 =	rddreg [dreg:$0x2];
	[bflag:$0x3] =	sbarrier.arrive $0xFFFF;
	s2 =	simm.s32 @!p0 $0x1C05  }
0x81: {  	[timem:s3], [sflag:s2] =	dma.local @!p0 [hbm:s0], s1  }
0x82: {  	s0 =	simm.s32 @!p0 $0x5  }
0x83: {  	_ =	swait.ge @!p0 [sflag:s0], s1  }
0x84: {  	s1 =	ssub.s32 @!p0 $0x0, s1;
	[sflag:s0] =	ssyncset.done @!p0 $0x0  }
0x85: {  	[sflag:s0] =	ssyncadd.s32 @!p0 s1  }
0x86: {  	[bflag:$0x3] =	sbarrier.arrive $0xFFFF  }
0x87: {  	_ =	shalt  }

// kernel: kernel.19.cloned.1.call-start
scs
__scs_entry_jumppad:
0x0: {  	(pc) =	sbr.rel $0x88, $3  }
0x1: {  	(tag) =	ssettag $0x0;
	lr =	simm.s32 $0x1  }
0x2: {  	[smem:$0x3F8E] =	sst lr;
	_ =	strace $0xD0000000  }
0x3: {  	_ = 	snop  }
0x4: {  	_ = 	snop  }
0x5: {  	_ = 	snop  }
0x6: {  	_ = 	snop  }
0x7: {  	_ = 	snop  }
__scs_overlays_trampoline_lowered:
0x8: {  	[smem:$0x3F9D] =	sst s0  }
0x9: {  	[smem:$0x3F9E] =	sst s1  }
0xa: {  	[smem:$0x3F9F] =	sst s2  }
0xb: {  	[smem:$0x3FA0] =	sst s3  }
0xc: {  	[smem:$0x3FA1] =	sst s4  }
0xd: {  	[smem:$0x3FA2] =	sst s5  }
0xe: {  	[smem:$0x3FA3] =	sst s6  }
0xf: {  	[smem:$0x3FA4] =	sst s7  }
0x10: {  	[smem:$0x3FA5] =	sst s8  }
0x11: {  	[smem:$0x3FA6] =	sst s9;
	s0 =	simm.s32 @!p0 $0x0  }
0x12: {  	s1 =	sld [smem:$0x3F8C];
	s0 =	simm.s32 @p0 $0x1  }
0x13: {  	[smem:$0x3FA7] =	sst s0;
	s0 =	simm.s32 @!p1 $0x0  }
0x14: {  	s2 =	sld [smem:$0x3F8B];
	s0 =	simm.s32 @p1 $0x1  }
0x15: {  	[smem:$0x3FA8] =	sst s0;
	s0 =	simm.s32 @!p2 $0x0  }
0x16: {  	s3 =	sld [smem:$0x3FDB];
	s0 =	simm.s32 @p2 $0x1  }
0x17: {  	s4 =	simm.s32 $0x1BF5;
	[smem:$0x3FAA] =	sst s0  }
0x18: {  	s0 =	sld [smem:$0x3F8D];
	_ =	swait.ge [sflag:s4], $0x0  }
0x19: {  	s7 =	sld [smem:$0x3F8E]  }
0x1a: {  	s8 =	sadd.s32 $0xFFFFE003, lr  }
0x1b: {  	s9 =	sadd.s32 $0xFFFFFEF7, lr;
	s5 =	simm.s32 $0xFFFFFFFF;
	p2 =	slt.u32 s8, $0xFFFFF086  }
0x1c: {  	p1 =	slt.u32 s9, $0xF7A;
	s5 =	simm.s32 @!p2 $0x0  }
0x1d: {  	s5 =	simm.s32 @p1 $0x1;
	p0 =	seq.s32 s7, s2  }
0x1e: {  	s7 =	smul.u32 @!p0 $0xF7A, s2;
	p2 =	seq.s32 @!p0 s5, $0x0  }
0x1f: {  	s9 =	smul.u32 $0xF7A, s1;
	s8 =	simm.s32 @!p0 $0x1BF5;
	p2 =	por !p2, p0  }
0x20: {  	[sflag:s8] =	ssyncset.s32 @!p0 $0xFFFFF086;
	s6 =	sadd.s32 @!p0 s3, s7;
	s7 =	simm.s32 @!p0 $0x108  }
0x21: {  	s3 =	sadd.s32 s3, s9;
	s6 =	sadd.s32 @!p0 $0x88, s6;
	s7 =	simm.s32 @p2 $0x1082  }
0x22: {  	[simem:s7], [sflag:s8] =	dma.local @!p0 [hbm:s6], $0xF7A  }
0x23: {  	s9 =	sor.u32 $0xD0000000, s2;
	s6 =	simm.s32 $0x108;
	_ =	swait.ge @!p0 [sflag:s8], $0x0  }
0x24: {  	s3 =	sadd.s32 $0x88, s3;
	s6 =	simm.s32 @!p1 $0x1082;
	[sflag:s4] =	ssyncset.s32 $0xFFFFF086  }
0x25: {  	[simem:s6], [sflag:s4] =	dma.local [hbm:s3], $0xF7A  }
0x26: {  	[smem:$0x3F8E] =	sst s1;
	(tag) =	ssettag s2;
	_ =	strace s9  }
0x27: {  	s1 =	sld [smem:$0x3F9E]  }
0x28: {  	s2 =	sld [smem:$0x3F9F]  }
0x29: {  	s4 =	sld [smem:$0x3FA1]  }
0x2a: {  	p0 =	seq.s32 s5, $0x0;
	s5 =	sld [smem:$0x3FA2]  }
0x2b: {  	s6 =	sld [smem:$0x3FA3]  }
0x2c: {  	s7 =	sld [smem:$0x3FA4]  }
0x2d: {  	s3 =	simm.s32 $0x108;
	s8 =	sld [smem:$0x3FA5]  }
0x2e: {  	s3 =	simm.s32 @!p0 $0x1082;
	s9 =	sld [smem:$0x3FA6]  }
0x2f: {  	lr =	sadd.s32 s0, s3;
	s0 =	sld [smem:$0x3F9D]  }
0x30: {  	s3 =	sld [smem:$0x3FA0]  }
0x31: {  	[smem:$0x3FA9] =	sst s10  }
0x32: {  	s10 =	sld [smem:$0x3FA7];
	_ =	sdelay $0x3  }
0x33: {  	p0 =	seq.s32 s10, $0x1;
	s10 =	sld [smem:$0x3FA9];
	_ =	sdelay $0x3  }
0x34: {  	[smem:$0x3FA9] =	sst s10  }
0x35: {  	s10 =	sld [smem:$0x3FA8];
	_ =	sdelay $0x3  }
0x36: {  	p1 =	seq.s32 s10, $0x1;
	s10 =	sld [smem:$0x3FA9];
	_ =	sdelay $0x3  }
0x37: {  	[smem:$0x3FA9] =	sst s10  }
0x38: {  	s10 =	sld [smem:$0x3FAA]  }
0x39: {  	_ = 	snop;
	(pc) =	sbr.ind lr, $3  }
0x3a: {  	_ = 	snop  }
0x3b: {  	_ = 	snop  }
0x3c: {  	p2 =	seq.s32 s10, $0x1;
	s10 =	sld [smem:$0x3FA9]  }
0x3d: {  	_ =	shalt  }
0x3e: {  	_ =	shalt  }
0x3f: {  	_ =	shalt  }
0x40: {  	_ =	shalt  }
0x41: {  	_ =	shalt  }
0x42: {  	_ =	shalt  }
0x43: {  	_ =	shalt  }
0x44: {  	_ =	shalt  }
0x45: {  	_ =	shalt  }
0x46: {  	_ =	shalt  }
0x47: {  	_ =	shalt  }
0x48: {  	_ =	shalt  }
0x49: {  	_ =	shalt  }
0x4a: {  	_ =	shalt  }
0x4b: {  	_ =	shalt  }
0x4c: {  	_ =	shalt  }
0x4d: {  	_ =	shalt  }
0x4e: {  	_ =	shalt  }
0x4f: {  	_ =	shalt  }
0x50: {  	_ =	shalt  }
0x51: {  	_ =	shalt  }
0x52: {  	_ =	shalt  }
0x53: {  	_ =	shalt  }
0x54: {  	_ =	shalt  }
0x55: {  	_ =	shalt  }
0x56: {  	_ =	shalt  }
0x57: {  	_ =	shalt  }
0x58: {  	_ =	shalt  }
0x59: {  	_ =	shalt  }
0x5a: {  	_ =	shalt  }
0x5b: {  	_ =	shalt  }
0x5c: {  	_ =	shalt  }
0x5d: {  	_ =	shalt  }
0x5e: {  	_ =	shalt  }
0x5f: {  	_ =	shalt  }
0x60: {  	_ =	shalt  }
0x61: {  	_ =	shalt  }
0x62: {  	_ =	shalt  }
0x63: {  	_ =	shalt  }
0x64: {  	_ =	shalt  }
0x65: {  	_ =	shalt  }
0x66: {  	_ =	shalt  }
0x67: {  	_ =	shalt  }
0x68: {  	_ =	shalt  }
0x69: {  	_ =	shalt  }
0x6a: {  	_ =	shalt  }
0x6b: {  	_ =	shalt  }
0x6c: {  	_ =	shalt  }
0x6d: {  	_ =	shalt  }
0x6e: {  	_ =	shalt  }
0x6f: {  	_ =	shalt  }
0x70: {  	_ =	shalt  }
0x71: {  	_ =	shalt  }
0x72: {  	_ =	shalt  }
0x73: {  	_ =	shalt  }
0x74: {  	_ =	shalt  }
0x75: {  	_ =	shalt  }
0x76: {  	_ =	shalt  }
0x77: {  	_ =	shalt  }
0x78: {  	_ =	shalt  }
0x79: {  	_ =	shalt  }
0x7a: {  	_ =	shalt  }
0x7b: {  	_ =	shalt  }
0x7c: {  	_ =	shalt  }
0x7d: {  	_ =	shalt  }
0x7e: {  	_ =	shalt  }
0x7f: {  	_ =	shalt  }
0x80: {  	_ =	shalt  }
0x81: {  	_ =	shalt  }
0x82: {  	_ =	shalt  }
0x83: {  	_ =	shalt  }
0x84: {  	_ =	shalt  }
0x85: {  	_ =	shalt  }
0x86: {  	_ =	shalt  }
0x87: {  	_ =	shalt  }
.Lfunc_end0:
.L_simem_size_0:
called_computation.3_lowered:
.L_overlay_start_0:
0x88: {  	s2 =	sld [smem:$0x3FD9]  }
0x89: {  	s3 =	sld [smem:$0x3FFE];
	_ =	sdelay $0x1  }
0x8a: {  	s1 =	srdreg.scid  }
0x8b: {  	s0 =	sand.u32 $0x1, s1  }
0x8c: {  	s16 =	sshll.u32 s0, $0xA;
	s2 =	sadd.s32 s3, s2  }
0x8d: {  	s2 =	sadd.s32 s2, s16  }
0x8e: {  	[smem:$0x3FB5] =	sst s2  }
0x8f: {  	_ = 	snop  }
0x90: {  	(tm) =	ssettm $0x1  }
0x91: {  	s17 =	sld [smem:$0x3FFB];
	_ =	sdelay $0x3  }
0x92: {  	_ =	strace s17  }
0x93: {  	s2 =	sld [smem:$0x3FFC];
	_ =	sdelay $0x3  }
0x94: {  	_ =	strace s2  }
0x95: {  	s2 =	sld [smem:$0x3FFD];
	_ =	sdelay $0x3  }
0x96: {  	_ =	strace s2  }
0x97: {  	_ =	strace $0x8FFFFFFF  }
0x98: {  	s18 =	sld [smem:$0x3FDB];
	_ =	sdelay $0x1  }
0x99: {  	s19 =	simm.s32 $_scs_section_size  }
0x9a: {  	s4 =	simm.s32 $_size__tile_overlayer_lowered;
	s5 =	simm.s32 $_tile_overlayer_lowered  }
0x9b: {  	s22 =	simm.s32 $0x1BFF;
	s21 =	sshll.u32 s5, $0x1;
	s2 =	sadd.s32 s19, s18  }
0x9c: {  	s6 =	simm.s32 $0x0;
	s20 =	sshll.u32 s4, $0x1;
	s4 =	sadd.s32 s21, s2  }
0x9d: {  	[timem:s6], [sflag:s22] =	dma.local [hbm:s4], s20  }
0x9e: {  	_ =	swait.ge [sflag:s22], s20  }
0x9f: {  	s3 =	ssub.s32 $0x0, s20;
	[sflag:s22] =	ssyncset.done $0x0  }
0xa0: {  	[sflag:s22] =	ssyncadd.s32 s3;
	_ =	sdelay $0x1  }
0xa1: {  	s23 =	simm.s32 $0x1B8B  }
0xa2: {  	_ =	swait.ge [sflag:s23], $0x1  }
0xa3: {  	[sflag:s23] =	ssyncset.done $0x0  }
0xa4: {  	s25 =	simm.s32 $0x1B8E;
	s24 =	sld [smem:$0x3FFE];
	[sflag:s23] =	ssyncadd.s32 $0xFFFFFFFF  }
0xa5: {  	s26 =	simm.s32 $execute0_lowered;
	[smem:$0x3FD2] =	sst s25  }
0xa6: {  	s4 =	sshll.u32 s26, $0x1;
	_ =	strace $0x8000004F;
	[dreg:$0x1] =	wrdreg $0xFFFFFFFF  }
0xa7: {  	s28 =	simm.s32 $_size_execute0_lowered;
	s2 =	sadd.s32 s2, s4;
	[dreg:$0x0] =	wrdreg $0x0  }
0xa8: {  	s4 =	sshll.u32 s28, $0x1;
	[dreg:$0x2] =	wrdreg s2  }
0xa9: {  	[dreg:$0x3] =	wrdreg s4  }
0xaa: {  	[dreg:$0x4] =	wrdreg $0xC0  }
0xab: {  	_ =	task [dreg:s6], $0x5FFFF  }
0xac: {  	[dreg:$0x1] =	wrdreg $0xFFFFFFFF  }
0xad: {  	[dreg:$0x0] =	wrdreg $0x60  }
0xae: {  	[dreg:$0x2] =	wrdreg s24  }
0xaf: {  	[dreg:$0x3] =	wrdreg $0xA8000  }
0xb0: {  	[dreg:$0x4] =	wrdreg $0x9  }
0xb1: {  	_ =	task.clear_ibuf [dreg:s6], $0x5FFFF;
	_ =	strace $0x9000004F  }
0xb2: {  	s29 =	simm.s32 $0x9;
	_ =	strace $0x80000051  }
0xb3: {  	_ =	swait.ge [sflag:s29], $0x1  }
0xb4: {  	[sflag:s29] =	ssyncadd.s32 $0xFFFFFFFF  }
0xb5: {  	_ =	strace $0x90000051  }
0xb6: {  	_ =	sfence  }
0xb7: {  	s30 =	sld [smem:$0x0];
	_ =	sdelay $0x2  }
0xb8: {  	s31 =	sshll.u32 s1, $0xD;
	s1 =	sshrl.u32 s1, $0x2  }
0xb9: {  	s3 =	sand.u32 $0x4000, s31;
	s1 =	sadd.s32 s1, s30  }
0xba: {  	s0 =	sor.u32 s3, s0;
	s1 =	sshll.u32 s1, $0x11  }
0xbb: {  	s0 =	sor.u32 s1, s0  }
0xbc: {  	s0 =	sadd.s32 $0x8F2B, s0  }
0xbd: {  	[sflag:s0] =	ssyncadd.remote.s32 $0x1  }
0xbe: {  	_ =	sfence.sel $0xFFFF  }
0xbf: {  	[dreg:$0x0] =	wrdreg $0xFFFFFFFF;
	(pc) =	sbr.abs _section_cstart, $3  }
0xc0: {  	[dreg:$0x1] =	wrdreg $0xFFFFFFFF  }
0xc1: {  	_ =	task.clear_ibuf [dreg:s6], $0x2FFFF;
	_ =	strace $0x9FFFFFFF  }
0xc2: {  	(tm) =	ssettm $0x7FFFFFFF  }
0xc3: {  	_ =	shalt  }
tec
execute0_lowered:
.L_overlay_start_1:
0x0: {  	(tag) =	ssettag $0x1  }
0x1: {  	s5 =	rddreg [dreg:$0x0]  }
0x2: {  	s1 =	rddreg [dreg:$0x1]  }
0x3: {  	s0 =	rddreg [dreg:$0x2];
	s3 =	simm.s32 $0x0  }
0x4: {  	s4 =	srdreg.scid;
	s2 =	stileid.u32;
	s15 =	simm.s32 $0x2800  }
0x5: {  	s18 =	simm.s32 $0x1;
	s19 =	simm.s32 $0x80;
	s20 =	simm.s32 $0x6800  }
0x6: {  	s21 =	simm.s32 $0x2;
	s22 =	simm.s32 $0x1480;
	s23 =	simm.s32 $0x3  }
0x7: {  	s24 =	simm.s32 $0x100;
	s25 =	simm.s32 $0x4;
	[smem:$0x7FF] =	sst s3  }
0x8: {  	s6 =	sand.u32 $0x1, s4;
	s4 =	sadd.s32 $0x35800, s5;
	s7 =	smul.u32 $0x2780, s2  }
0x9: {  	s9 =	sadd.s32 $0x85000, s5;
	s11 =	sadd.s32 $0x4000, s5;
	s26 =	smul.u32 $0x4F000, s2  }
0xa: {  	s16 =	sshll.u32 s2, $0x6;
	_ =	strace $0x80000050;
	s8 =	sshll.u32 s6, $0x4  }
0xb: {  	s10 =	smul.u32 $0x27800, s6;
	s6 =	ssub.s32 $0x2, s6;
	s16 =	sor.u32 $0x1C05, s16  }
0xc: {  	s8 =	sor.u32 s2, s8;
	s12 =	sadd.s32 s7, s5;
	s28 =	sshrl.u32 s6, $0x1  }
0xd: {  	s30 =	sshrl.u32 s26, $0x2;
	s26 =	simm.s32 $0x0;
	s8 =	smul.u32 $0x2800, s8  }
0xe: {  	s7 =	sadd.s32 s7, s10;
	s14 =	ssub.s32 s6, s28;
	s17 =	sadd.s32 s30, s1  }
.Ltmp0:
0xf: {  	s13 =	sadd.s32 s7, s5;
	s7 =	sadd.s32 $0xE000, s12;
	(pc) =	sbr.rel .LBB2_1-.Ltmp0, $4  }
0x10: {  	s12 =	simm.s32 $0x5;
	s17 =	sshrl.u32 s17, $0x3;
	s29 =	sshrl.u32 s8, $0x3  }
0x11: {  	s10 =	sadd.s32 $0x8F000, s13;
	s13 =	simm.s32 $0x1400;
	s31 =	sadd.s32 $0x280, s29  }
0x12: {  	s5 =	sadd.s32 s9, s29;
	s6 =	sadd.s32 s11, s29;
	s8 =	sadd.s32 s9, s31  }
0x13: {  	s9 =	sadd.s32 s11, s31;
	s11 =	smax.u32 s14, $0x1;
	s14 =	simm.s32 $0x7D  }
.LBB2_7:
0x14: {  	_ =	swait.ge [sflag:s25], $0x3E80  }
0x15: {  	s26 =	sadd.s32 $0x1, s26;
	[sflag:s25] =	ssyncset.done $0x0  }
0x16: {  	p0 =	sne.s32 s26, s11;
	[sflag:s25] =	ssyncadd.s32 $0xFFFFC180  }
.Ltmp1:
0x17: {  	[bflag:$0x0] =	sbarrier.arrive $0xFFFF;
	(pc) =	sbr.rel @!p0 .LBB2_8-.Ltmp1, $4  }
0x18: {  	[hbm:s10], [sflag:s16] =	dma.local [spmem:s17], $0x2780  }
0x19: {  	_ =	swait.ge [sflag:s12], $0x2780  }
0x1a: {  	[sflag:s12] =	ssyncset.done $0x0  }
0x1b: {  	[sflag:s12] =	ssyncadd.s32 $0xFFFFD880  }
.LBB2_1:
0x1c: {  	[tilespmem:s3], [sflag:$0x5] =	stream.linear.gather [hbm4b:s5+s3], $0x1400, $0x38;
	[tilespmem:$0x1E400] =	vst v63  }
0x1d: {  	_ =	swait.ge [sflag:s12], $0x1400  }
0x1e: {  	[sflag:s12] =	ssyncset.done $0x0  }
0x1f: {  	[sflag:s12] =	ssyncadd.s32 $0xFFFFEC00  }
0x20: {  	[tilespmem:s13], [sflag:$0x5] =	stream.linear.gather [hbm4b:s6+s3], $0x1400, $0x38;
	[tilespmem:$0x1E400] =	vst v63  }
0x21: {  	_ =	swait.ge [sflag:s12], $0x1400  }
0x22: {  	[sflag:s12] =	ssyncset.done $0x0  }
0x23: {  	[sflag:s12] =	ssyncadd.s32 $0xFFFFEC00  }
0x24: {  	[tilespmem:s15], [sflag:$0x1] =	stream.indirect.gather [hbm4b:s4+s14], $0x80, s3, s14, $0xb8;
	[tilespmem:$0x1E400] =	vst v63  }
0x25: {  	[spmem:s17], [sflag:s16] =	dma.local [hbm:s7], $0x2780  }
0x26: {  	_ =	swait.ge [sflag:s12], $0x2780  }
0x27: {  	[sflag:s12] =	ssyncset.done $0x0  }
0x28: {  	[sflag:s12] =	ssyncadd.s32 $0xFFFFD880  }
0x29: {  	[bflag:$0x0] =	sbarrier.arrive $0xFFFF  }
0x2a: {  	_ =	swait.ge [sflag:s18], $0x3E80  }
0x2b: {  	[sflag:s18] =	ssyncset.done $0x0  }
0x2c: {  	[sflag:s18] =	ssyncadd.s32 $0xFFFFC180  }
0x2d: {  	[spmem:s1] =	stream.indirect.scatter.add.f32 [tilespmem:s15], [sflag:$0x3], $0x80, s13, s14, $0xb8;
	[tilespmem:$0x1E400] =	vst v63  }
0x2e: {  	_ = 	snop  }
0x2f: {  	[tilespmem:s20], [sflag:$0x2] =	stream.indirect.gather [hbm4b:s4+s14], $0x80, s19, s14, $0xb8;
	[tilespmem:$0x1E400] =	vst v63  }
0x30: {  	_ =	swait.ge [sflag:s21], $0x3E80  }
0x31: {  	[sflag:s21] =	ssyncset.done $0x0  }
0x32: {  	[sflag:s21] =	ssyncadd.s32 $0xFFFFC180  }
0x33: {  	[spmem:s1] =	stream.indirect.scatter.add.f32 [tilespmem:s20], [sflag:$0x4], $0x80, s22, s14, $0xb8;
	[tilespmem:$0x1E400] =	vst v63  }
0x34: {  	_ =	swait.ge [sflag:s23], $0x3E80  }
0x35: {  	[sflag:s23] =	ssyncset.done $0x0  }
0x36: {  	s28 =	simm.s32 $0xFFFFB800;
	[sflag:s23] =	ssyncadd.s32 $0xFFFFC180  }
0x37: {  	[tilespmem:s15], [sflag:$0x1] =	stream.indirect.gather [hbm4b:s4+s14], $0x80, s24, s14, $0xb8;
	[tilespmem:$0x1E400] =	vst v63  }
.LBB2_2:
0x38: {  	_ =	swait.ge [sflag:s18], $0x3E80  }
0x39: {  	s29 =	sshra.s32 s28, $0x2;
	[sflag:s18] =	ssyncset.done $0x0  }
0x3a: {  	s30 =	sadd.s32 $0x2700, s29;
	[sflag:s18] =	ssyncadd.s32 $0xFFFFC180  }
0x3b: {  	[spmem:s1] =	stream.indirect.scatter.add.f32 [tilespmem:s15], [sflag:$0x3], $0x80, s30, s14, $0xb8;
	[tilespmem:$0x1E400] =	vst v63  }
0x3c: {  	_ =	swait.ge [sflag:s25], $0x3E80  }
0x3d: {  	[sflag:s25] =	ssyncset.done $0x0  }
0x3e: {  	s31 =	sadd.s32 $0x1380, s29;
	[sflag:s25] =	ssyncadd.s32 $0xFFFFC180  }
0x3f: {  	[tilespmem:s20], [sflag:$0x2] =	stream.indirect.gather [hbm4b:s4+s14], $0x80, s31, s14, $0xb8;
	[tilespmem:$0x1E400] =	vst v63  }
0x40: {  	_ =	swait.ge [sflag:s21], $0x3E80  }
0x41: {  	p0 =	seq.s32 s28, $0x0;
	[sflag:s21] =	ssyncset.done $0x0  }
.Ltmp2:
0x42: {  	s31 =	sadd.s32 $0x2780, s29;
	[sflag:s21] =	ssyncadd.s32 $0xFFFFC180;
	(pc) =	sbr.rel @p0 .LBB2_4-.Ltmp2, $4  }
0x43: {  	[spmem:s1] =	stream.indirect.scatter.add.f32 [tilespmem:s20], [sflag:$0x4], $0x80, s31, s14, $0xb8;
	[tilespmem:$0x1E400] =	vst v63  }
0x44: {  	_ =	swait.ge [sflag:s23], $0x3E80  }
0x45: {  	[sflag:s23] =	ssyncset.done $0x0  }
0x46: {  	[sflag:s23] =	ssyncadd.s32 $0xFFFFC180  }
.Ltmp3:
0x47: {  	(pc) =	sbr.rel .LBB2_2-.Ltmp3, $3  }
0x48: {  	_ =	sdelay $0x1  }
0x49: {  	s29 =	sadd.s32 $0x1400, s29;
	s28 =	sadd.s32 $0x400, s28  }
0x4a: {  	[tilespmem:s15], [sflag:$0x1] =	stream.indirect.gather [hbm4b:s4+s14], $0x80, s29, s14, $0xb8;
	[tilespmem:$0x1E400] =	vst v63  }
.LBB2_4:
0x4b: {  	_ =	swait.ge [sflag:s25], $0x3E80  }
0x4c: {  	[sflag:s25] =	ssyncset.done $0x0  }
0x4d: {  	[sflag:s25] =	ssyncadd.s32 $0xFFFFC180  }
0x4e: {  	[tilespmem:s3], [sflag:$0x5] =	stream.linear.gather [hbm4b:s8+s3], $0x1400, $0x38;
	[tilespmem:$0x1E400] =	vst v63  }
0x4f: {  	_ =	swait.ge [sflag:s12], $0x1400  }
0x50: {  	[sflag:s12] =	ssyncset.done $0x0  }
0x51: {  	[sflag:s12] =	ssyncadd.s32 $0xFFFFEC00  }
0x52: {  	[tilespmem:s13], [sflag:$0x5] =	stream.linear.gather [hbm4b:s9+s3], $0x1400, $0x38;
	[tilespmem:$0x1E400] =	vst v63  }
0x53: {  	_ =	swait.ge [sflag:s12], $0x1400  }
0x54: {  	[sflag:s12] =	ssyncset.done $0x0  }
0x55: {  	[sflag:s12] =	ssyncadd.s32 $0xFFFFEC00  }
0x56: {  	[tilespmem:s15], [sflag:$0x1] =	stream.indirect.gather [hbm4b:s4+s14], $0x80, s3, s14, $0xb8;
	[tilespmem:$0x1E400] =	vst v63  }
0x57: {  	_ =	swait.ge [sflag:s18], $0x3E80  }
0x58: {  	[sflag:s18] =	ssyncset.done $0x0  }
0x59: {  	[sflag:s18] =	ssyncadd.s32 $0xFFFFC180  }
0x5a: {  	[spmem:s1] =	stream.indirect.scatter.add.f32 [tilespmem:s15], [sflag:$0x3], $0x80, s13, s14, $0xb8;
	[tilespmem:$0x1E400] =	vst v63  }
0x5b: {  	_ = 	snop  }
0x5c: {  	[tilespmem:s20], [sflag:$0x2] =	stream.indirect.gather [hbm4b:s4+s14], $0x80, s19, s14, $0xb8;
	[tilespmem:$0x1E400] =	vst v63  }
0x5d: {  	_ =	swait.ge [sflag:s21], $0x3E80  }
0x5e: {  	[sflag:s21] =	ssyncset.done $0x0  }
0x5f: {  	[sflag:s21] =	ssyncadd.s32 $0xFFFFC180  }
0x60: {  	[spmem:s1] =	stream.indirect.scatter.add.f32 [tilespmem:s20], [sflag:$0x4], $0x80, s22, s14, $0xb8;
	[tilespmem:$0x1E400] =	vst v63  }
0x61: {  	_ =	swait.ge [sflag:s23], $0x3E80  }
0x62: {  	[sflag:s23] =	ssyncset.done $0x0  }
0x63: {  	s28 =	simm.s32 $0xFFFFB800;
	[sflag:s23] =	ssyncadd.s32 $0xFFFFC180  }
0x64: {  	[tilespmem:s15], [sflag:$0x1] =	stream.indirect.gather [hbm4b:s4+s14], $0x80, s24, s14, $0xb8;
	[tilespmem:$0x1E400] =	vst v63  }
.LBB2_5:
0x65: {  	_ =	swait.ge [sflag:s18], $0x3E80  }
0x66: {  	s29 =	sshra.s32 s28, $0x2;
	[sflag:s18] =	ssyncset.done $0x0  }
0x67: {  	s30 =	sadd.s32 $0x2700, s29;
	[sflag:s18] =	ssyncadd.s32 $0xFFFFC180  }
0x68: {  	[spmem:s1] =	stream.indirect.scatter.add.f32 [tilespmem:s15], [sflag:$0x3], $0x80, s30, s14, $0xb8;
	[tilespmem:$0x1E400] =	vst v63  }
0x69: {  	_ =	swait.ge [sflag:s25], $0x3E80  }
0x6a: {  	[sflag:s25] =	ssyncset.done $0x0  }
0x6b: {  	s31 =	sadd.s32 $0x1380, s29;
	[sflag:s25] =	ssyncadd.s32 $0xFFFFC180  }
0x6c: {  	[tilespmem:s20], [sflag:$0x2] =	stream.indirect.gather [hbm4b:s4+s14], $0x80, s31, s14, $0xb8;
	[tilespmem:$0x1E400] =	vst v63  }
0x6d: {  	_ =	swait.ge [sflag:s21], $0x3E80  }
0x6e: {  	p0 =	seq.s32 s28, $0x0;
	[sflag:s21] =	ssyncset.done $0x0  }
.Ltmp4:
0x6f: {  	s31 =	sadd.s32 $0x2780, s29;
	[sflag:s21] =	ssyncadd.s32 $0xFFFFC180;
	(pc) =	sbr.rel @p0 .LBB2_7-.Ltmp4, $4  }
0x70: {  	[spmem:s1] =	stream.indirect.scatter.add.f32 [tilespmem:s20], [sflag:$0x4], $0x80, s31, s14, $0xb8;
	[tilespmem:$0x1E400] =	vst v63  }
0x71: {  	_ =	swait.ge [sflag:s23], $0x3E80  }
0x72: {  	[sflag:s23] =	ssyncset.done $0x0  }
0x73: {  	[sflag:s23] =	ssyncadd.s32 $0xFFFFC180  }
.Ltmp5:
0x74: {  	(pc) =	sbr.rel .LBB2_5-.Ltmp5, $3  }
0x75: {  	_ =	sdelay $0x1  }
0x76: {  	s29 =	sadd.s32 $0x1400, s29;
	s28 =	sadd.s32 $0x400, s28  }
0x77: {  	[tilespmem:s15], [sflag:$0x1] =	stream.indirect.gather [hbm4b:s4+s14], $0x80, s29, s14, $0xb8;
	[tilespmem:$0x1E400] =	vst v63  }
.LBB2_8:
0x78: {  	_ =	sfence.sel $0x180000  }
0x79: {  	[bflag:$0x0] =	sbarrier.arrive $0xFFFF  }
0x7a: {  	p0 =	sne.s32 s2, $0x0;
	_ =	strace $0x90000050  }
0x7b: {  	s0 =	sadd.s32 @!p0 $0x100000, s0;
	[bflag:$0x2] =	sbarrier.arrive $0xFFFF  }
0x7c: {  	[sflag:s0] =	ssyncadd.tile.s32 @!p0 $0x1;
	_ =	shalt  }
.Lfunc_end2:
_tile_overlayer_lowered:
.L_overlay_start_2:
0x7d: {  	(tag) =	ssettag $0x2  }
0x7e: {  	s0 =	rddreg [dreg:$0x0];
	s2 =	stileid.u32  }
0x7f: {  	s1 =	rddreg [dreg:$0x1];
	p0 =	sne.s32 s2, $0x0  }
0x80: {  	s3 =	rddreg [dreg:$0x2];
	[bflag:$0x3] =	sbarrier.arrive $0xFFFF;
	s2 =	simm.s32 @!p0 $0x1C05  }
0x81: {  	[timem:s3], [sflag:s2] =	dma.local @!p0 [hbm:s0], s1  }
0x82: {  	s0 =	simm.s32 @!p0 $0x5  }
0x83: {  	_ =	swait.ge @!p0 [sflag:s0], s1  }
0x84: {  	s1 =	ssub.s32 @!p0 $0x0, s1;
	[sflag:s0] =	ssyncset.done @!p0 $0x0  }
0x85: {  	[sflag:s0] =	ssyncadd.s32 @!p0 s1  }
0x86: {  	[bflag:$0x3] =	sbarrier.arrive $0xFFFF  }
0x87: {  	_ =	shalt  }

</sc_bundles>
